<compile_context>
chip_gen: v7x
topology: tpu7x:2x2x1
jax: 0.10.2.dev20260603
libtpu: 0.0.44.dev20260713+nightly
codegen_flags: <defaults>
</compile_context>

<pallas_src>
import functools

import jax
import jax.numpy as jnp
from jax import lax
from jax.experimental import pallas as pl
from jax.experimental.pallas import tpu as pltpu
from jax.experimental.pallas import tpu_sc as plsc

F32 = jnp.float32
I32 = jnp.int32
HI = None

N = 10000
G = 16
TILES = 16
CORES = 2
CH = 128
DH = 128
N_ACC = 10240
ROWS_PT = N_ACC // TILES
NBUF = 2
CPT_FEAT = 160
E_PAD = CPT_FEAT * CH * TILES
CPT_EDGE = E_PAD // (CH * TILES * CORES)
BR = 2000


def _sc_agg(tables, src2, dst2, zeros_d, edge_split):
    mesh = plsc.VectorSubcoreMesh(core_axis_name="c", subcore_axis_name="s")
    cpt = CPT_EDGE if edge_split else CPT_FEAT
    ng = cpt // NBUF

    @functools.partial(
        pl.kernel,
        out_type=jax.ShapeDtypeStruct((CORES * N_ACC, DH), F32),
        mesh=mesh,
        scratch_types=[
            pltpu.VMEM((2, NBUF, CH), I32),
            pltpu.VMEM((2, NBUF, CH), I32),
            pltpu.VMEM((NBUF, CH, DH), F32),
            pltpu.VMEM_SHARED((N_ACC, DH), F32),
            pltpu.SemaphoreType.DMA,
            pltpu.SemaphoreType.DMA,
            pltpu.SemaphoreType.DMA,
            pltpu.SemaphoreType.DMA,
        ],
    )
    def k(*refs):
        t_refs = refs[:len(tables)]
        src_hbm, dst_hbm, z_hbm, out_hbm = refs[len(tables):len(tables) + 4]
        srcb, dstb, rows, acc, sem_g0, sem_g1, sem_s, sem_i = refs[len(tables) + 4:]
        sem_g = (sem_g0, sem_g1)
        c = lax.axis_index("c")
        s = lax.axis_index("s")
        r0 = s * ROWS_PT
        pltpu.sync_copy(z_hbm.at[pl.ds(r0, ROWS_PT)], acc.at[pl.ds(r0, ROWS_PT)])
        plsc.subcore_barrier()
        if edge_split:
            base = (c * TILES + s) * cpt
        else:
            base = s * cpt

        def start_gather(table_r, p, b):
            pltpu.async_copy(table_r.at[srcb.at[p, b]], rows.at[b], sem_g[b])

        def wait_gather(table_r, p, b):
            pltpu.make_async_copy(table_r.at[srcb.at[p, b]], rows.at[b],
                                  sem_g[b]).wait()

        pltpu.sync_copy(src_hbm.at[pl.ds(base, NBUF)], srcb.at[0])
        pltpu.sync_copy(dst_hbm.at[pl.ds(base, NBUF)], dstb.at[0])

        def body(g, carry):
            p = lax.rem(g, 2)
            row0 = base + g * NBUF

            @pl.when(g > 0)
            def _():
                for b in range(NBUF):
                    pltpu.make_async_copy(
                        rows.at[b], acc.at[dstb.at[1 - p, b]], sem_s).wait()

            @pl.when(g + 1 < ng)
            def _():
                pltpu.async_copy(src_hbm.at[pl.ds(row0 + NBUF, NBUF)],
                                 srcb.at[1 - p], sem_i)
                pltpu.async_copy(dst_hbm.at[pl.ds(row0 + NBUF, NBUF)],
                                 dstb.at[1 - p], sem_i)

            if edge_split:
                for b in range(NBUF):
                    start_gather(t_refs[0], p, b)
            else:
                @pl.when(c == 0)
                def _():
                    for b in range(NBUF):
                        start_gather(t_refs[0], p, b)

                @pl.when(c == 1)
                def _():
                    for b in range(NBUF):
                        start_gather(t_refs[1], p, b)

            for b in range(NBUF):
                wait_gather(t_refs[0], p, b)
                pltpu.async_copy(rows.at[b], acc.at[dstb.at[p, b]], sem_s,
                                 add=True)

            @pl.when(g + 1 < ng)
            def _():
                pltpu.make_async_copy(src_hbm.at[pl.ds(row0 + NBUF, NBUF)],
                                      srcb.at[1 - p], sem_i).wait()
                pltpu.make_async_copy(dst_hbm.at[pl.ds(row0 + NBUF, NBUF)],
                                      dstb.at[1 - p], sem_i).wait()

            return carry

        lax.fori_loop(0, ng, body, 0)
        pf = (ng - 1) % 2
        for b in range(NBUF):
            pltpu.make_async_copy(rows.at[b], acc.at[dstb.at[pf, b]],
                                  sem_s).wait()
        plsc.subcore_barrier()
        pltpu.sync_copy(acc.at[pl.ds(r0, ROWS_PT)],
                        out_hbm.at[pl.ds(c * N_ACC + r0, ROWS_PT)])

    return k(*tables, src2, dst2, zeros_d)


def _sc_count(dst_p, zeros_d, ones_ch):
    mesh = plsc.VectorSubcoreMesh(core_axis_name="c", subcore_axis_name="s")

    @functools.partial(
        pl.kernel,
        out_type=jax.ShapeDtypeStruct((CORES * N_ACC, DH), F32),
        mesh=mesh,
        scratch_types=[
            pltpu.VMEM((CH,), I32),
            pltpu.VMEM((CH, DH), F32),
            pltpu.VMEM_SHARED((N_ACC, DH), F32),
        ],
    )
    def k(dst_hbm, z_hbm, ones_hbm, out_hbm, dst_v, ones_v, acc):
        c = lax.axis_index("c")
        s = lax.axis_index("s")
        r0 = s * ROWS_PT
        pltpu.sync_copy(ones_hbm, ones_v)
        pltpu.sync_copy(z_hbm.at[pl.ds(r0, ROWS_PT)], acc.at[pl.ds(r0, ROWS_PT)])
        plsc.subcore_barrier()
        base = (c * TILES + s) * (CPT_EDGE * CH)

        def body(j, carry):
            pltpu.sync_copy(dst_hbm.at[pl.ds(base + j * CH, CH)], dst_v)
            pltpu.sync_copy(ones_v, acc.at[dst_v], add=True)
            return carry

        lax.fori_loop(0, CPT_EDGE, body, 0)
        plsc.subcore_barrier()
        pltpu.sync_copy(acc.at[pl.ds(r0, ROWS_PT)],
                        out_hbm.at[pl.ds(c * N_ACC + r0, ROWS_PT)])

    return k(dst_p, zeros_d, ones_ch)


def _tc_layer(agg_a, agg_b, cnt_a, cnt_b, hs, wl_parts, wr_parts, bl2):
    nh = len(hs)

    def body(*refs):
        agg_a_r, agg_b_r, cnt_a_r, cnt_b_r = refs[:4]
        h_rs = refs[4:4 + nh]
        wl_a_r, wl_b_r = refs[4 + nh], refs[5 + nh]
        wr_rs = refs[6 + nh:6 + 2 * nh]
        bl_r = refs[6 + 2 * nh]
        out_r = refs[-1]
        cnt = cnt_a_r[:, :1] + cnt_b_r[:, :1]
        inv = 1.0 / jnp.maximum(cnt, 1.0)
        acc = jnp.dot(agg_a_r[...] * inv, wl_a_r[...],
                      preferred_element_type=F32, precision=HI)
        acc = acc + jnp.dot(agg_b_r[...] * inv, wl_b_r[...],
                            preferred_element_type=F32, precision=HI)
        for h_r, wr_r in zip(h_rs, wr_rs):
            acc = acc + jnp.dot(h_r[...], wr_r[...],
                                preferred_element_type=F32, precision=HI)
        h = jnp.maximum(acc + bl_r[...], 0.0)
        out_r[0] = h[:, :128]
        out_r[1] = h[:, 128:]

    in_specs = (
        [pl.BlockSpec((BR, DH), lambda i: (i, 0)),
         pl.BlockSpec((BR, DH), lambda i: (i, 0)),
         pl.BlockSpec((BR, DH), lambda i: (i, 0)),
         pl.BlockSpec((BR, DH), lambda i: (i, 0))]
        + [pl.BlockSpec((BR, h.shape[1]), lambda i: (i, 0)) for h in hs]
        + [pl.BlockSpec(w.shape, lambda i: (0, 0)) for w in wl_parts]
        + [pl.BlockSpec(w.shape, lambda i: (0, 0)) for w in wr_parts]
        + [pl.BlockSpec(bl2.shape, lambda i: (0, 0))]
    )
    return pl.pallas_call(
        body,
        grid=(N // BR,),
        in_specs=in_specs,
        out_specs=pl.BlockSpec((2, BR, 128), lambda i: (0, i, 0)),
        out_shape=jax.ShapeDtypeStruct((2, N, 128), F32),
    )(agg_a, agg_b, cnt_a, cnt_b, *hs, *wl_parts, *wr_parts, bl2)


def _tc_final(h_a, h_b, batch3, w_a, w_b, b_tile):

    def body(ha_r, hb_r, b_r, wa_r, wb_r, bt_r, out_r):
        i = pl.program_id(0)

        @pl.when(i == 0)
        def _():
            out_r[...] = bt_r[...]

        y = (jnp.dot(ha_r[...], wa_r[...], preferred_element_type=F32, precision=HI)
             + jnp.dot(hb_r[...], wb_r[...], preferred_element_type=F32, precision=HI))
        m = (b_r[0] == lax.broadcasted_iota(I32, (G, BR), 0)).astype(F32)
        out_r[...] += jnp.dot(m, y, preferred_element_type=F32, precision=HI)

    return pl.pallas_call(
        body,
        grid=(N // BR,),
        in_specs=[
            pl.BlockSpec((BR, 128), lambda i: (i, 0)),
            pl.BlockSpec((BR, 128), lambda i: (i, 0)),
            pl.BlockSpec((1, 1, BR), lambda i: (i, 0, 0)),
            pl.BlockSpec((128, 128), lambda i: (0, 0)),
            pl.BlockSpec((128, 128), lambda i: (0, 0)),
            pl.BlockSpec((G, 128), lambda i: (0, 0)),
        ],
        out_specs=pl.BlockSpec((G, 128), lambda i: (0, 0)),
        out_shape=jax.ShapeDtypeStruct((G, 128), F32),
    )(h_a, h_b, batch3, w_a, w_b, b_tile)


def kernel(x, edge_index, batch, Wl0, bl0, Wr0, Wl1, bl1, Wr1, Wl2, bl2, Wr2,
           W_fc, b_fc):
    src = edge_index[0].astype(I32)
    dst = edge_index[1].astype(I32)
    e = src.shape[0]
    pad = E_PAD - e
    src_p = jnp.concatenate([src, jnp.zeros((pad,), I32)])
    dst_p = jnp.concatenate([dst, jnp.full((pad,), N, I32)])
    src2 = src_p.reshape(-1, CH)
    dst2 = dst_p.reshape(-1, CH)

    zeros_d = jnp.zeros((N_ACC, DH), F32)
    ones_ch = jnp.ones((CH, DH), F32)

    cnt = _sc_count(dst_p, zeros_d, ones_ch)
    cnt_a, cnt_b = cnt[:N_ACC], cnt[N_ACC:]

    agg0 = _sc_agg((x,), src2, dst2, zeros_d, True)
    h1 = _tc_layer(agg0[:N_ACC], agg0[N_ACC:], cnt_a, cnt_b, [x],
                   [Wl0, Wl0], [Wr0], bl0.reshape(1, -1))

    agg1 = _sc_agg((h1[0], h1[1]), src2, dst2, zeros_d, False)
    h2 = _tc_layer(agg1[:N_ACC], agg1[N_ACC:], cnt_a, cnt_b, [h1[0], h1[1]],
                   [Wl1[:128], Wl1[128:]], [Wr1[:128], Wr1[128:]],
                   bl1.reshape(1, -1))

    agg2 = _sc_agg((h2[0], h2[1]), src2, dst2, zeros_d, False)
    h3 = _tc_layer(agg2[:N_ACC], agg2[N_ACC:], cnt_a, cnt_b, [h2[0], h2[1]],
                   [Wl2[:128], Wl2[128:]], [Wr2[:128], Wr2[128:]],
                   bl2.reshape(1, -1))

    w_a = jnp.zeros((128, 128), F32).at[:, :1].set(W_fc[:128])
    w_b = jnp.zeros((128, 128), F32).at[:, :1].set(W_fc[128:])
    b_tile = jnp.zeros((G, 128), F32).at[:, 0].set(b_fc[0])
    batch3 = batch.astype(I32).reshape(N // BR, 1, BR)

    out = _tc_final(h3[0], h3[1], batch3, w_a, w_b, b_tile)
    return out[:, :1]

# --- scband reference (transcript-rebuilt; emitter-appended) ---
"""Pipeline reference for scband-graph-sage-network-22385369546904 (READ-ONLY COPY).

The authoritative reference and input builder live on the scoring server;
editing this copy changes nothing except your own understanding.
"""

import jax, jax.numpy as jnp
import numpy as np

N_NODES = 10000
N_EDGES = 320000
IN_DIM = 128
HID = 256
OUT_DIM = 1
NUM_GRAPHS = 16


def setup_inputs(seed: int = 0) -> dict:
    key = jax.random.key(seed)
    ks = [jax.random.fold_in(key, i) for i in range(20)]
    x = jax.random.normal(ks[0], (N_NODES, IN_DIM), dtype=jnp.float32)
    edge_index = jax.random.randint(ks[1], (2, N_EDGES), 0, N_NODES, dtype=jnp.int64)
    batch = jnp.sort(jax.random.randint(ks[2], (N_NODES,), 0, NUM_GRAPHS, dtype=jnp.int64))
    dims = [(IN_DIM, HID), (HID, HID), (HID, HID)]
    params = {}
    ki = 3
    for li, (din, dout) in enumerate(dims):
        scale = 1.0 / np.sqrt(din)
        params[f'Wl{li}'] = jax.random.normal(ks[ki], (din, dout), dtype=jnp.float32) * scale; ki += 1
        params[f'bl{li}'] = jnp.zeros((dout,), dtype=jnp.float32)
        params[f'Wr{li}'] = jax.random.normal(ks[ki], (din, dout), dtype=jnp.float32) * scale; ki += 1
    params['W_fc'] = jax.random.normal(ks[ki], (HID, OUT_DIM), dtype=jnp.float32) * (1.0 / np.sqrt(HID)); ki += 1
    params['b_fc'] = jnp.zeros((OUT_DIM,), dtype=jnp.float32)
    out = {'x': x, 'edge_index': edge_index, 'batch': batch}
    out.update(params)
    return out


def _sage_conv(h, edge_index, Wl, bl, Wr):
    src = edge_index[0]
    dst = edge_index[1]
    msgs = jnp.take(h, src, axis=0)
    agg = jax.ops.segment_sum(msgs, dst, num_segments=N_NODES)
    cnt = jax.ops.segment_sum(jnp.ones((msgs.shape[0],), dtype=h.dtype), dst, num_segments=N_NODES)
    agg = agg / jnp.clip(cnt, 1.0, None)[:, None]
    return agg @ Wl + bl + h @ Wr


def reference(x, edge_index, batch, Wl0, bl0, Wr0, Wl1, bl1, Wr1, Wl2, bl2, Wr2, W_fc, b_fc):
    layers = [(Wl0, bl0, Wr0), (Wl1, bl1, Wr1), (Wl2, bl2, Wr2)]
    h = x
    for (Wl, bl, Wr) in layers:
        h = _sage_conv(h, edge_index, Wl, bl, Wr)
        h = jax.nn.relu(h)
        # dropout_proba=0.0 -> identity
    pooled = jax.ops.segment_sum(h, batch, num_segments=NUM_GRAPHS)
    return pooled @ W_fc + b_fc

if __name__ == "__main__":
    import jax
    _d = setup_inputs()
    print(jax.jit(kernel)(*tuple(_d.values())))

</pallas_src>

<mosaic_0001>
#map = affine_map<(d0, d1) -> (0, 0)>
module attributes {stable_mosaic.version = 14 : i64} {
  func.func @k(%arg0: i32, %arg1: i32, %arg2: memref<10000x128xf32, #tpu.memory_space<hbm>>, %arg3: memref<10000x128xf32, #tpu.memory_space<hbm>>, %arg4: memref<2560x128xi32, #tpu.memory_space<hbm>>, %arg5: memref<2560x128xi32, #tpu.memory_space<hbm>>, %arg6: memref<10240x128xf32, #tpu.memory_space<hbm>>, %arg7: memref<20480x128xf32, #tpu.memory_space<hbm>>, %arg8: memref<2x2x128xi32, #tpu.memory_space<vmem>>, %arg9: memref<2x2x128xi32, #tpu.memory_space<vmem>>, %arg10: memref<2x128x128xf32, #tpu.memory_space<vmem>>, %arg11: memref<10240x128xf32, #tpu.memory_space<vmem_shared>>, %arg12: memref<!tpu.dma_semaphore, #tpu.memory_space<semaphore_mem>>, %arg13: memref<!tpu.dma_semaphore, #tpu.memory_space<semaphore_mem>>, %arg14: memref<!tpu.dma_semaphore, #tpu.memory_space<semaphore_mem>>, %arg15: memref<!tpu.dma_semaphore, #tpu.memory_space<semaphore_mem>>) attributes {dimension_semantics = [#tpu.dimension_semantics<core_parallel>, #tpu.dimension_semantics<subcore_parallel>], iteration_bounds = array<i64: 2, 16>, scalar_prefetch = 0 : i64, scratch_operands = 8 : i64, tpu.core_type = #tpu.core_type<sc_vector_subcore>, window_params = [{transform_indices = #map}, {transform_indices = #map}, {transform_indices = #map}, {transform_indices = #map}, {transform_indices = #map}, {transform_indices = #map}]} {
    %mul3A = arith.constant 640 : i32
    %mul3A_0 = arith.muli %arg1, %mul3A : i32
    "tpu.region"() ({
      %run_scoped3A_37 = tpu.sem_alloc : memref<!tpu.dma_semaphore, #tpu.memory_space<semaphore_mem>>
      %dma_start3A = arith.constant 0 : i32
      %dma_start3A_38 = tpu.memref_slice %arg11[%mul3A_0, %dma_start3A] : memref<10240x128xf32, #tpu.memory_space<vmem_shared>> -> memref<640x128xf32, #tpu.memory_space<vmem_shared>>
      %dma_start3A_39 = arith.constant 0 : i32
      %dma_start3A_40 = tpu.memref_slice %arg6[%mul3A_0, %dma_start3A_39] : memref<10240x128xf32, #tpu.memory_space<hbm>> -> memref<640x128xf32, #tpu.memory_space<hbm>>
      tpu.enqueue_dma source(%dma_start3A_40 : memref<640x128xf32, #tpu.memory_space<hbm>>) target(%dma_start3A_38 : memref<640x128xf32, #tpu.memory_space<vmem_shared>>) target_semaphore(%run_scoped3A_37 : memref<!tpu.dma_semaphore, #tpu.memory_space<semaphore_mem>>)
      %dma_wait3A_41 = arith.constant 0 : i32
      %dma_wait3A_42 = tpu.memref_slice %arg11[%mul3A_0, %dma_wait3A_41] : memref<10240x128xf32, #tpu.memory_space<vmem_shared>> -> memref<640x128xf32, #tpu.memory_space<vmem_shared>>
      %dma_wait3A_43 = arith.constant 0 : i32
      %dma_wait3A_44 = tpu.memref_slice %arg6[%mul3A_0, %dma_wait3A_43] : memref<10240x128xf32, #tpu.memory_space<hbm>> -> memref<640x128xf32, #tpu.memory_space<hbm>>
      tpu.wait_dma2 semaphore(%run_scoped3A_37 : memref<!tpu.dma_semaphore, #tpu.memory_space<semaphore_mem>>) src(%dma_wait3A_44 : memref<640x128xf32, #tpu.memory_space<hbm>>) dst(%dma_wait3A_42 : memref<640x128xf32, #tpu.memory_space<vmem_shared>>)
      tpu.yield
    }) : () -> ()
    %barrier3A = arith.constant 0 : index
    tpu.barrier barrier_id(%barrier3A)
    %mul3A_1 = arith.constant 160 : i32
    %mul3A_2 = arith.muli %arg1, %mul3A_1 : i32
    %run_scoped3A = arith.constant 0 : i32
    "tpu.region"() ({
      %run_scoped3A_37 = tpu.sem_alloc : memref<!tpu.dma_semaphore, #tpu.memory_space<semaphore_mem>>
      %dma_start3A = arith.constant 0 : i32
      %dma_start3A_38 = arith.constant 0 : i32
      %dma_start3A_39 = tpu.memref_slice %arg8[%run_scoped3A, %dma_start3A, %dma_start3A_38] : memref<2x2x128xi32, #tpu.memory_space<vmem>> -> memref<1x2x128xi32, #tpu.memory_space<vmem>>
      %dma_start3A_40 = tpu.memref_squeeze %dma_start3A_39 : memref<1x2x128xi32, #tpu.memory_space<vmem>> -> memref<2x128xi32, #tpu.memory_space<vmem>>
      %dma_start3A_41 = arith.constant 0 : i32
      %dma_start3A_42 = tpu.memref_slice %arg4[%mul3A_2, %dma_start3A_41] : memref<2560x128xi32, #tpu.memory_space<hbm>> -> memref<2x128xi32, #tpu.memory_space<hbm>>
      %dma_start3A_43 = arith.constant 0 : i32
      %dma_start3A_44 = arith.constant 0 : i32
      %dma_start3A_45 = tpu.memref_slice %arg8[%run_scoped3A, %dma_start3A_43, %dma_start3A_44] : memref<2x2x128xi32, #tpu.memory_space<vmem>> -> memref<1x2x128xi32, #tpu.memory_space<vmem>>
      %dma_start3A_46 = tpu.memref_squeeze %dma_start3A_45 : memref<1x2x128xi32, #tpu.memory_space<vmem>> -> memref<2x128xi32, #tpu.memory_space<vmem>>
      %dma_start3A_47 = arith.constant 0 : i32
      %dma_start3A_48 = tpu.memref_slice %arg4[%mul3A_2, %dma_start3A_47] : memref<2560x128xi32, #tpu.memory_space<hbm>> -> memref<2x128xi32, #tpu.memory_space<hbm>>
      tpu.enqueue_dma source(%dma_start3A_48 : memref<2x128xi32, #tpu.memory_space<hbm>>) target(%dma_start3A_46 : memref<2x128xi32, #tpu.memory_space<vmem>>) target_semaphore(%run_scoped3A_37 : memref<!tpu.dma_semaphore, #tpu.memory_space<semaphore_mem>>)
      %dma_wait3A_49 = arith.constant 0 : i32
      %dma_wait3A_50 = arith.constant 0 : i32
      %dma_wait3A_51 = tpu.memref_slice %arg8[%run_scoped3A, %dma_wait3A_49, %dma_wait3A_50] : memref<2x2x128xi32, #tpu.memory_space<vmem>> -> memref<1x2x128xi32, #tpu.memory_space<vmem>>
      %dma_wait3A_52 = tpu.memref_squeeze %dma_wait3A_51 : memref<1x2x128xi32, #tpu.memory_space<vmem>> -> memref<2x128xi32, #tpu.memory_space<vmem>>
      %dma_wait3A_53 = arith.constant 0 : i32
      %dma_wait3A_54 = tpu.memref_slice %arg4[%mul3A_2, %dma_wait3A_53] : memref<2560x128xi32, #tpu.memory_space<hbm>> -> memref<2x128xi32, #tpu.memory_space<hbm>>
      %dma_wait3A_55 = arith.constant 0 : i32
      %dma_wait3A_56 = arith.constant 0 : i32
      %dma_wait3A_57 = tpu.memref_slice %arg8[%run_scoped3A, %dma_wait3A_55, %dma_wait3A_56] : memref<2x2x128xi32, #tpu.memory_space<vmem>> -> memref<1x2x128xi32, #tpu.memory_space<vmem>>
      %dma_wait3A_58 = tpu.memref_squeeze %dma_wait3A_57 : memref<1x2x128xi32, #tpu.memory_space<vmem>> -> memref<2x128xi32, #tpu.memory_space<vmem>>
      %dma_wait3A_59 = arith.constant 0 : i32
      %dma_wait3A_60 = tpu.memref_slice %arg4[%mul3A_2, %dma_wait3A_59] : memref<2560x128xi32, #tpu.memory_space<hbm>> -> memref<2x128xi32, #tpu.memory_space<hbm>>
      tpu.wait_dma2 semaphore(%run_scoped3A_37 : memref<!tpu.dma_semaphore, #tpu.memory_space<semaphore_mem>>) src(%dma_wait3A_60 : memref<2x128xi32, #tpu.memory_space<hbm>>) dst(%dma_wait3A_58 : memref<2x128xi32, #tpu.memory_space<vmem>>)
      tpu.yield
    }) : () -> ()
    %run_scoped3A_3 = arith.constant 0 : i32
    "tpu.region"() ({
      %run_scoped3A_37 = tpu.sem_alloc : memref<!tpu.dma_semaphore, #tpu.memory_space<semaphore_mem>>
      %dma_start3A = arith.constant 0 : i32
      %dma_start3A_38 = arith.constant 0 : i32
      %dma_start3A_39 = tpu.memref_slice %arg9[%run_scoped3A_3, %dma_start3A, %dma_start3A_38] : memref<2x2x128xi32, #tpu.memory_space<vmem>> -> memref<1x2x128xi32, #tpu.memory_space<vmem>>
      %dma_start3A_40 = tpu.memref_squeeze %dma_start3A_39 : memref<1x2x128xi32, #tpu.memory_space<vmem>> -> memref<2x128xi32, #tpu.memory_space<vmem>>
      %dma_start3A_41 = arith.constant 0 : i32
      %dma_start3A_42 = tpu.memref_slice %arg5[%mul3A_2, %dma_start3A_41] : memref<2560x128xi32, #tpu.memory_space<hbm>> -> memref<2x128xi32, #tpu.memory_space<hbm>>
      %dma_start3A_43 = arith.constant 0 : i32
      %dma_start3A_44 = arith.constant 0 : i32
      %dma_start3A_45 = tpu.memref_slice %arg9[%run_scoped3A_3, %dma_start3A_43, %dma_start3A_44] : memref<2x2x128xi32, #tpu.memory_space<vmem>> -> memref<1x2x128xi32, #tpu.memory_space<vmem>>
      %dma_start3A_46 = tpu.memref_squeeze %dma_start3A_45 : memref<1x2x128xi32, #tpu.memory_space<vmem>> -> memref<2x128xi32, #tpu.memory_space<vmem>>
      %dma_start3A_47 = arith.constant 0 : i32
      %dma_start3A_48 = tpu.memref_slice %arg5[%mul3A_2, %dma_start3A_47] : memref<2560x128xi32, #tpu.memory_space<hbm>> -> memref<2x128xi32, #tpu.memory_space<hbm>>
      tpu.enqueue_dma source(%dma_start3A_48 : memref<2x128xi32, #tpu.memory_space<hbm>>) target(%dma_start3A_46 : memref<2x128xi32, #tpu.memory_space<vmem>>) target_semaphore(%run_scoped3A_37 : memref<!tpu.dma_semaphore, #tpu.memory_space<semaphore_mem>>)
      %dma_wait3A_49 = arith.constant 0 : i32
      %dma_wait3A_50 = arith.constant 0 : i32
      %dma_wait3A_51 = tpu.memref_slice %arg9[%run_scoped3A_3, %dma_wait3A_49, %dma_wait3A_50] : memref<2x2x128xi32, #tpu.memory_space<vmem>> -> memref<1x2x128xi32, #tpu.memory_space<vmem>>
      %dma_wait3A_52 = tpu.memref_squeeze %dma_wait3A_51 : memref<1x2x128xi32, #tpu.memory_space<vmem>> -> memref<2x128xi32, #tpu.memory_space<vmem>>
      %dma_wait3A_53 = arith.constant 0 : i32
      %dma_wait3A_54 = tpu.memref_slice %arg5[%mul3A_2, %dma_wait3A_53] : memref<2560x128xi32, #tpu.memory_space<hbm>> -> memref<2x128xi32, #tpu.memory_space<hbm>>
      %dma_wait3A_55 = arith.constant 0 : i32
      %dma_wait3A_56 = arith.constant 0 : i32
      %dma_wait3A_57 = tpu.memref_slice %arg9[%run_scoped3A_3, %dma_wait3A_55, %dma_wait3A_56] : memref<2x2x128xi32, #tpu.memory_space<vmem>> -> memref<1x2x128xi32, #tpu.memory_space<vmem>>
      %dma_wait3A_58 = tpu.memref_squeeze %dma_wait3A_57 : memref<1x2x128xi32, #tpu.memory_space<vmem>> -> memref<2x128xi32, #tpu.memory_space<vmem>>
      %dma_wait3A_59 = arith.constant 0 : i32
      %dma_wait3A_60 = tpu.memref_slice %arg5[%mul3A_2, %dma_wait3A_59] : memref<2560x128xi32, #tpu.memory_space<hbm>> -> memref<2x128xi32, #tpu.memory_space<hbm>>
      tpu.wait_dma2 semaphore(%run_scoped3A_37 : memref<!tpu.dma_semaphore, #tpu.memory_space<semaphore_mem>>) src(%dma_wait3A_60 : memref<2x128xi32, #tpu.memory_space<hbm>>) dst(%dma_wait3A_58 : memref<2x128xi32, #tpu.memory_space<vmem>>)
      tpu.yield
    }) : () -> ()
    %scan3A = arith.constant 0 : i32
    %scan3A_4 = arith.constant 0 : i32
    %scan3A_5 = arith.constant 80 : i32
    %scan3A_6 = arith.addi %scan3A_4, %scan3A_5 : i32
    %scan3A_7 = arith.constant 1 : i32
    scf.for %scan3A_37 = %scan3A_4 to %scan3A_6 step %scan3A_7  : i32 {
      %rem3A = arith.constant 2 : i32
      %rem3A_38 = arith.remsi %scan3A_37, %rem3A : i32
      %mul3A_39 = arith.constant 2 : i32
      %mul3A_40 = arith.muli %scan3A_37, %mul3A_39 : i32
      %add3A_41 = arith.addi %mul3A_2, %mul3A_40 : i32
      %gt3A = arith.constant 0 : i32
      %gt3A_42 = arith.cmpi sgt, %scan3A_37, %gt3A : i32
      %convert_element_type3A = arith.extui %gt3A_42 : i1 to i32
      %cond3A = arith.constant 0 : i32
      %cond3A_43 = arith.cmpi ne, %convert_element_type3A, %cond3A : i32
      scf.if %cond3A_43 {
        %sub3A = arith.constant 1 : i32
        %sub3A_113 = arith.subi %sub3A, %rem3A_38 : i32
        %dma_wait3A_114 = arith.constant 0 : i32
        %dma_wait3A_115 = arith.constant 0 : i32
        %dma_wait3A_116 = arith.constant 0 : i32
        %dma_wait3A_117 = arith.constant 0 : i32
        %dma_wait3A_118 = tpu.memref_slice %arg10[%dma_wait3A_114, %dma_wait3A_116, %dma_wait3A_117] : memref<2x128x128xf32, #tpu.memory_space<vmem>> -> memref<1x128x128xf32, #tpu.memory_space<vmem>>
        %dma_wait3A_119 = tpu.memref_squeeze %dma_wait3A_118 : memref<1x128x128xf32, #tpu.memory_space<vmem>> -> memref<128x128xf32, #tpu.memory_space<vmem>>
        %dma_wait3A_120 = arith.constant 0 : i32
        %dma_wait3A_121 = tpu.memref_slice %arg9[%sub3A_113, %dma_wait3A_115, %dma_wait3A_120] : memref<2x2x128xi32, #tpu.memory_space<vmem>> -> memref<1x1x128xi32, #tpu.memory_space<vmem>>
        %dma_wait3A_122 = tpu.memref_squeeze %dma_wait3A_121 : memref<1x1x128xi32, #tpu.memory_space<vmem>> -> memref<128xi32, #tpu.memory_space<vmem>>
        %dma_wait3A_123 = arith.constant 0 : i32
        %dma_wait3A_124 = arith.constant 0 : i32
        %dma_wait3A_125 = tpu.memref_slice %arg11[%dma_wait3A_123, %dma_wait3A_124] : memref<10240x128xf32, #tpu.memory_space<vmem_shared>> -> memref<10240x128xf32, #tpu.memory_space<vmem_shared>>
        tpu.wait_indirect_dma semaphore(%arg14 : memref<!tpu.dma_semaphore, #tpu.memory_space<semaphore_mem>>) src(%dma_wait3A_119 : memref<128x128xf32, #tpu.memory_space<vmem>>) dst(%dma_wait3A_125 : memref<10240x128xf32, #tpu.memory_space<vmem_shared>>)
        %sub3A_126 = arith.constant 1 : i32
        %sub3A_127 = arith.subi %sub3A_126, %rem3A_38 : i32
        %dma_wait3A_128 = arith.constant 1 : i32
        %dma_wait3A_129 = arith.constant 1 : i32
        %dma_wait3A_130 = arith.constant 0 : i32
        %dma_wait3A_131 = arith.constant 0 : i32
        %dma_wait3A_132 = tpu.memref_slice %arg10[%dma_wait3A_128, %dma_wait3A_130, %dma_wait3A_131] : memref<2x128x128xf32, #tpu.memory_space<vmem>> -> memref<1x128x128xf32, #tpu.memory_space<vmem>>
        %dma_wait3A_133 = tpu.memref_squeeze %dma_wait3A_132 : memref<1x128x128xf32, #tpu.memory_space<vmem>> -> memref<128x128xf32, #tpu.memory_space<vmem>>
        %dma_wait3A_134 = arith.constant 0 : i32
        %dma_wait3A_135 = tpu.memref_slice %arg9[%sub3A_127, %dma_wait3A_129, %dma_wait3A_134] : memref<2x2x128xi32, #tpu.memory_space<vmem>> -> memref<1x1x128xi32, #tpu.memory_space<vmem>>
        %dma_wait3A_136 = tpu.memref_squeeze %dma_wait3A_135 : memref<1x1x128xi32, #tpu.memory_space<vmem>> -> memref<128xi32, #tpu.memory_space<vmem>>
        %dma_wait3A_137 = arith.constant 0 : i32
        %dma_wait3A_138 = arith.constant 0 : i32
        %dma_wait3A_139 = tpu.memref_slice %arg11[%dma_wait3A_137, %dma_wait3A_138] : memref<10240x128xf32, #tpu.memory_space<vmem_shared>> -> memref<10240x128xf32, #tpu.memory_space<vmem_shared>>
        tpu.wait_indirect_dma semaphore(%arg14 : memref<!tpu.dma_semaphore, #tpu.memory_space<semaphore_mem>>) src(%dma_wait3A_133 : memref<128x128xf32, #tpu.memory_space<vmem>>) dst(%dma_wait3A_139 : memref<10240x128xf32, #tpu.memory_space<vmem_shared>>)
      } else {
      }
      %add3A_44 = arith.constant 1 : i32
      %add3A_45 = arith.addi %scan3A_37, %add3A_44 : i32
      %lt3A = arith.constant 80 : i32
      %lt3A_46 = arith.cmpi slt, %add3A_45, %lt3A : i32
      %convert_element_type3A_47 = arith.extui %lt3A_46 : i1 to i32
      %cond3A_48 = arith.constant 0 : i32
      %cond3A_49 = arith.cmpi ne, %convert_element_type3A_47, %cond3A_48 : i32
      scf.if %cond3A_49 {
        %add3A_113 = arith.constant 2 : i32
        %add3A_114 = arith.addi %add3A_41, %add3A_113 : i32
        %sub3A = arith.constant 1 : i32
        %sub3A_115 = arith.subi %sub3A, %rem3A_38 : i32
        %dma_start3A_116 = arith.constant 0 : i32
        %dma_start3A_117 = arith.constant 0 : i32
        %dma_start3A_118 = tpu.memref_slice %arg8[%sub3A_115, %dma_start3A_116, %dma_start3A_117] : memref<2x2x128xi32, #tpu.memory_space<vmem>> -> memref<1x2x128xi32, #tpu.memory_space<vmem>>
        %dma_start3A_119 = tpu.memref_squeeze %dma_start3A_118 : memref<1x2x128xi32, #tpu.memory_space<vmem>> -> memref<2x128xi32, #tpu.memory_space<vmem>>
        %dma_start3A_120 = arith.constant 0 : i32
        %dma_start3A_121 = tpu.memref_slice %arg4[%add3A_114, %dma_start3A_120] : memref<2560x128xi32, #tpu.memory_space<hbm>> -> memref<2x128xi32, #tpu.memory_space<hbm>>
        %dma_start3A_122 = arith.constant 0 : i32
        %dma_start3A_123 = arith.constant 0 : i32
        %dma_start3A_124 = tpu.memref_slice %arg8[%sub3A_115, %dma_start3A_122, %dma_start3A_123] : memref<2x2x128xi32, #tpu.memory_space<vmem>> -> memref<1x2x128xi32, #tpu.memory_space<vmem>>
        %dma_start3A_125 = tpu.memref_squeeze %dma_start3A_124 : memref<1x2x128xi32, #tpu.memory_space<vmem>> -> memref<2x128xi32, #tpu.memory_space<vmem>>
        %dma_start3A_126 = arith.constant 0 : i32
        %dma_start3A_127 = tpu.memref_slice %arg4[%add3A_114, %dma_start3A_126] : memref<2560x128xi32, #tpu.memory_space<hbm>> -> memref<2x128xi32, #tpu.memory_space<hbm>>
        tpu.enqueue_dma source(%dma_start3A_127 : memref<2x128xi32, #tpu.memory_space<hbm>>) target(%dma_start3A_125 : memref<2x128xi32, #tpu.memory_space<vmem>>) target_semaphore(%arg15 : memref<!tpu.dma_semaphore, #tpu.memory_space<semaphore_mem>>)
        %add3A_128 = arith.constant 2 : i32
        %add3A_129 = arith.addi %add3A_41, %add3A_128 : i32
        %sub3A_130 = arith.constant 1 : i32
        %sub3A_131 = arith.subi %sub3A_130, %rem3A_38 : i32
        %dma_start3A_132 = arith.constant 0 : i32
        %dma_start3A_133 = arith.constant 0 : i32
        %dma_start3A_134 = tpu.memref_slice %arg9[%sub3A_131, %dma_start3A_132, %dma_start3A_133] : memref<2x2x128xi32, #tpu.memory_space<vmem>> -> memref<1x2x128xi32, #tpu.memory_space<vmem>>
        %dma_start3A_135 = tpu.memref_squeeze %dma_start3A_134 : memref<1x2x128xi32, #tpu.memory_space<vmem>> -> memref<2x128xi32, #tpu.memory_space<vmem>>
        %dma_start3A_136 = arith.constant 0 : i32
        %dma_start3A_137 = tpu.memref_slice %arg5[%add3A_129, %dma_start3A_136] : memref<2560x128xi32, #tpu.memory_space<hbm>> -> memref<2x128xi32, #tpu.memory_space<hbm>>
        %dma_start3A_138 = arith.constant 0 : i32
        %dma_start3A_139 = arith.constant 0 : i32
        %dma_start3A_140 = tpu.memref_slice %arg9[%sub3A_131, %dma_start3A_138, %dma_start3A_139] : memref<2x2x128xi32, #tpu.memory_space<vmem>> -> memref<1x2x128xi32, #tpu.memory_space<vmem>>
        %dma_start3A_141 = tpu.memref_squeeze %dma_start3A_140 : memref<1x2x128xi32, #tpu.memory_space<vmem>> -> memref<2x128xi32, #tpu.memory_space<vmem>>
        %dma_start3A_142 = arith.constant 0 : i32
        %dma_start3A_143 = tpu.memref_slice %arg5[%add3A_129, %dma_start3A_142] : memref<2560x128xi32, #tpu.memory_space<hbm>> -> memref<2x128xi32, #tpu.memory_space<hbm>>
        tpu.enqueue_dma source(%dma_start3A_143 : memref<2x128xi32, #tpu.memory_space<hbm>>) target(%dma_start3A_141 : memref<2x128xi32, #tpu.memory_space<vmem>>) target_semaphore(%arg15 : memref<!tpu.dma_semaphore, #tpu.memory_space<semaphore_mem>>)
      } else {
      }
      %eq3A = arith.constant 0 : i32
      %eq3A_50 = arith.cmpi eq, %arg0, %eq3A : i32
      %convert_element_type3A_51 = arith.extui %eq3A_50 : i1 to i32
      %cond3A_52 = arith.constant 0 : i32
      %cond3A_53 = arith.cmpi ne, %convert_element_type3A_51, %cond3A_52 : i32
      scf.if %cond3A_53 {
        %dma_start3A_113 = arith.constant 0 : i32
        %dma_start3A_114 = arith.constant 0 : i32
        %dma_start3A_115 = arith.constant 0 : i32
        %dma_start3A_116 = arith.constant 0 : i32
        %dma_start3A_117 = tpu.memref_slice %arg10[%dma_start3A_114, %dma_start3A_115, %dma_start3A_116] : memref<2x128x128xf32, #tpu.memory_space<vmem>> -> memref<1x128x128xf32, #tpu.memory_space<vmem>>
        %dma_start3A_118 = tpu.memref_squeeze %dma_start3A_117 : memref<1x128x128xf32, #tpu.memory_space<vmem>> -> memref<128x128xf32, #tpu.memory_space<vmem>>
        %dma_start3A_119 = arith.constant 0 : i32
        %dma_start3A_120 = tpu.memref_slice %arg8[%rem3A_38, %dma_start3A_113, %dma_start3A_119] : memref<2x2x128xi32, #tpu.memory_space<vmem>> -> memref<1x1x128xi32, #tpu.memory_space<vmem>>
        %dma_start3A_121 = tpu.memref_squeeze %dma_start3A_120 : memref<1x1x128xi32, #tpu.memory_space<vmem>> -> memref<128xi32, #tpu.memory_space<vmem>>
        %dma_start3A_122 = arith.constant 0 : i32
        %dma_start3A_123 = arith.constant 0 : i32
        %dma_start3A_124 = tpu.memref_slice %arg2[%dma_start3A_122, %dma_start3A_123] : memref<10000x128xf32, #tpu.memory_space<hbm>> -> memref<10000x128xf32, #tpu.memory_space<hbm>>
        tpu.enqueue_indirect_dma source(%dma_start3A_124 : memref<10000x128xf32, #tpu.memory_space<hbm>>) target(%dma_start3A_118 : memref<128x128xf32, #tpu.memory_space<vmem>>) offsets(%dma_start3A_121 : memref<128xi32, #tpu.memory_space<vmem>>) semaphore(%arg12 : memref<!tpu.dma_semaphore, #tpu.memory_space<semaphore_mem>>)
        %dma_start3A_125 = arith.constant 1 : i32
        %dma_start3A_126 = arith.constant 1 : i32
        %dma_start3A_127 = arith.constant 0 : i32
        %dma_start3A_128 = arith.constant 0 : i32
        %dma_start3A_129 = tpu.memref_slice %arg10[%dma_start3A_126, %dma_start3A_127, %dma_start3A_128] : memref<2x128x128xf32, #tpu.memory_space<vmem>> -> memref<1x128x128xf32, #tpu.memory_space<vmem>>
        %dma_start3A_130 = tpu.memref_squeeze %dma_start3A_129 : memref<1x128x128xf32, #tpu.memory_space<vmem>> -> memref<128x128xf32, #tpu.memory_space<vmem>>
        %dma_start3A_131 = arith.constant 0 : i32
        %dma_start3A_132 = tpu.memref_slice %arg8[%rem3A_38, %dma_start3A_125, %dma_start3A_131] : memref<2x2x128xi32, #tpu.memory_space<vmem>> -> memref<1x1x128xi32, #tpu.memory_space<vmem>>
        %dma_start3A_133 = tpu.memref_squeeze %dma_start3A_132 : memref<1x1x128xi32, #tpu.memory_space<vmem>> -> memref<128xi32, #tpu.memory_space<vmem>>
        %dma_start3A_134 = arith.constant 0 : i32
        %dma_start3A_135 = arith.constant 0 : i32
        %dma_start3A_136 = tpu.memref_slice %arg2[%dma_start3A_134, %dma_start3A_135] : memref<10000x128xf32, #tpu.memory_space<hbm>> -> memref<10000x128xf32, #tpu.memory_space<hbm>>
        tpu.enqueue_indirect_dma source(%dma_start3A_136 : memref<10000x128xf32, #tpu.memory_space<hbm>>) target(%dma_start3A_130 : memref<128x128xf32, #tpu.memory_space<vmem>>) offsets(%dma_start3A_133 : memref<128xi32, #tpu.memory_space<vmem>>) semaphore(%arg13 : memref<!tpu.dma_semaphore, #tpu.memory_space<semaphore_mem>>)
      } else {
      }
      %eq3A_54 = arith.constant 1 : i32
      %eq3A_55 = arith.cmpi eq, %arg0, %eq3A_54 : i32
      %convert_element_type3A_56 = arith.extui %eq3A_55 : i1 to i32
      %cond3A_57 = arith.constant 0 : i32
      %cond3A_58 = arith.cmpi ne, %convert_element_type3A_56, %cond3A_57 : i32
      scf.if %cond3A_58 {
        %dma_start3A_113 = arith.constant 0 : i32
        %dma_start3A_114 = arith.constant 0 : i32
        %dma_start3A_115 = arith.constant 0 : i32
        %dma_start3A_116 = arith.constant 0 : i32
        %dma_start3A_117 = tpu.memref_slice %arg10[%dma_start3A_114, %dma_start3A_115, %dma_start3A_116] : memref<2x128x128xf32, #tpu.memory_space<vmem>> -> memref<1x128x128xf32, #tpu.memory_space<vmem>>
        %dma_start3A_118 = tpu.memref_squeeze %dma_start3A_117 : memref<1x128x128xf32, #tpu.memory_space<vmem>> -> memref<128x128xf32, #tpu.memory_space<vmem>>
        %dma_start3A_119 = arith.constant 0 : i32
        %dma_start3A_120 = tpu.memref_slice %arg8[%rem3A_38, %dma_start3A_113, %dma_start3A_119] : memref<2x2x128xi32, #tpu.memory_space<vmem>> -> memref<1x1x128xi32, #tpu.memory_space<vmem>>
        %dma_start3A_121 = tpu.memref_squeeze %dma_start3A_120 : memref<1x1x128xi32, #tpu.memory_space<vmem>> -> memref<128xi32, #tpu.memory_space<vmem>>
        %dma_start3A_122 = arith.constant 0 : i32
        %dma_start3A_123 = arith.constant 0 : i32
        %dma_start3A_124 = tpu.memref_slice %arg3[%dma_start3A_122, %dma_start3A_123] : memref<10000x128xf32, #tpu.memory_space<hbm>> -> memref<10000x128xf32, #tpu.memory_space<hbm>>
        tpu.enqueue_indirect_dma source(%dma_start3A_124 : memref<10000x128xf32, #tpu.memory_space<hbm>>) target(%dma_start3A_118 : memref<128x128xf32, #tpu.memory_space<vmem>>) offsets(%dma_start3A_121 : memref<128xi32, #tpu.memory_space<vmem>>) semaphore(%arg12 : memref<!tpu.dma_semaphore, #tpu.memory_space<semaphore_mem>>)
        %dma_start3A_125 = arith.constant 1 : i32
        %dma_start3A_126 = arith.constant 1 : i32
        %dma_start3A_127 = arith.constant 0 : i32
        %dma_start3A_128 = arith.constant 0 : i32
        %dma_start3A_129 = tpu.memref_slice %arg10[%dma_start3A_126, %dma_start3A_127, %dma_start3A_128] : memref<2x128x128xf32, #tpu.memory_space<vmem>> -> memref<1x128x128xf32, #tpu.memory_space<vmem>>
        %dma_start3A_130 = tpu.memref_squeeze %dma_start3A_129 : memref<1x128x128xf32, #tpu.memory_space<vmem>> -> memref<128x128xf32, #tpu.memory_space<vmem>>
        %dma_start3A_131 = arith.constant 0 : i32
        %dma_start3A_132 = tpu.memref_slice %arg8[%rem3A_38, %dma_start3A_125, %dma_start3A_131] : memref<2x2x128xi32, #tpu.memory_space<vmem>> -> memref<1x1x128xi32, #tpu.memory_space<vmem>>
        %dma_start3A_133 = tpu.memref_squeeze %dma_start3A_132 : memref<1x1x128xi32, #tpu.memory_space<vmem>> -> memref<128xi32, #tpu.memory_space<vmem>>
        %dma_start3A_134 = arith.constant 0 : i32
        %dma_start3A_135 = arith.constant 0 : i32
        %dma_start3A_136 = tpu.memref_slice %arg3[%dma_start3A_134, %dma_start3A_135] : memref<10000x128xf32, #tpu.memory_space<hbm>> -> memref<10000x128xf32, #tpu.memory_space<hbm>>
        tpu.enqueue_indirect_dma source(%dma_start3A_136 : memref<10000x128xf32, #tpu.memory_space<hbm>>) target(%dma_start3A_130 : memref<128x128xf32, #tpu.memory_space<vmem>>) offsets(%dma_start3A_133 : memref<128xi32, #tpu.memory_space<vmem>>) semaphore(%arg13 : memref<!tpu.dma_semaphore, #tpu.memory_space<semaphore_mem>>)
      } else {
      }
      %dma_wait3A_59 = arith.constant 0 : i32
      %dma_wait3A_60 = arith.constant 0 : i32
      %dma_wait3A_61 = arith.constant 0 : i32
      %dma_wait3A_62 = arith.constant 0 : i32
      %dma_wait3A_63 = tpu.memref_slice %arg10[%dma_wait3A_60, %dma_wait3A_61, %dma_wait3A_62] : memref<2x128x128xf32, #tpu.memory_space<vmem>> -> memref<1x128x128xf32, #tpu.memory_space<vmem>>
      %dma_wait3A_64 = tpu.memref_squeeze %dma_wait3A_63 : memref<1x128x128xf32, #tpu.memory_space<vmem>> -> memref<128x128xf32, #tpu.memory_space<vmem>>
      %dma_wait3A_65 = arith.constant 0 : i32
      %dma_wait3A_66 = tpu.memref_slice %arg8[%rem3A_38, %dma_wait3A_59, %dma_wait3A_65] : memref<2x2x128xi32, #tpu.memory_space<vmem>> -> memref<1x1x128xi32, #tpu.memory_space<vmem>>
      %dma_wait3A_67 = tpu.memref_squeeze %dma_wait3A_66 : memref<1x1x128xi32, #tpu.memory_space<vmem>> -> memref<128xi32, #tpu.memory_space<vmem>>
      %dma_wait3A_68 = arith.constant 0 : i32
      %dma_wait3A_69 = arith.constant 0 : i32
      %dma_wait3A_70 = tpu.memref_slice %arg2[%dma_wait3A_68, %dma_wait3A_69] : memref<10000x128xf32, #tpu.memory_space<hbm>> -> memref<10000x128xf32, #tpu.memory_space<hbm>>
      tpu.wait_indirect_dma semaphore(%arg12 : memref<!tpu.dma_semaphore, #tpu.memory_space<semaphore_mem>>) src(%dma_wait3A_70 : memref<10000x128xf32, #tpu.memory_space<hbm>>) dst(%dma_wait3A_64 : memref<128x128xf32, #tpu.memory_space<vmem>>)
      %dma_start3A = arith.constant 0 : i32
      %dma_start3A_71 = arith.constant 0 : i32
      %dma_start3A_72 = arith.constant 0 : i32
      %dma_start3A_73 = arith.constant 0 : i32
      %dma_start3A_74 = tpu.memref_slice %arg10[%dma_start3A, %dma_start3A_72, %dma_start3A_73] : memref<2x128x128xf32, #tpu.memory_space<vmem>> -> memref<1x128x128xf32, #tpu.memory_space<vmem>>
      %dma_start3A_75 = tpu.memref_squeeze %dma_start3A_74 : memref<1x128x128xf32, #tpu.memory_space<vmem>> -> memref<128x128xf32, #tpu.memory_space<vmem>>
      %dma_start3A_76 = arith.constant 0 : i32
      %dma_start3A_77 = tpu.memref_slice %arg9[%rem3A_38, %dma_start3A_71, %dma_start3A_76] : memref<2x2x128xi32, #tpu.memory_space<vmem>> -> memref<1x1x128xi32, #tpu.memory_space<vmem>>
      %dma_start3A_78 = tpu.memref_squeeze %dma_start3A_77 : memref<1x1x128xi32, #tpu.memory_space<vmem>> -> memref<128xi32, #tpu.memory_space<vmem>>
      %dma_start3A_79 = arith.constant 0 : i32
      %dma_start3A_80 = arith.constant 0 : i32
      %dma_start3A_81 = tpu.memref_slice %arg11[%dma_start3A_79, %dma_start3A_80] : memref<10240x128xf32, #tpu.memory_space<vmem_shared>> -> memref<10240x128xf32, #tpu.memory_space<vmem_shared>>
      tpu.enqueue_indirect_dma source(%dma_start3A_75 : memref<128x128xf32, #tpu.memory_space<vmem>>) target(%dma_start3A_81 : memref<10240x128xf32, #tpu.memory_space<vmem_shared>>) offsets(%dma_start3A_78 : memref<128xi32, #tpu.memory_space<vmem>>) semaphore(%arg14 : memref<!tpu.dma_semaphore, #tpu.memory_space<semaphore_mem>>) {add = true}
      %dma_wait3A_82 = arith.constant 1 : i32
      %dma_wait3A_83 = arith.constant 1 : i32
      %dma_wait3A_84 = arith.constant 0 : i32
      %dma_wait3A_85 = arith.constant 0 : i32
      %dma_wait3A_86 = tpu.memref_slice %arg10[%dma_wait3A_83, %dma_wait3A_84, %dma_wait3A_85] : memref<2x128x128xf32, #tpu.memory_space<vmem>> -> memref<1x128x128xf32, #tpu.memory_space<vmem>>
      %dma_wait3A_87 = tpu.memref_squeeze %dma_wait3A_86 : memref<1x128x128xf32, #tpu.memory_space<vmem>> -> memref<128x128xf32, #tpu.memory_space<vmem>>
      %dma_wait3A_88 = arith.constant 0 : i32
      %dma_wait3A_89 = tpu.memref_slice %arg8[%rem3A_38, %dma_wait3A_82, %dma_wait3A_88] : memref<2x2x128xi32, #tpu.memory_space<vmem>> -> memref<1x1x128xi32, #tpu.memory_space<vmem>>
      %dma_wait3A_90 = tpu.memref_squeeze %dma_wait3A_89 : memref<1x1x128xi32, #tpu.memory_space<vmem>> -> memref<128xi32, #tpu.memory_space<vmem>>
      %dma_wait3A_91 = arith.constant 0 : i32
      %dma_wait3A_92 = arith.constant 0 : i32
      %dma_wait3A_93 = tpu.memref_slice %arg2[%dma_wait3A_91, %dma_wait3A_92] : memref<10000x128xf32, #tpu.memory_space<hbm>> -> memref<10000x128xf32, #tpu.memory_space<hbm>>
      tpu.wait_indirect_dma semaphore(%arg13 : memref<!tpu.dma_semaphore, #tpu.memory_space<semaphore_mem>>) src(%dma_wait3A_93 : memref<10000x128xf32, #tpu.memory_space<hbm>>) dst(%dma_wait3A_87 : memref<128x128xf32, #tpu.memory_space<vmem>>)
      %dma_start3A_94 = arith.constant 1 : i32
      %dma_start3A_95 = arith.constant 1 : i32
      %dma_start3A_96 = arith.constant 0 : i32
      %dma_start3A_97 = arith.constant 0 : i32
      %dma_start3A_98 = tpu.memref_slice %arg10[%dma_start3A_94, %dma_start3A_96, %dma_start3A_97] : memref<2x128x128xf32, #tpu.memory_space<vmem>> -> memref<1x128x128xf32, #tpu.memory_space<vmem>>
      %dma_start3A_99 = tpu.memref_squeeze %dma_start3A_98 : memref<1x128x128xf32, #tpu.memory_space<vmem>> -> memref<128x128xf32, #tpu.memory_space<vmem>>
      %dma_start3A_100 = arith.constant 0 : i32
      %dma_start3A_101 = tpu.memref_slice %arg9[%rem3A_38, %dma_start3A_95, %dma_start3A_100] : memref<2x2x128xi32, #tpu.memory_space<vmem>> -> memref<1x1x128xi32, #tpu.memory_space<vmem>>
      %dma_start3A_102 = tpu.memref_squeeze %dma_start3A_101 : memref<1x1x128xi32, #tpu.memory_space<vmem>> -> memref<128xi32, #tpu.memory_space<vmem>>
      %dma_start3A_103 = arith.constant 0 : i32
      %dma_start3A_104 = arith.constant 0 : i32
      %dma_start3A_105 = tpu.memref_slice %arg11[%dma_start3A_103, %dma_start3A_104] : memref<10240x128xf32, #tpu.memory_space<vmem_shared>> -> memref<10240x128xf32, #tpu.memory_space<vmem_shared>>
      tpu.enqueue_indirect_dma source(%dma_start3A_99 : memref<128x128xf32, #tpu.memory_space<vmem>>) target(%dma_start3A_105 : memref<10240x128xf32, #tpu.memory_space<vmem_shared>>) offsets(%dma_start3A_102 : memref<128xi32, #tpu.memory_space<vmem>>) semaphore(%arg14 : memref<!tpu.dma_semaphore, #tpu.memory_space<semaphore_mem>>) {add = true}
      %add3A_106 = arith.constant 1 : i32
      %add3A_107 = arith.addi %scan3A_37, %add3A_106 : i32
      %lt3A_108 = arith.constant 80 : i32
      %lt3A_109 = arith.cmpi slt, %add3A_107, %lt3A_108 : i32
      %convert_element_type3A_110 = arith.extui %lt3A_109 : i1 to i32
      %cond3A_111 = arith.constant 0 : i32
      %cond3A_112 = arith.cmpi ne, %convert_element_type3A_110, %cond3A_111 : i32
      scf.if %cond3A_112 {
        %add3A_113 = arith.constant 2 : i32
        %add3A_114 = arith.addi %add3A_41, %add3A_113 : i32
        %sub3A = arith.constant 1 : i32
        %sub3A_115 = arith.subi %sub3A, %rem3A_38 : i32
        %dma_wait3A_116 = arith.constant 0 : i32
        %dma_wait3A_117 = arith.constant 0 : i32
        %dma_wait3A_118 = tpu.memref_slice %arg8[%sub3A_115, %dma_wait3A_116, %dma_wait3A_117] : memref<2x2x128xi32, #tpu.memory_space<vmem>> -> memref<1x2x128xi32, #tpu.memory_space<vmem>>
        %dma_wait3A_119 = tpu.memref_squeeze %dma_wait3A_118 : memref<1x2x128xi32, #tpu.memory_space<vmem>> -> memref<2x128xi32, #tpu.memory_space<vmem>>
        %dma_wait3A_120 = arith.constant 0 : i32
        %dma_wait3A_121 = tpu.memref_slice %arg4[%add3A_114, %dma_wait3A_120] : memref<2560x128xi32, #tpu.memory_space<hbm>> -> memref<2x128xi32, #tpu.memory_space<hbm>>
        %dma_wait3A_122 = arith.constant 0 : i32
        %dma_wait3A_123 = arith.constant 0 : i32
        %dma_wait3A_124 = tpu.memref_slice %arg8[%sub3A_115, %dma_wait3A_122, %dma_wait3A_123] : memref<2x2x128xi32, #tpu.memory_space<vmem>> -> memref<1x2x128xi32, #tpu.memory_space<vmem>>
        %dma_wait3A_125 = tpu.memref_squeeze %dma_wait3A_124 : memref<1x2x128xi32, #tpu.memory_space<vmem>> -> memref<2x128xi32, #tpu.memory_space<vmem>>
        %dma_wait3A_126 = arith.constant 0 : i32
        %dma_wait3A_127 = tpu.memref_slice %arg4[%add3A_114, %dma_wait3A_126] : memref<2560x128xi32, #tpu.memory_space<hbm>> -> memref<2x128xi32, #tpu.memory_space<hbm>>
        tpu.wait_dma2 semaphore(%arg15 : memref<!tpu.dma_semaphore, #tpu.memory_space<semaphore_mem>>) src(%dma_wait3A_127 : memref<2x128xi32, #tpu.memory_space<hbm>>) dst(%dma_wait3A_125 : memref<2x128xi32, #tpu.memory_space<vmem>>)
        %add3A_128 = arith.constant 2 : i32
        %add3A_129 = arith.addi %add3A_41, %add3A_128 : i32
        %sub3A_130 = arith.constant 1 : i32
        %sub3A_131 = arith.subi %sub3A_130, %rem3A_38 : i32
        %dma_wait3A_132 = arith.constant 0 : i32
        %dma_wait3A_133 = arith.constant 0 : i32
        %dma_wait3A_134 = tpu.memref_slice %arg9[%sub3A_131, %dma_wait3A_132, %dma_wait3A_133] : memref<2x2x128xi32, #tpu.memory_space<vmem>> -> memref<1x2x128xi32, #tpu.memory_space<vmem>>
        %dma_wait3A_135 = tpu.memref_squeeze %dma_wait3A_134 : memref<1x2x128xi32, #tpu.memory_space<vmem>> -> memref<2x128xi32, #tpu.memory_space<vmem>>
        %dma_wait3A_136 = arith.constant 0 : i32
        %dma_wait3A_137 = tpu.memref_slice %arg5[%add3A_129, %dma_wait3A_136] : memref<2560x128xi32, #tpu.memory_space<hbm>> -> memref<2x128xi32, #tpu.memory_space<hbm>>
        %dma_wait3A_138 = arith.constant 0 : i32
        %dma_wait3A_139 = arith.constant 0 : i32
        %dma_wait3A_140 = tpu.memref_slice %arg9[%sub3A_131, %dma_wait3A_138, %dma_wait3A_139] : memref<2x2x128xi32, #tpu.memory_space<vmem>> -> memref<1x2x128xi32, #tpu.memory_space<vmem>>
        %dma_wait3A_141 = tpu.memref_squeeze %dma_wait3A_140 : memref<1x2x128xi32, #tpu.memory_space<vmem>> -> memref<2x128xi32, #tpu.memory_space<vmem>>
        %dma_wait3A_142 = arith.constant 0 : i32
        %dma_wait3A_143 = tpu.memref_slice %arg5[%add3A_129, %dma_wait3A_142] : memref<2560x128xi32, #tpu.memory_space<hbm>> -> memref<2x128xi32, #tpu.memory_space<hbm>>
        tpu.wait_dma2 semaphore(%arg15 : memref<!tpu.dma_semaphore, #tpu.memory_space<semaphore_mem>>) src(%dma_wait3A_143 : memref<2x128xi32, #tpu.memory_space<hbm>>) dst(%dma_wait3A_141 : memref<2x128xi32, #tpu.memory_space<vmem>>)
      } else {
      }
    }
    %scan3A_8 = arith.constant 80 : i32
    %dma_wait3A = arith.constant 0 : i32
    %dma_wait3A_9 = arith.constant 1 : i32
    %dma_wait3A_10 = arith.constant 0 : i32
    %dma_wait3A_11 = arith.constant 0 : i32
    %dma_wait3A_12 = arith.constant 0 : i32
    %dma_wait3A_13 = tpu.memref_slice %arg10[%dma_wait3A, %dma_wait3A_11, %dma_wait3A_12] : memref<2x128x128xf32, #tpu.memory_space<vmem>> -> memref<1x128x128xf32, #tpu.memory_space<vmem>>
    %dma_wait3A_14 = tpu.memref_squeeze %dma_wait3A_13 : memref<1x128x128xf32, #tpu.memory_space<vmem>> -> memref<128x128xf32, #tpu.memory_space<vmem>>
    %dma_wait3A_15 = arith.constant 0 : i32
    %dma_wait3A_16 = tpu.memref_slice %arg9[%dma_wait3A_9, %dma_wait3A_10, %dma_wait3A_15] : memref<2x2x128xi32, #tpu.memory_space<vmem>> -> memref<1x1x128xi32, #tpu.memory_space<vmem>>
    %dma_wait3A_17 = tpu.memref_squeeze %dma_wait3A_16 : memref<1x1x128xi32, #tpu.memory_space<vmem>> -> memref<128xi32, #tpu.memory_space<vmem>>
    %dma_wait3A_18 = arith.constant 0 : i32
    %dma_wait3A_19 = arith.constant 0 : i32
    %dma_wait3A_20 = tpu.memref_slice %arg11[%dma_wait3A_18, %dma_wait3A_19] : memref<10240x128xf32, #tpu.memory_space<vmem_shared>> -> memref<10240x128xf32, #tpu.memory_space<vmem_shared>>
    tpu.wait_indirect_dma semaphore(%arg14 : memref<!tpu.dma_semaphore, #tpu.memory_space<semaphore_mem>>) src(%dma_wait3A_14 : memref<128x128xf32, #tpu.memory_space<vmem>>) dst(%dma_wait3A_20 : memref<10240x128xf32, #tpu.memory_space<vmem_shared>>)
    %dma_wait3A_21 = arith.constant 1 : i32
    %dma_wait3A_22 = arith.constant 1 : i32
    %dma_wait3A_23 = arith.constant 1 : i32
    %dma_wait3A_24 = arith.constant 0 : i32
    %dma_wait3A_25 = arith.constant 0 : i32
    %dma_wait3A_26 = tpu.memref_slice %arg10[%dma_wait3A_21, %dma_wait3A_24, %dma_wait3A_25] : memref<2x128x128xf32, #tpu.memory_space<vmem>> -> memref<1x128x128xf32, #tpu.memory_space<vmem>>
    %dma_wait3A_27 = tpu.memref_squeeze %dma_wait3A_26 : memref<1x128x128xf32, #tpu.memory_space<vmem>> -> memref<128x128xf32, #tpu.memory_space<vmem>>
    %dma_wait3A_28 = arith.constant 0 : i32
    %dma_wait3A_29 = tpu.memref_slice %arg9[%dma_wait3A_22, %dma_wait3A_23, %dma_wait3A_28] : memref<2x2x128xi32, #tpu.memory_space<vmem>> -> memref<1x1x128xi32, #tpu.memory_space<vmem>>
    %dma_wait3A_30 = tpu.memref_squeeze %dma_wait3A_29 : memref<1x1x128xi32, #tpu.memory_space<vmem>> -> memref<128xi32, #tpu.memory_space<vmem>>
    %dma_wait3A_31 = arith.constant 0 : i32
    %dma_wait3A_32 = arith.constant 0 : i32
    %dma_wait3A_33 = tpu.memref_slice %arg11[%dma_wait3A_31, %dma_wait3A_32] : memref<10240x128xf32, #tpu.memory_space<vmem_shared>> -> memref<10240x128xf32, #tpu.memory_space<vmem_shared>>
    tpu.wait_indirect_dma semaphore(%arg14 : memref<!tpu.dma_semaphore, #tpu.memory_space<semaphore_mem>>) src(%dma_wait3A_27 : memref<128x128xf32, #tpu.memory_space<vmem>>) dst(%dma_wait3A_33 : memref<10240x128xf32, #tpu.memory_space<vmem_shared>>)
    %barrier3A_34 = arith.constant 0 : index
    tpu.barrier barrier_id(%barrier3A_34)
    %mul3A_35 = arith.constant 10240 : i32
    %mul3A_36 = arith.muli %arg0, %mul3A_35 : i32
    %add3A = arith.addi %mul3A_36, %mul3A_0 : i32
    "tpu.region"() ({
      %run_scoped3A_37 = tpu.sem_alloc : memref<!tpu.dma_semaphore, #tpu.memory_space<semaphore_mem>>
      %dma_start3A = arith.constant 0 : i32
      %dma_start3A_38 = tpu.memref_slice %arg7[%add3A, %dma_start3A] : memref<20480x128xf32, #tpu.memory_space<hbm>> -> memref<640x128xf32, #tpu.memory_space<hbm>>
      %dma_start3A_39 = arith.constant 0 : i32
      %dma_start3A_40 = tpu.memref_slice %arg11[%mul3A_0, %dma_start3A_39] : memref<10240x128xf32, #tpu.memory_space<vmem_shared>> -> memref<640x128xf32, #tpu.memory_space<vmem_shared>>
      tpu.enqueue_dma source(%dma_start3A_40 : memref<640x128xf32, #tpu.memory_space<vmem_shared>>) target(%dma_start3A_38 : memref<640x128xf32, #tpu.memory_space<hbm>>) target_semaphore(%run_scoped3A_37 : memref<!tpu.dma_semaphore, #tpu.memory_space<semaphore_mem>>)
      %dma_wait3A_41 = arith.constant 0 : i32
      %dma_wait3A_42 = tpu.memref_slice %arg7[%add3A, %dma_wait3A_41] : memref<20480x128xf32, #tpu.memory_space<hbm>> -> memref<640x128xf32, #tpu.memory_space<hbm>>
      %dma_wait3A_43 = arith.constant 0 : i32
      %dma_wait3A_44 = tpu.memref_slice %arg11[%mul3A_0, %dma_wait3A_43] : memref<10240x128xf32, #tpu.memory_space<vmem_shared>> -> memref<640x128xf32, #tpu.memory_space<vmem_shared>>
      tpu.wait_dma2 semaphore(%run_scoped3A_37 : memref<!tpu.dma_semaphore, #tpu.memory_space<semaphore_mem>>) src(%dma_wait3A_44 : memref<640x128xf32, #tpu.memory_space<vmem_shared>>) dst(%dma_wait3A_42 : memref<640x128xf32, #tpu.memory_space<hbm>>)
      tpu.yield
    }) : () -> ()
    return
  }
}

#map = affine_map<(d0, d1) -> (0, 0)>
module attributes {stable_mosaic.version = 14 : i64} {
  func.func @k(%arg0: i32, %arg1: i32, %arg2: memref<10000x128xf32, #tpu.memory_space<hbm>>, %arg3: memref<2560x128xi32, #tpu.memory_space<hbm>>, %arg4: memref<2560x128xi32, #tpu.memory_space<hbm>>, %arg5: memref<10240x128xf32, #tpu.memory_space<hbm>>, %arg6: memref<20480x128xf32, #tpu.memory_space<hbm>>, %arg7: memref<2x2x128xi32, #tpu.memory_space<vmem>>, %arg8: memref<2x2x128xi32, #tpu.memory_space<vmem>>, %arg9: memref<2x128x128xf32, #tpu.memory_space<vmem>>, %arg10: memref<10240x128xf32, #tpu.memory_space<vmem_shared>>, %arg11: memref<!tpu.dma_semaphore, #tpu.memory_space<semaphore_mem>>, %arg12: memref<!tpu.dma_semaphore, #tpu.memory_space<semaphore_mem>>, %arg13: memref<!tpu.dma_semaphore, #tpu.memory_space<semaphore_mem>>, %arg14: memref<!tpu.dma_semaphore, #tpu.memory_space<semaphore_mem>>) attributes {dimension_semantics = [#tpu.dimension_semantics<core_parallel>, #tpu.dimension_semantics<subcore_parallel>], iteration_bounds = array<i64: 2, 16>, scalar_prefetch = 0 : i64, scratch_operands = 8 : i64, tpu.core_type = #tpu.core_type<sc_vector_subcore>, window_params = [{transform_indices = #map}, {transform_indices = #map}, {transform_indices = #map}, {transform_indices = #map}, {transform_indices = #map}]} {
    %mul3A = arith.constant 640 : i32
    %mul3A_0 = arith.muli %arg1, %mul3A : i32
    "tpu.region"() ({
      %run_scoped3A_40 = tpu.sem_alloc : memref<!tpu.dma_semaphore, #tpu.memory_space<semaphore_mem>>
      %dma_start3A = arith.constant 0 : i32
      %dma_start3A_41 = tpu.memref_slice %arg10[%mul3A_0, %dma_start3A] : memref<10240x128xf32, #tpu.memory_space<vmem_shared>> -> memref<640x128xf32, #tpu.memory_space<vmem_shared>>
      %dma_start3A_42 = arith.constant 0 : i32
      %dma_start3A_43 = tpu.memref_slice %arg5[%mul3A_0, %dma_start3A_42] : memref<10240x128xf32, #tpu.memory_space<hbm>> -> memref<640x128xf32, #tpu.memory_space<hbm>>
      tpu.enqueue_dma source(%dma_start3A_43 : memref<640x128xf32, #tpu.memory_space<hbm>>) target(%dma_start3A_41 : memref<640x128xf32, #tpu.memory_space<vmem_shared>>) target_semaphore(%run_scoped3A_40 : memref<!tpu.dma_semaphore, #tpu.memory_space<semaphore_mem>>)
      %dma_wait3A_44 = arith.constant 0 : i32
      %dma_wait3A_45 = tpu.memref_slice %arg10[%mul3A_0, %dma_wait3A_44] : memref<10240x128xf32, #tpu.memory_space<vmem_shared>> -> memref<640x128xf32, #tpu.memory_space<vmem_shared>>
      %dma_wait3A_46 = arith.constant 0 : i32
      %dma_wait3A_47 = tpu.memref_slice %arg5[%mul3A_0, %dma_wait3A_46] : memref<10240x128xf32, #tpu.memory_space<hbm>> -> memref<640x128xf32, #tpu.memory_space<hbm>>
      tpu.wait_dma2 semaphore(%run_scoped3A_40 : memref<!tpu.dma_semaphore, #tpu.memory_space<semaphore_mem>>) src(%dma_wait3A_47 : memref<640x128xf32, #tpu.memory_space<hbm>>) dst(%dma_wait3A_45 : memref<640x128xf32, #tpu.memory_space<vmem_shared>>)
      tpu.yield
    }) : () -> ()
    %barrier3A = arith.constant 0 : index
    tpu.barrier barrier_id(%barrier3A)
    %mul3A_1 = arith.constant 16 : i32
    %mul3A_2 = arith.muli %arg0, %mul3A_1 : i32
    %add3A = arith.addi %mul3A_2, %arg1 : i32
    %mul3A_3 = arith.constant 80 : i32
    %mul3A_4 = arith.muli %add3A, %mul3A_3 : i32
    %run_scoped3A = arith.constant 0 : i32
    "tpu.region"() ({
      %run_scoped3A_40 = tpu.sem_alloc : memref<!tpu.dma_semaphore, #tpu.memory_space<semaphore_mem>>
      %dma_start3A = arith.constant 0 : i32
      %dma_start3A_41 = arith.constant 0 : i32
      %dma_start3A_42 = tpu.memref_slice %arg7[%run_scoped3A, %dma_start3A, %dma_start3A_41] : memref<2x2x128xi32, #tpu.memory_space<vmem>> -> memref<1x2x128xi32, #tpu.memory_space<vmem>>
      %dma_start3A_43 = tpu.memref_squeeze %dma_start3A_42 : memref<1x2x128xi32, #tpu.memory_space<vmem>> -> memref<2x128xi32, #tpu.memory_space<vmem>>
      %dma_start3A_44 = arith.constant 0 : i32
      %dma_start3A_45 = tpu.memref_slice %arg3[%mul3A_4, %dma_start3A_44] : memref<2560x128xi32, #tpu.memory_space<hbm>> -> memref<2x128xi32, #tpu.memory_space<hbm>>
      %dma_start3A_46 = arith.constant 0 : i32
      %dma_start3A_47 = arith.constant 0 : i32
      %dma_start3A_48 = tpu.memref_slice %arg7[%run_scoped3A, %dma_start3A_46, %dma_start3A_47] : memref<2x2x128xi32, #tpu.memory_space<vmem>> -> memref<1x2x128xi32, #tpu.memory_space<vmem>>
      %dma_start3A_49 = tpu.memref_squeeze %dma_start3A_48 : memref<1x2x128xi32, #tpu.memory_space<vmem>> -> memref<2x128xi32, #tpu.memory_space<vmem>>
      %dma_start3A_50 = arith.constant 0 : i32
      %dma_start3A_51 = tpu.memref_slice %arg3[%mul3A_4, %dma_start3A_50] : memref<2560x128xi32, #tpu.memory_space<hbm>> -> memref<2x128xi32, #tpu.memory_space<hbm>>
      tpu.enqueue_dma source(%dma_start3A_51 : memref<2x128xi32, #tpu.memory_space<hbm>>) target(%dma_start3A_49 : memref<2x128xi32, #tpu.memory_space<vmem>>) target_semaphore(%run_scoped3A_40 : memref<!tpu.dma_semaphore, #tpu.memory_space<semaphore_mem>>)
      %dma_wait3A_52 = arith.constant 0 : i32
      %dma_wait3A_53 = arith.constant 0 : i32
      %dma_wait3A_54 = tpu.memref_slice %arg7[%run_scoped3A, %dma_wait3A_52, %dma_wait3A_53] : memref<2x2x128xi32, #tpu.memory_space<vmem>> -> memref<1x2x128xi32, #tpu.memory_space<vmem>>
      %dma_wait3A_55 = tpu.memref_squeeze %dma_wait3A_54 : memref<1x2x128xi32, #tpu.memory_space<vmem>> -> memref<2x128xi32, #tpu.memory_space<vmem>>
      %dma_wait3A_56 = arith.constant 0 : i32
      %dma_wait3A_57 = tpu.memref_slice %arg3[%mul3A_4, %dma_wait3A_56] : memref<2560x128xi32, #tpu.memory_space<hbm>> -> memref<2x128xi32, #tpu.memory_space<hbm>>
      %dma_wait3A_58 = arith.constant 0 : i32
      %dma_wait3A_59 = arith.constant 0 : i32
      %dma_wait3A_60 = tpu.memref_slice %arg7[%run_scoped3A, %dma_wait3A_58, %dma_wait3A_59] : memref<2x2x128xi32, #tpu.memory_space<vmem>> -> memref<1x2x128xi32, #tpu.memory_space<vmem>>
      %dma_wait3A_61 = tpu.memref_squeeze %dma_wait3A_60 : memref<1x2x128xi32, #tpu.memory_space<vmem>> -> memref<2x128xi32, #tpu.memory_space<vmem>>
      %dma_wait3A_62 = arith.constant 0 : i32
      %dma_wait3A_63 = tpu.memref_slice %arg3[%mul3A_4, %dma_wait3A_62] : memref<2560x128xi32, #tpu.memory_space<hbm>> -> memref<2x128xi32, #tpu.memory_space<hbm>>
      tpu.wait_dma2 semaphore(%run_scoped3A_40 : memref<!tpu.dma_semaphore, #tpu.memory_space<semaphore_mem>>) src(%dma_wait3A_63 : memref<2x128xi32, #tpu.memory_space<hbm>>) dst(%dma_wait3A_61 : memref<2x128xi32, #tpu.memory_space<vmem>>)
      tpu.yield
    }) : () -> ()
    %run_scoped3A_5 = arith.constant 0 : i32
    "tpu.region"() ({
      %run_scoped3A_40 = tpu.sem_alloc : memref<!tpu.dma_semaphore, #tpu.memory_space<semaphore_mem>>
      %dma_start3A = arith.constant 0 : i32
      %dma_start3A_41 = arith.constant 0 : i32
      %dma_start3A_42 = tpu.memref_slice %arg8[%run_scoped3A_5, %dma_start3A, %dma_start3A_41] : memref<2x2x128xi32, #tpu.memory_space<vmem>> -> memref<1x2x128xi32, #tpu.memory_space<vmem>>
      %dma_start3A_43 = tpu.memref_squeeze %dma_start3A_42 : memref<1x2x128xi32, #tpu.memory_space<vmem>> -> memref<2x128xi32, #tpu.memory_space<vmem>>
      %dma_start3A_44 = arith.constant 0 : i32
      %dma_start3A_45 = tpu.memref_slice %arg4[%mul3A_4, %dma_start3A_44] : memref<2560x128xi32, #tpu.memory_space<hbm>> -> memref<2x128xi32, #tpu.memory_space<hbm>>
      %dma_start3A_46 = arith.constant 0 : i32
      %dma_start3A_47 = arith.constant 0 : i32
      %dma_start3A_48 = tpu.memref_slice %arg8[%run_scoped3A_5, %dma_start3A_46, %dma_start3A_47] : memref<2x2x128xi32, #tpu.memory_space<vmem>> -> memref<1x2x128xi32, #tpu.memory_space<vmem>>
      %dma_start3A_49 = tpu.memref_squeeze %dma_start3A_48 : memref<1x2x128xi32, #tpu.memory_space<vmem>> -> memref<2x128xi32, #tpu.memory_space<vmem>>
      %dma_start3A_50 = arith.constant 0 : i32
      %dma_start3A_51 = tpu.memref_slice %arg4[%mul3A_4, %dma_start3A_50] : memref<2560x128xi32, #tpu.memory_space<hbm>> -> memref<2x128xi32, #tpu.memory_space<hbm>>
      tpu.enqueue_dma source(%dma_start3A_51 : memref<2x128xi32, #tpu.memory_space<hbm>>) target(%dma_start3A_49 : memref<2x128xi32, #tpu.memory_space<vmem>>) target_semaphore(%run_scoped3A_40 : memref<!tpu.dma_semaphore, #tpu.memory_space<semaphore_mem>>)
      %dma_wait3A_52 = arith.constant 0 : i32
      %dma_wait3A_53 = arith.constant 0 : i32
      %dma_wait3A_54 = tpu.memref_slice %arg8[%run_scoped3A_5, %dma_wait3A_52, %dma_wait3A_53] : memref<2x2x128xi32, #tpu.memory_space<vmem>> -> memref<1x2x128xi32, #tpu.memory_space<vmem>>
      %dma_wait3A_55 = tpu.memref_squeeze %dma_wait3A_54 : memref<1x2x128xi32, #tpu.memory_space<vmem>> -> memref<2x128xi32, #tpu.memory_space<vmem>>
      %dma_wait3A_56 = arith.constant 0 : i32
      %dma_wait3A_57 = tpu.memref_slice %arg4[%mul3A_4, %dma_wait3A_56] : memref<2560x128xi32, #tpu.memory_space<hbm>> -> memref<2x128xi32, #tpu.memory_space<hbm>>
      %dma_wait3A_58 = arith.constant 0 : i32
      %dma_wait3A_59 = arith.constant 0 : i32
      %dma_wait3A_60 = tpu.memref_slice %arg8[%run_scoped3A_5, %dma_wait3A_58, %dma_wait3A_59] : memref<2x2x128xi32, #tpu.memory_space<vmem>> -> memref<1x2x128xi32, #tpu.memory_space<vmem>>
      %dma_wait3A_61 = tpu.memref_squeeze %dma_wait3A_60 : memref<1x2x128xi32, #tpu.memory_space<vmem>> -> memref<2x128xi32, #tpu.memory_space<vmem>>
      %dma_wait3A_62 = arith.constant 0 : i32
      %dma_wait3A_63 = tpu.memref_slice %arg4[%mul3A_4, %dma_wait3A_62] : memref<2560x128xi32, #tpu.memory_space<hbm>> -> memref<2x128xi32, #tpu.memory_space<hbm>>
      tpu.wait_dma2 semaphore(%run_scoped3A_40 : memref<!tpu.dma_semaphore, #tpu.memory_space<semaphore_mem>>) src(%dma_wait3A_63 : memref<2x128xi32, #tpu.memory_space<hbm>>) dst(%dma_wait3A_61 : memref<2x128xi32, #tpu.memory_space<vmem>>)
      tpu.yield
    }) : () -> ()
    %scan3A = arith.constant 0 : i32
    %scan3A_6 = arith.constant 0 : i32
    %scan3A_7 = arith.constant 40 : i32
    %scan3A_8 = arith.addi %scan3A_6, %scan3A_7 : i32
    %scan3A_9 = arith.constant 1 : i32
    scf.for %scan3A_40 = %scan3A_6 to %scan3A_8 step %scan3A_9  : i32 {
      %rem3A = arith.constant 2 : i32
      %rem3A_41 = arith.remsi %scan3A_40, %rem3A : i32
      %mul3A_42 = arith.constant 2 : i32
      %mul3A_43 = arith.muli %scan3A_40, %mul3A_42 : i32
      %add3A_44 = arith.addi %mul3A_4, %mul3A_43 : i32
      %gt3A = arith.constant 0 : i32
      %gt3A_45 = arith.cmpi sgt, %scan3A_40, %gt3A : i32
      %convert_element_type3A = arith.extui %gt3A_45 : i1 to i32
      %cond3A = arith.constant 0 : i32
      %cond3A_46 = arith.cmpi ne, %convert_element_type3A, %cond3A : i32
      scf.if %cond3A_46 {
        %sub3A = arith.constant 1 : i32
        %sub3A_131 = arith.subi %sub3A, %rem3A_41 : i32
        %dma_wait3A_132 = arith.constant 0 : i32
        %dma_wait3A_133 = arith.constant 0 : i32
        %dma_wait3A_134 = arith.constant 0 : i32
        %dma_wait3A_135 = arith.constant 0 : i32
        %dma_wait3A_136 = tpu.memref_slice %arg9[%dma_wait3A_132, %dma_wait3A_134, %dma_wait3A_135] : memref<2x128x128xf32, #tpu.memory_space<vmem>> -> memref<1x128x128xf32, #tpu.memory_space<vmem>>
        %dma_wait3A_137 = tpu.memref_squeeze %dma_wait3A_136 : memref<1x128x128xf32, #tpu.memory_space<vmem>> -> memref<128x128xf32, #tpu.memory_space<vmem>>
        %dma_wait3A_138 = arith.constant 0 : i32
        %dma_wait3A_139 = tpu.memref_slice %arg8[%sub3A_131, %dma_wait3A_133, %dma_wait3A_138] : memref<2x2x128xi32, #tpu.memory_space<vmem>> -> memref<1x1x128xi32, #tpu.memory_space<vmem>>
        %dma_wait3A_140 = tpu.memref_squeeze %dma_wait3A_139 : memref<1x1x128xi32, #tpu.memory_space<vmem>> -> memref<128xi32, #tpu.memory_space<vmem>>
        %dma_wait3A_141 = arith.constant 0 : i32
        %dma_wait3A_142 = arith.constant 0 : i32
        %dma_wait3A_143 = tpu.memref_slice %arg10[%dma_wait3A_141, %dma_wait3A_142] : memref<10240x128xf32, #tpu.memory_space<vmem_shared>> -> memref<10240x128xf32, #tpu.memory_space<vmem_shared>>
        tpu.wait_indirect_dma semaphore(%arg13 : memref<!tpu.dma_semaphore, #tpu.memory_space<semaphore_mem>>) src(%dma_wait3A_137 : memref<128x128xf32, #tpu.memory_space<vmem>>) dst(%dma_wait3A_143 : memref<10240x128xf32, #tpu.memory_space<vmem_shared>>)
        %sub3A_144 = arith.constant 1 : i32
        %sub3A_145 = arith.subi %sub3A_144, %rem3A_41 : i32
        %dma_wait3A_146 = arith.constant 1 : i32
        %dma_wait3A_147 = arith.constant 1 : i32
        %dma_wait3A_148 = arith.constant 0 : i32
        %dma_wait3A_149 = arith.constant 0 : i32
        %dma_wait3A_150 = tpu.memref_slice %arg9[%dma_wait3A_146, %dma_wait3A_148, %dma_wait3A_149] : memref<2x128x128xf32, #tpu.memory_space<vmem>> -> memref<1x128x128xf32, #tpu.memory_space<vmem>>
        %dma_wait3A_151 = tpu.memref_squeeze %dma_wait3A_150 : memref<1x128x128xf32, #tpu.memory_space<vmem>> -> memref<128x128xf32, #tpu.memory_space<vmem>>
        %dma_wait3A_152 = arith.constant 0 : i32
        %dma_wait3A_153 = tpu.memref_slice %arg8[%sub3A_145, %dma_wait3A_147, %dma_wait3A_152] : memref<2x2x128xi32, #tpu.memory_space<vmem>> -> memref<1x1x128xi32, #tpu.memory_space<vmem>>
        %dma_wait3A_154 = tpu.memref_squeeze %dma_wait3A_153 : memref<1x1x128xi32, #tpu.memory_space<vmem>> -> memref<128xi32, #tpu.memory_space<vmem>>
        %dma_wait3A_155 = arith.constant 0 : i32
        %dma_wait3A_156 = arith.constant 0 : i32
        %dma_wait3A_157 = tpu.memref_slice %arg10[%dma_wait3A_155, %dma_wait3A_156] : memref<10240x128xf32, #tpu.memory_space<vmem_shared>> -> memref<10240x128xf32, #tpu.memory_space<vmem_shared>>
        tpu.wait_indirect_dma semaphore(%arg13 : memref<!tpu.dma_semaphore, #tpu.memory_space<semaphore_mem>>) src(%dma_wait3A_151 : memref<128x128xf32, #tpu.memory_space<vmem>>) dst(%dma_wait3A_157 : memref<10240x128xf32, #tpu.memory_space<vmem_shared>>)
      } else {
      }
      %add3A_47 = arith.constant 1 : i32
      %add3A_48 = arith.addi %scan3A_40, %add3A_47 : i32
      %lt3A = arith.constant 40 : i32
      %lt3A_49 = arith.cmpi slt, %add3A_48, %lt3A : i32
      %convert_element_type3A_50 = arith.extui %lt3A_49 : i1 to i32
      %cond3A_51 = arith.constant 0 : i32
      %cond3A_52 = arith.cmpi ne, %convert_element_type3A_50, %cond3A_51 : i32
      scf.if %cond3A_52 {
        %add3A_131 = arith.constant 2 : i32
        %add3A_132 = arith.addi %add3A_44, %add3A_131 : i32
        %sub3A = arith.constant 1 : i32
        %sub3A_133 = arith.subi %sub3A, %rem3A_41 : i32
        %dma_start3A_134 = arith.constant 0 : i32
        %dma_start3A_135 = arith.constant 0 : i32
        %dma_start3A_136 = tpu.memref_slice %arg7[%sub3A_133, %dma_start3A_134, %dma_start3A_135] : memref<2x2x128xi32, #tpu.memory_space<vmem>> -> memref<1x2x128xi32, #tpu.memory_space<vmem>>
        %dma_start3A_137 = tpu.memref_squeeze %dma_start3A_136 : memref<1x2x128xi32, #tpu.memory_space<vmem>> -> memref<2x128xi32, #tpu.memory_space<vmem>>
        %dma_start3A_138 = arith.constant 0 : i32
        %dma_start3A_139 = tpu.memref_slice %arg3[%add3A_132, %dma_start3A_138] : memref<2560x128xi32, #tpu.memory_space<hbm>> -> memref<2x128xi32, #tpu.memory_space<hbm>>
        %dma_start3A_140 = arith.constant 0 : i32
        %dma_start3A_141 = arith.constant 0 : i32
        %dma_start3A_142 = tpu.memref_slice %arg7[%sub3A_133, %dma_start3A_140, %dma_start3A_141] : memref<2x2x128xi32, #tpu.memory_space<vmem>> -> memref<1x2x128xi32, #tpu.memory_space<vmem>>
        %dma_start3A_143 = tpu.memref_squeeze %dma_start3A_142 : memref<1x2x128xi32, #tpu.memory_space<vmem>> -> memref<2x128xi32, #tpu.memory_space<vmem>>
        %dma_start3A_144 = arith.constant 0 : i32
        %dma_start3A_145 = tpu.memref_slice %arg3[%add3A_132, %dma_start3A_144] : memref<2560x128xi32, #tpu.memory_space<hbm>> -> memref<2x128xi32, #tpu.memory_space<hbm>>
        tpu.enqueue_dma source(%dma_start3A_145 : memref<2x128xi32, #tpu.memory_space<hbm>>) target(%dma_start3A_143 : memref<2x128xi32, #tpu.memory_space<vmem>>) target_semaphore(%arg14 : memref<!tpu.dma_semaphore, #tpu.memory_space<semaphore_mem>>)
        %add3A_146 = arith.constant 2 : i32
        %add3A_147 = arith.addi %add3A_44, %add3A_146 : i32
        %sub3A_148 = arith.constant 1 : i32
        %sub3A_149 = arith.subi %sub3A_148, %rem3A_41 : i32
        %dma_start3A_150 = arith.constant 0 : i32
        %dma_start3A_151 = arith.constant 0 : i32
        %dma_start3A_152 = tpu.memref_slice %arg8[%sub3A_149, %dma_start3A_150, %dma_start3A_151] : memref<2x2x128xi32, #tpu.memory_space<vmem>> -> memref<1x2x128xi32, #tpu.memory_space<vmem>>
        %dma_start3A_153 = tpu.memref_squeeze %dma_start3A_152 : memref<1x2x128xi32, #tpu.memory_space<vmem>> -> memref<2x128xi32, #tpu.memory_space<vmem>>
        %dma_start3A_154 = arith.constant 0 : i32
        %dma_start3A_155 = tpu.memref_slice %arg4[%add3A_147, %dma_start3A_154] : memref<2560x128xi32, #tpu.memory_space<hbm>> -> memref<2x128xi32, #tpu.memory_space<hbm>>
        %dma_start3A_156 = arith.constant 0 : i32
        %dma_start3A_157 = arith.constant 0 : i32
        %dma_start3A_158 = tpu.memref_slice %arg8[%sub3A_149, %dma_start3A_156, %dma_start3A_157] : memref<2x2x128xi32, #tpu.memory_space<vmem>> -> memref<1x2x128xi32, #tpu.memory_space<vmem>>
        %dma_start3A_159 = tpu.memref_squeeze %dma_start3A_158 : memref<1x2x128xi32, #tpu.memory_space<vmem>> -> memref<2x128xi32, #tpu.memory_space<vmem>>
        %dma_start3A_160 = arith.constant 0 : i32
        %dma_start3A_161 = tpu.memref_slice %arg4[%add3A_147, %dma_start3A_160] : memref<2560x128xi32, #tpu.memory_space<hbm>> -> memref<2x128xi32, #tpu.memory_space<hbm>>
        tpu.enqueue_dma source(%dma_start3A_161 : memref<2x128xi32, #tpu.memory_space<hbm>>) target(%dma_start3A_159 : memref<2x128xi32, #tpu.memory_space<vmem>>) target_semaphore(%arg14 : memref<!tpu.dma_semaphore, #tpu.memory_space<semaphore_mem>>)
      } else {
      }
      %dma_start3A = arith.constant 0 : i32
      %dma_start3A_53 = arith.constant 0 : i32
      %dma_start3A_54 = arith.constant 0 : i32
      %dma_start3A_55 = arith.constant 0 : i32
      %dma_start3A_56 = tpu.memref_slice %arg9[%dma_start3A_53, %dma_start3A_54, %dma_start3A_55] : memref<2x128x128xf32, #tpu.memory_space<vmem>> -> memref<1x128x128xf32, #tpu.memory_space<vmem>>
      %dma_start3A_57 = tpu.memref_squeeze %dma_start3A_56 : memref<1x128x128xf32, #tpu.memory_space<vmem>> -> memref<128x128xf32, #tpu.memory_space<vmem>>
      %dma_start3A_58 = arith.constant 0 : i32
      %dma_start3A_59 = tpu.memref_slice %arg7[%rem3A_41, %dma_start3A, %dma_start3A_58] : memref<2x2x128xi32, #tpu.memory_space<vmem>> -> memref<1x1x128xi32, #tpu.memory_space<vmem>>
      %dma_start3A_60 = tpu.memref_squeeze %dma_start3A_59 : memref<1x1x128xi32, #tpu.memory_space<vmem>> -> memref<128xi32, #tpu.memory_space<vmem>>
      %dma_start3A_61 = arith.constant 0 : i32
      %dma_start3A_62 = arith.constant 0 : i32
      %dma_start3A_63 = tpu.memref_slice %arg2[%dma_start3A_61, %dma_start3A_62] : memref<10000x128xf32, #tpu.memory_space<hbm>> -> memref<10000x128xf32, #tpu.memory_space<hbm>>
      tpu.enqueue_indirect_dma source(%dma_start3A_63 : memref<10000x128xf32, #tpu.memory_space<hbm>>) target(%dma_start3A_57 : memref<128x128xf32, #tpu.memory_space<vmem>>) offsets(%dma_start3A_60 : memref<128xi32, #tpu.memory_space<vmem>>) semaphore(%arg11 : memref<!tpu.dma_semaphore, #tpu.memory_space<semaphore_mem>>)
      %dma_start3A_64 = arith.constant 1 : i32
      %dma_start3A_65 = arith.constant 1 : i32
      %dma_start3A_66 = arith.constant 0 : i32
      %dma_start3A_67 = arith.constant 0 : i32
      %dma_start3A_68 = tpu.memref_slice %arg9[%dma_start3A_65, %dma_start3A_66, %dma_start3A_67] : memref<2x128x128xf32, #tpu.memory_space<vmem>> -> memref<1x128x128xf32, #tpu.memory_space<vmem>>
      %dma_start3A_69 = tpu.memref_squeeze %dma_start3A_68 : memref<1x128x128xf32, #tpu.memory_space<vmem>> -> memref<128x128xf32, #tpu.memory_space<vmem>>
      %dma_start3A_70 = arith.constant 0 : i32
      %dma_start3A_71 = tpu.memref_slice %arg7[%rem3A_41, %dma_start3A_64, %dma_start3A_70] : memref<2x2x128xi32, #tpu.memory_space<vmem>> -> memref<1x1x128xi32, #tpu.memory_space<vmem>>
      %dma_start3A_72 = tpu.memref_squeeze %dma_start3A_71 : memref<1x1x128xi32, #tpu.memory_space<vmem>> -> memref<128xi32, #tpu.memory_space<vmem>>
      %dma_start3A_73 = arith.constant 0 : i32
      %dma_start3A_74 = arith.constant 0 : i32
      %dma_start3A_75 = tpu.memref_slice %arg2[%dma_start3A_73, %dma_start3A_74] : memref<10000x128xf32, #tpu.memory_space<hbm>> -> memref<10000x128xf32, #tpu.memory_space<hbm>>
      tpu.enqueue_indirect_dma source(%dma_start3A_75 : memref<10000x128xf32, #tpu.memory_space<hbm>>) target(%dma_start3A_69 : memref<128x128xf32, #tpu.memory_space<vmem>>) offsets(%dma_start3A_72 : memref<128xi32, #tpu.memory_space<vmem>>) semaphore(%arg12 : memref<!tpu.dma_semaphore, #tpu.memory_space<semaphore_mem>>)
      %dma_wait3A_76 = arith.constant 0 : i32
      %dma_wait3A_77 = arith.constant 0 : i32
      %dma_wait3A_78 = arith.constant 0 : i32
      %dma_wait3A_79 = arith.constant 0 : i32
      %dma_wait3A_80 = tpu.memref_slice %arg9[%dma_wait3A_77, %dma_wait3A_78, %dma_wait3A_79] : memref<2x128x128xf32, #tpu.memory_space<vmem>> -> memref<1x128x128xf32, #tpu.memory_space<vmem>>
      %dma_wait3A_81 = tpu.memref_squeeze %dma_wait3A_80 : memref<1x128x128xf32, #tpu.memory_space<vmem>> -> memref<128x128xf32, #tpu.memory_space<vmem>>
      %dma_wait3A_82 = arith.constant 0 : i32
      %dma_wait3A_83 = tpu.memref_slice %arg7[%rem3A_41, %dma_wait3A_76, %dma_wait3A_82] : memref<2x2x128xi32, #tpu.memory_space<vmem>> -> memref<1x1x128xi32, #tpu.memory_space<vmem>>
      %dma_wait3A_84 = tpu.memref_squeeze %dma_wait3A_83 : memref<1x1x128xi32, #tpu.memory_space<vmem>> -> memref<128xi32, #tpu.memory_space<vmem>>
      %dma_wait3A_85 = arith.constant 0 : i32
      %dma_wait3A_86 = arith.constant 0 : i32
      %dma_wait3A_87 = tpu.memref_slice %arg2[%dma_wait3A_85, %dma_wait3A_86] : memref<10000x128xf32, #tpu.memory_space<hbm>> -> memref<10000x128xf32, #tpu.memory_space<hbm>>
      tpu.wait_indirect_dma semaphore(%arg11 : memref<!tpu.dma_semaphore, #tpu.memory_space<semaphore_mem>>) src(%dma_wait3A_87 : memref<10000x128xf32, #tpu.memory_space<hbm>>) dst(%dma_wait3A_81 : memref<128x128xf32, #tpu.memory_space<vmem>>)
      %dma_start3A_88 = arith.constant 0 : i32
      %dma_start3A_89 = arith.constant 0 : i32
      %dma_start3A_90 = arith.constant 0 : i32
      %dma_start3A_91 = arith.constant 0 : i32
      %dma_start3A_92 = tpu.memref_slice %arg9[%dma_start3A_88, %dma_start3A_90, %dma_start3A_91] : memref<2x128x128xf32, #tpu.memory_space<vmem>> -> memref<1x128x128xf32, #tpu.memory_space<vmem>>
      %dma_start3A_93 = tpu.memref_squeeze %dma_start3A_92 : memref<1x128x128xf32, #tpu.memory_space<vmem>> -> memref<128x128xf32, #tpu.memory_space<vmem>>
      %dma_start3A_94 = arith.constant 0 : i32
      %dma_start3A_95 = tpu.memref_slice %arg8[%rem3A_41, %dma_start3A_89, %dma_start3A_94] : memref<2x2x128xi32, #tpu.memory_space<vmem>> -> memref<1x1x128xi32, #tpu.memory_space<vmem>>
      %dma_start3A_96 = tpu.memref_squeeze %dma_start3A_95 : memref<1x1x128xi32, #tpu.memory_space<vmem>> -> memref<128xi32, #tpu.memory_space<vmem>>
      %dma_start3A_97 = arith.constant 0 : i32
      %dma_start3A_98 = arith.constant 0 : i32
      %dma_start3A_99 = tpu.memref_slice %arg10[%dma_start3A_97, %dma_start3A_98] : memref<10240x128xf32, #tpu.memory_space<vmem_shared>> -> memref<10240x128xf32, #tpu.memory_space<vmem_shared>>
      tpu.enqueue_indirect_dma source(%dma_start3A_93 : memref<128x128xf32, #tpu.memory_space<vmem>>) target(%dma_start3A_99 : memref<10240x128xf32, #tpu.memory_space<vmem_shared>>) offsets(%dma_start3A_96 : memref<128xi32, #tpu.memory_space<vmem>>) semaphore(%arg13 : memref<!tpu.dma_semaphore, #tpu.memory_space<semaphore_mem>>) {add = true}
      %dma_wait3A_100 = arith.constant 1 : i32
      %dma_wait3A_101 = arith.constant 1 : i32
      %dma_wait3A_102 = arith.constant 0 : i32
      %dma_wait3A_103 = arith.constant 0 : i32
      %dma_wait3A_104 = tpu.memref_slice %arg9[%dma_wait3A_101, %dma_wait3A_102, %dma_wait3A_103] : memref<2x128x128xf32, #tpu.memory_space<vmem>> -> memref<1x128x128xf32, #tpu.memory_space<vmem>>
      %dma_wait3A_105 = tpu.memref_squeeze %dma_wait3A_104 : memref<1x128x128xf32, #tpu.memory_space<vmem>> -> memref<128x128xf32, #tpu.memory_space<vmem>>
      %dma_wait3A_106 = arith.constant 0 : i32
      %dma_wait3A_107 = tpu.memref_slice %arg7[%rem3A_41, %dma_wait3A_100, %dma_wait3A_106] : memref<2x2x128xi32, #tpu.memory_space<vmem>> -> memref<1x1x128xi32, #tpu.memory_space<vmem>>
      %dma_wait3A_108 = tpu.memref_squeeze %dma_wait3A_107 : memref<1x1x128xi32, #tpu.memory_space<vmem>> -> memref<128xi32, #tpu.memory_space<vmem>>
      %dma_wait3A_109 = arith.constant 0 : i32
      %dma_wait3A_110 = arith.constant 0 : i32
      %dma_wait3A_111 = tpu.memref_slice %arg2[%dma_wait3A_109, %dma_wait3A_110] : memref<10000x128xf32, #tpu.memory_space<hbm>> -> memref<10000x128xf32, #tpu.memory_space<hbm>>
      tpu.wait_indirect_dma semaphore(%arg12 : memref<!tpu.dma_semaphore, #tpu.memory_space<semaphore_mem>>) src(%dma_wait3A_111 : memref<10000x128xf32, #tpu.memory_space<hbm>>) dst(%dma_wait3A_105 : memref<128x128xf32, #tpu.memory_space<vmem>>)
      %dma_start3A_112 = arith.constant 1 : i32
      %dma_start3A_113 = arith.constant 1 : i32
      %dma_start3A_114 = arith.constant 0 : i32
      %dma_start3A_115 = arith.constant 0 : i32
      %dma_start3A_116 = tpu.memref_slice %arg9[%dma_start3A_112, %dma_start3A_114, %dma_start3A_115] : memref<2x128x128xf32, #tpu.memory_space<vmem>> -> memref<1x128x128xf32, #tpu.memory_space<vmem>>
      %dma_start3A_117 = tpu.memref_squeeze %dma_start3A_116 : memref<1x128x128xf32, #tpu.memory_space<vmem>> -> memref<128x128xf32, #tpu.memory_space<vmem>>
      %dma_start3A_118 = arith.constant 0 : i32
      %dma_start3A_119 = tpu.memref_slice %arg8[%rem3A_41, %dma_start3A_113, %dma_start3A_118] : memref<2x2x128xi32, #tpu.memory_space<vmem>> -> memref<1x1x128xi32, #tpu.memory_space<vmem>>
      %dma_start3A_120 = tpu.memref_squeeze %dma_start3A_119 : memref<1x1x128xi32, #tpu.memory_space<vmem>> -> memref<128xi32, #tpu.memory_space<vmem>>
      %dma_start3A_121 = arith.constant 0 : i32
      %dma_start3A_122 = arith.constant 0 : i32
      %dma_start3A_123 = tpu.memref_slice %arg10[%dma_start3A_121, %dma_start3A_122] : memref<10240x128xf32, #tpu.memory_space<vmem_shared>> -> memref<10240x128xf32, #tpu.memory_space<vmem_shared>>
      tpu.enqueue_indirect_dma source(%dma_start3A_117 : memref<128x128xf32, #tpu.memory_space<vmem>>) target(%dma_start3A_123 : memref<10240x128xf32, #tpu.memory_space<vmem_shared>>) offsets(%dma_start3A_120 : memref<128xi32, #tpu.memory_space<vmem>>) semaphore(%arg13 : memref<!tpu.dma_semaphore, #tpu.memory_space<semaphore_mem>>) {add = true}
      %add3A_124 = arith.constant 1 : i32
      %add3A_125 = arith.addi %scan3A_40, %add3A_124 : i32
      %lt3A_126 = arith.constant 40 : i32
      %lt3A_127 = arith.cmpi slt, %add3A_125, %lt3A_126 : i32
      %convert_element_type3A_128 = arith.extui %lt3A_127 : i1 to i32
      %cond3A_129 = arith.constant 0 : i32
      %cond3A_130 = arith.cmpi ne, %convert_element_type3A_128, %cond3A_129 : i32
      scf.if %cond3A_130 {
        %add3A_131 = arith.constant 2 : i32
        %add3A_132 = arith.addi %add3A_44, %add3A_131 : i32
        %sub3A = arith.constant 1 : i32
        %sub3A_133 = arith.subi %sub3A, %rem3A_41 : i32
        %dma_wait3A_134 = arith.constant 0 : i32
        %dma_wait3A_135 = arith.constant 0 : i32
        %dma_wait3A_136 = tpu.memref_slice %arg7[%sub3A_133, %dma_wait3A_134, %dma_wait3A_135] : memref<2x2x128xi32, #tpu.memory_space<vmem>> -> memref<1x2x128xi32, #tpu.memory_space<vmem>>
        %dma_wait3A_137 = tpu.memref_squeeze %dma_wait3A_136 : memref<1x2x128xi32, #tpu.memory_space<vmem>> -> memref<2x128xi32, #tpu.memory_space<vmem>>
        %dma_wait3A_138 = arith.constant 0 : i32
        %dma_wait3A_139 = tpu.memref_slice %arg3[%add3A_132, %dma_wait3A_138] : memref<2560x128xi32, #tpu.memory_space<hbm>> -> memref<2x128xi32, #tpu.memory_space<hbm>>
        %dma_wait3A_140 = arith.constant 0 : i32
        %dma_wait3A_141 = arith.constant 0 : i32
        %dma_wait3A_142 = tpu.memref_slice %arg7[%sub3A_133, %dma_wait3A_140, %dma_wait3A_141] : memref<2x2x128xi32, #tpu.memory_space<vmem>> -> memref<1x2x128xi32, #tpu.memory_space<vmem>>
        %dma_wait3A_143 = tpu.memref_squeeze %dma_wait3A_142 : memref<1x2x128xi32, #tpu.memory_space<vmem>> -> memref<2x128xi32, #tpu.memory_space<vmem>>
        %dma_wait3A_144 = arith.constant 0 : i32
        %dma_wait3A_145 = tpu.memref_slice %arg3[%add3A_132, %dma_wait3A_144] : memref<2560x128xi32, #tpu.memory_space<hbm>> -> memref<2x128xi32, #tpu.memory_space<hbm>>
        tpu.wait_dma2 semaphore(%arg14 : memref<!tpu.dma_semaphore, #tpu.memory_space<semaphore_mem>>) src(%dma_wait3A_145 : memref<2x128xi32, #tpu.memory_space<hbm>>) dst(%dma_wait3A_143 : memref<2x128xi32, #tpu.memory_space<vmem>>)
        %add3A_146 = arith.constant 2 : i32
        %add3A_147 = arith.addi %add3A_44, %add3A_146 : i32
        %sub3A_148 = arith.constant 1 : i32
        %sub3A_149 = arith.subi %sub3A_148, %rem3A_41 : i32
        %dma_wait3A_150 = arith.constant 0 : i32
        %dma_wait3A_151 = arith.constant 0 : i32
        %dma_wait3A_152 = tpu.memref_slice %arg8[%sub3A_149, %dma_wait3A_150, %dma_wait3A_151] : memref<2x2x128xi32, #tpu.memory_space<vmem>> -> memref<1x2x128xi32, #tpu.memory_space<vmem>>
        %dma_wait3A_153 = tpu.memref_squeeze %dma_wait3A_152 : memref<1x2x128xi32, #tpu.memory_space<vmem>> -> memref<2x128xi32, #tpu.memory_space<vmem>>
        %dma_wait3A_154 = arith.constant 0 : i32
        %dma_wait3A_155 = tpu.memref_slice %arg4[%add3A_147, %dma_wait3A_154] : memref<2560x128xi32, #tpu.memory_space<hbm>> -> memref<2x128xi32, #tpu.memory_space<hbm>>
        %dma_wait3A_156 = arith.constant 0 : i32
        %dma_wait3A_157 = arith.constant 0 : i32
        %dma_wait3A_158 = tpu.memref_slice %arg8[%sub3A_149, %dma_wait3A_156, %dma_wait3A_157] : memref<2x2x128xi32, #tpu.memory_space<vmem>> -> memref<1x2x128xi32, #tpu.memory_space<vmem>>
        %dma_wait3A_159 = tpu.memref_squeeze %dma_wait3A_158 : memref<1x2x128xi32, #tpu.memory_space<vmem>> -> memref<2x128xi32, #tpu.memory_space<vmem>>
        %dma_wait3A_160 = arith.constant 0 : i32
        %dma_wait3A_161 = tpu.memref_slice %arg4[%add3A_147, %dma_wait3A_160] : memref<2560x128xi32, #tpu.memory_space<hbm>> -> memref<2x128xi32, #tpu.memory_space<hbm>>
        tpu.wait_dma2 semaphore(%arg14 : memref<!tpu.dma_semaphore, #tpu.memory_space<semaphore_mem>>) src(%dma_wait3A_161 : memref<2x128xi32, #tpu.memory_space<hbm>>) dst(%dma_wait3A_159 : memref<2x128xi32, #tpu.memory_space<vmem>>)
      } else {
      }
    }
    %scan3A_10 = arith.constant 40 : i32
    %dma_wait3A = arith.constant 0 : i32
    %dma_wait3A_11 = arith.constant 1 : i32
    %dma_wait3A_12 = arith.constant 0 : i32
    %dma_wait3A_13 = arith.constant 0 : i32
    %dma_wait3A_14 = arith.constant 0 : i32
    %dma_wait3A_15 = tpu.memref_slice %arg9[%dma_wait3A, %dma_wait3A_13, %dma_wait3A_14] : memref<2x128x128xf32, #tpu.memory_space<vmem>> -> memref<1x128x128xf32, #tpu.memory_space<vmem>>
    %dma_wait3A_16 = tpu.memref_squeeze %dma_wait3A_15 : memref<1x128x128xf32, #tpu.memory_space<vmem>> -> memref<128x128xf32, #tpu.memory_space<vmem>>
    %dma_wait3A_17 = arith.constant 0 : i32
    %dma_wait3A_18 = tpu.memref_slice %arg8[%dma_wait3A_11, %dma_wait3A_12, %dma_wait3A_17] : memref<2x2x128xi32, #tpu.memory_space<vmem>> -> memref<1x1x128xi32, #tpu.memory_space<vmem>>
    %dma_wait3A_19 = tpu.memref_squeeze %dma_wait3A_18 : memref<1x1x128xi32, #tpu.memory_space<vmem>> -> memref<128xi32, #tpu.memory_space<vmem>>
    %dma_wait3A_20 = arith.constant 0 : i32
    %dma_wait3A_21 = arith.constant 0 : i32
    %dma_wait3A_22 = tpu.memref_slice %arg10[%dma_wait3A_20, %dma_wait3A_21] : memref<10240x128xf32, #tpu.memory_space<vmem_shared>> -> memref<10240x128xf32, #tpu.memory_space<vmem_shared>>
    tpu.wait_indirect_dma semaphore(%arg13 : memref<!tpu.dma_semaphore, #tpu.memory_space<semaphore_mem>>) src(%dma_wait3A_16 : memref<128x128xf32, #tpu.memory_space<vmem>>) dst(%dma_wait3A_22 : memref<10240x128xf32, #tpu.memory_space<vmem_shared>>)
    %dma_wait3A_23 = arith.constant 1 : i32
    %dma_wait3A_24 = arith.constant 1 : i32
    %dma_wait3A_25 = arith.constant 1 : i32
    %dma_wait3A_26 = arith.constant 0 : i32
    %dma_wait3A_27 = arith.constant 0 : i32
    %dma_wait3A_28 = tpu.memref_slice %arg9[%dma_wait3A_23, %dma_wait3A_26, %dma_wait3A_27] : memref<2x128x128xf32, #tpu.memory_space<vmem>> -> memref<1x128x128xf32, #tpu.memory_space<vmem>>
    %dma_wait3A_29 = tpu.memref_squeeze %dma_wait3A_28 : memref<1x128x128xf32, #tpu.memory_space<vmem>> -> memref<128x128xf32, #tpu.memory_space<vmem>>
    %dma_wait3A_30 = arith.constant 0 : i32
    %dma_wait3A_31 = tpu.memref_slice %arg8[%dma_wait3A_24, %dma_wait3A_25, %dma_wait3A_30] : memref<2x2x128xi32, #tpu.memory_space<vmem>> -> memref<1x1x128xi32, #tpu.memory_space<vmem>>
    %dma_wait3A_32 = tpu.memref_squeeze %dma_wait3A_31 : memref<1x1x128xi32, #tpu.memory_space<vmem>> -> memref<128xi32, #tpu.memory_space<vmem>>
    %dma_wait3A_33 = arith.constant 0 : i32
    %dma_wait3A_34 = arith.constant 0 : i32
    %dma_wait3A_35 = tpu.memref_slice %arg10[%dma_wait3A_33, %dma_wait3A_34] : memref<10240x128xf32, #tpu.memory_space<vmem_shared>> -> memref<10240x128xf32, #tpu.memory_space<vmem_shared>>
    tpu.wait_indirect_dma semaphore(%arg13 : memref<!tpu.dma_semaphore, #tpu.memory_space<semaphore_mem>>) src(%dma_wait3A_29 : memref<128x128xf32, #tpu.memory_space<vmem>>) dst(%dma_wait3A_35 : memref<10240x128xf32, #tpu.memory_space<vmem_shared>>)
    %barrier3A_36 = arith.constant 0 : index
    tpu.barrier barrier_id(%barrier3A_36)
    %mul3A_37 = arith.constant 10240 : i32
    %mul3A_38 = arith.muli %arg0, %mul3A_37 : i32
    %add3A_39 = arith.addi %mul3A_38, %mul3A_0 : i32
    "tpu.region"() ({
      %run_scoped3A_40 = tpu.sem_alloc : memref<!tpu.dma_semaphore, #tpu.memory_space<semaphore_mem>>
      %dma_start3A = arith.constant 0 : i32
      %dma_start3A_41 = tpu.memref_slice %arg6[%add3A_39, %dma_start3A] : memref<20480x128xf32, #tpu.memory_space<hbm>> -> memref<640x128xf32, #tpu.memory_space<hbm>>
      %dma_start3A_42 = arith.constant 0 : i32
      %dma_start3A_43 = tpu.memref_slice %arg10[%mul3A_0, %dma_start3A_42] : memref<10240x128xf32, #tpu.memory_space<vmem_shared>> -> memref<640x128xf32, #tpu.memory_space<vmem_shared>>
      tpu.enqueue_dma source(%dma_start3A_43 : memref<640x128xf32, #tpu.memory_space<vmem_shared>>) target(%dma_start3A_41 : memref<640x128xf32, #tpu.memory_space<hbm>>) target_semaphore(%run_scoped3A_40 : memref<!tpu.dma_semaphore, #tpu.memory_space<semaphore_mem>>)
      %dma_wait3A_44 = arith.constant 0 : i32
      %dma_wait3A_45 = tpu.memref_slice %arg6[%add3A_39, %dma_wait3A_44] : memref<20480x128xf32, #tpu.memory_space<hbm>> -> memref<640x128xf32, #tpu.memory_space<hbm>>
      %dma_wait3A_46 = arith.constant 0 : i32
      %dma_wait3A_47 = tpu.memref_slice %arg10[%mul3A_0, %dma_wait3A_46] : memref<10240x128xf32, #tpu.memory_space<vmem_shared>> -> memref<640x128xf32, #tpu.memory_space<vmem_shared>>
      tpu.wait_dma2 semaphore(%run_scoped3A_40 : memref<!tpu.dma_semaphore, #tpu.memory_space<semaphore_mem>>) src(%dma_wait3A_47 : memref<640x128xf32, #tpu.memory_space<vmem_shared>>) dst(%dma_wait3A_45 : memref<640x128xf32, #tpu.memory_space<hbm>>)
      tpu.yield
    }) : () -> ()
    return
  }
}

#map = affine_map<(d0, d1) -> (0)>
#map1 = affine_map<(d0, d1) -> (0, 0)>
module attributes {stable_mosaic.version = 14 : i64} {
  func.func @k(%arg0: i32, %arg1: i32, %arg2: memref<327680xi32, #tpu.memory_space<hbm>>, %arg3: memref<10240x128xf32, #tpu.memory_space<hbm>>, %arg4: memref<128x128xf32, #tpu.memory_space<hbm>>, %arg5: memref<20480x128xf32, #tpu.memory_space<hbm>>, %arg6: memref<128xi32, #tpu.memory_space<vmem>>, %arg7: memref<128x128xf32, #tpu.memory_space<vmem>>, %arg8: memref<10240x128xf32, #tpu.memory_space<vmem_shared>>) attributes {dimension_semantics = [#tpu.dimension_semantics<core_parallel>, #tpu.dimension_semantics<subcore_parallel>], iteration_bounds = array<i64: 2, 16>, scalar_prefetch = 0 : i64, scratch_operands = 3 : i64, tpu.core_type = #tpu.core_type<sc_vector_subcore>, window_params = [{transform_indices = #map}, {transform_indices = #map1}, {transform_indices = #map1}, {transform_indices = #map1}]} {
    %mul3A = arith.constant 640 : i32
    %mul3A_0 = arith.muli %arg1, %mul3A : i32
    "tpu.region"() ({
      %run_scoped3A = tpu.sem_alloc : memref<!tpu.dma_semaphore, #tpu.memory_space<semaphore_mem>>
      tpu.enqueue_dma source(%arg4 : memref<128x128xf32, #tpu.memory_space<hbm>>) target(%arg7 : memref<128x128xf32, #tpu.memory_space<vmem>>) target_semaphore(%run_scoped3A : memref<!tpu.dma_semaphore, #tpu.memory_space<semaphore_mem>>)
      tpu.wait_dma2 semaphore(%run_scoped3A : memref<!tpu.dma_semaphore, #tpu.memory_space<semaphore_mem>>) src(%arg4 : memref<128x128xf32, #tpu.memory_space<hbm>>) dst(%arg7 : memref<128x128xf32, #tpu.memory_space<vmem>>)
      tpu.yield
    }) : () -> ()
    "tpu.region"() ({
      %run_scoped3A = tpu.sem_alloc : memref<!tpu.dma_semaphore, #tpu.memory_space<semaphore_mem>>
      %dma_start3A = arith.constant 0 : i32
      %dma_start3A_14 = tpu.memref_slice %arg8[%mul3A_0, %dma_start3A] : memref<10240x128xf32, #tpu.memory_space<vmem_shared>> -> memref<640x128xf32, #tpu.memory_space<vmem_shared>>
      %dma_start3A_15 = arith.constant 0 : i32
      %dma_start3A_16 = tpu.memref_slice %arg3[%mul3A_0, %dma_start3A_15] : memref<10240x128xf32, #tpu.memory_space<hbm>> -> memref<640x128xf32, #tpu.memory_space<hbm>>
      tpu.enqueue_dma source(%dma_start3A_16 : memref<640x128xf32, #tpu.memory_space<hbm>>) target(%dma_start3A_14 : memref<640x128xf32, #tpu.memory_space<vmem_shared>>) target_semaphore(%run_scoped3A : memref<!tpu.dma_semaphore, #tpu.memory_space<semaphore_mem>>)
      %dma_wait3A = arith.constant 0 : i32
      %dma_wait3A_17 = tpu.memref_slice %arg8[%mul3A_0, %dma_wait3A] : memref<10240x128xf32, #tpu.memory_space<vmem_shared>> -> memref<640x128xf32, #tpu.memory_space<vmem_shared>>
      %dma_wait3A_18 = arith.constant 0 : i32
      %dma_wait3A_19 = tpu.memref_slice %arg3[%mul3A_0, %dma_wait3A_18] : memref<10240x128xf32, #tpu.memory_space<hbm>> -> memref<640x128xf32, #tpu.memory_space<hbm>>
      tpu.wait_dma2 semaphore(%run_scoped3A : memref<!tpu.dma_semaphore, #tpu.memory_space<semaphore_mem>>) src(%dma_wait3A_19 : memref<640x128xf32, #tpu.memory_space<hbm>>) dst(%dma_wait3A_17 : memref<640x128xf32, #tpu.memory_space<vmem_shared>>)
      tpu.yield
    }) : () -> ()
    %barrier3A = arith.constant 0 : index
    tpu.barrier barrier_id(%barrier3A)
    %mul3A_1 = arith.constant 16 : i32
    %mul3A_2 = arith.muli %arg0, %mul3A_1 : i32
    %add3A = arith.addi %mul3A_2, %arg1 : i32
    %mul3A_3 = arith.constant 10240 : i32
    %mul3A_4 = arith.muli %add3A, %mul3A_3 : i32
    %scan3A = arith.constant 0 : i32
    %scan3A_5 = arith.constant 0 : i32
    %scan3A_6 = arith.constant 80 : i32
    %scan3A_7 = arith.addi %scan3A_5, %scan3A_6 : i32
    %scan3A_8 = arith.constant 1 : i32
    scf.for %scan3A_14 = %scan3A_5 to %scan3A_7 step %scan3A_8  : i32 {
      %mul3A_15 = arith.constant 128 : i32
      %mul3A_16 = arith.muli %scan3A_14, %mul3A_15 : i32
      %add3A_17 = arith.addi %mul3A_4, %mul3A_16 : i32
      "tpu.region"() ({
        %run_scoped3A = tpu.sem_alloc : memref<!tpu.dma_semaphore, #tpu.memory_space<semaphore_mem>>
        %dma_start3A = tpu.memref_slice %arg2[%add3A_17] : memref<327680xi32, #tpu.memory_space<hbm>> -> memref<128xi32, #tpu.memory_space<hbm>>
        %dma_start3A_18 = tpu.memref_slice %arg2[%add3A_17] : memref<327680xi32, #tpu.memory_space<hbm>> -> memref<128xi32, #tpu.memory_space<hbm>>
        tpu.enqueue_dma source(%dma_start3A_18 : memref<128xi32, #tpu.memory_space<hbm>>) target(%arg6 : memref<128xi32, #tpu.memory_space<vmem>>) target_semaphore(%run_scoped3A : memref<!tpu.dma_semaphore, #tpu.memory_space<semaphore_mem>>)
        %dma_wait3A = tpu.memref_slice %arg2[%add3A_17] : memref<327680xi32, #tpu.memory_space<hbm>> -> memref<128xi32, #tpu.memory_space<hbm>>
        %dma_wait3A_19 = tpu.memref_slice %arg2[%add3A_17] : memref<327680xi32, #tpu.memory_space<hbm>> -> memref<128xi32, #tpu.memory_space<hbm>>
        tpu.wait_dma2 semaphore(%run_scoped3A : memref<!tpu.dma_semaphore, #tpu.memory_space<semaphore_mem>>) src(%dma_wait3A_19 : memref<128xi32, #tpu.memory_space<hbm>>) dst(%arg6 : memref<128xi32, #tpu.memory_space<vmem>>)
        tpu.yield
      }) : () -> ()
      "tpu.region"() ({
        %run_scoped3A = tpu.sem_alloc : memref<!tpu.dma_semaphore, #tpu.memory_space<semaphore_mem>>
        %dma_start3A = arith.constant 0 : i32
        %dma_start3A_18 = arith.constant 0 : i32
        %dma_start3A_19 = tpu.memref_slice %arg8[%dma_start3A, %dma_start3A_18] : memref<10240x128xf32, #tpu.memory_space<vmem_shared>> -> memref<10240x128xf32, #tpu.memory_space<vmem_shared>>
        tpu.enqueue_indirect_dma source(%arg7 : memref<128x128xf32, #tpu.memory_space<vmem>>) target(%dma_start3A_19 : memref<10240x128xf32, #tpu.memory_space<vmem_shared>>) offsets(%arg6 : memref<128xi32, #tpu.memory_space<vmem>>) semaphore(%run_scoped3A : memref<!tpu.dma_semaphore, #tpu.memory_space<semaphore_mem>>) {add = true}
        %dma_wait3A = arith.constant 0 : i32
        %dma_wait3A_20 = arith.constant 0 : i32
        %dma_wait3A_21 = tpu.memref_slice %arg8[%dma_wait3A, %dma_wait3A_20] : memref<10240x128xf32, #tpu.memory_space<vmem_shared>> -> memref<10240x128xf32, #tpu.memory_space<vmem_shared>>
        tpu.wait_indirect_dma semaphore(%run_scoped3A : memref<!tpu.dma_semaphore, #tpu.memory_space<semaphore_mem>>) src(%arg7 : memref<128x128xf32, #tpu.memory_space<vmem>>) dst(%dma_wait3A_21 : memref<10240x128xf32, #tpu.memory_space<vmem_shared>>)
        tpu.yield
      }) : () -> ()
    }
    %scan3A_9 = arith.constant 80 : i32
    %barrier3A_10 = arith.constant 0 : index
    tpu.barrier barrier_id(%barrier3A_10)
    %mul3A_11 = arith.constant 10240 : i32
    %mul3A_12 = arith.muli %arg0, %mul3A_11 : i32
    %add3A_13 = arith.addi %mul3A_12, %mul3A_0 : i32
    "tpu.region"() ({
      %run_scoped3A = tpu.sem_alloc : memref<!tpu.dma_semaphore, #tpu.memory_space<semaphore_mem>>
      %dma_start3A = arith.constant 0 : i32
      %dma_start3A_14 = tpu.memref_slice %arg5[%add3A_13, %dma_start3A] : memref<20480x128xf32, #tpu.memory_space<hbm>> -> memref<640x128xf32, #tpu.memory_space<hbm>>
      %dma_start3A_15 = arith.constant 0 : i32
      %dma_start3A_16 = tpu.memref_slice %arg8[%mul3A_0, %dma_start3A_15] : memref<10240x128xf32, #tpu.memory_space<vmem_shared>> -> memref<640x128xf32, #tpu.memory_space<vmem_shared>>
      tpu.enqueue_dma source(%dma_start3A_16 : memref<640x128xf32, #tpu.memory_space<vmem_shared>>) target(%dma_start3A_14 : memref<640x128xf32, #tpu.memory_space<hbm>>) target_semaphore(%run_scoped3A : memref<!tpu.dma_semaphore, #tpu.memory_space<semaphore_mem>>)
      %dma_wait3A = arith.constant 0 : i32
      %dma_wait3A_17 = tpu.memref_slice %arg5[%add3A_13, %dma_wait3A] : memref<20480x128xf32, #tpu.memory_space<hbm>> -> memref<640x128xf32, #tpu.memory_space<hbm>>
      %dma_wait3A_18 = arith.constant 0 : i32
      %dma_wait3A_19 = tpu.memref_slice %arg8[%mul3A_0, %dma_wait3A_18] : memref<10240x128xf32, #tpu.memory_space<vmem_shared>> -> memref<640x128xf32, #tpu.memory_space<vmem_shared>>
      tpu.wait_dma2 semaphore(%run_scoped3A : memref<!tpu.dma_semaphore, #tpu.memory_space<semaphore_mem>>) src(%dma_wait3A_19 : memref<640x128xf32, #tpu.memory_space<vmem_shared>>) dst(%dma_wait3A_17 : memref<640x128xf32, #tpu.memory_space<hbm>>)
      tpu.yield
    }) : () -> ()
    return
  }
}

#map = affine_map<(d0, d1) -> (0, 0)>
module attributes {stable_mosaic.version = 14 : i64} {
  func.func @k(%arg0: i32, %arg1: i32, %arg2: memref<10000x128xf32, #tpu.memory_space<hbm>>, %arg3: memref<10000x128xf32, #tpu.memory_space<hbm>>, %arg4: memref<2560x128xi32, #tpu.memory_space<hbm>>, %arg5: memref<2560x128xi32, #tpu.memory_space<hbm>>, %arg6: memref<10240x128xf32, #tpu.memory_space<hbm>>, %arg7: memref<20480x128xf32, #tpu.memory_space<hbm>>, %arg8: memref<2x2x128xi32, #tpu.memory_space<vmem>>, %arg9: memref<2x2x128xi32, #tpu.memory_space<vmem>>, %arg10: memref<2x128x128xf32, #tpu.memory_space<vmem>>, %arg11: memref<10240x128xf32, #tpu.memory_space<vmem_shared>>, %arg12: memref<!tpu.dma_semaphore, #tpu.memory_space<semaphore_mem>>, %arg13: memref<!tpu.dma_semaphore, #tpu.memory_space<semaphore_mem>>, %arg14: memref<!tpu.dma_semaphore, #tpu.memory_space<semaphore_mem>>, %arg15: memref<!tpu.dma_semaphore, #tpu.memory_space<semaphore_mem>>) attributes {dimension_semantics = [#tpu.dimension_semantics<core_parallel>, #tpu.dimension_semantics<subcore_parallel>], iteration_bounds = array<i64: 2, 16>, scalar_prefetch = 0 : i64, scratch_operands = 8 : i64, tpu.core_type = #tpu.core_type<sc_vector_subcore>, window_params = [{transform_indices = #map}, {transform_indices = #map}, {transform_indices = #map}, {transform_indices = #map}, {transform_indices = #map}, {transform_indices = #map}]} {
    %mul3A = arith.constant 640 : i32
    %mul3A_0 = arith.muli %arg1, %mul3A : i32
    "tpu.region"() ({
      %run_scoped3A_37 = tpu.sem_alloc : memref<!tpu.dma_semaphore, #tpu.memory_space<semaphore_mem>>
      %dma_start3A = arith.constant 0 : i32
      %dma_start3A_38 = tpu.memref_slice %arg11[%mul3A_0, %dma_start3A] : memref<10240x128xf32, #tpu.memory_space<vmem_shared>> -> memref<640x128xf32, #tpu.memory_space<vmem_shared>>
      %dma_start3A_39 = arith.constant 0 : i32
      %dma_start3A_40 = tpu.memref_slice %arg6[%mul3A_0, %dma_start3A_39] : memref<10240x128xf32, #tpu.memory_space<hbm>> -> memref<640x128xf32, #tpu.memory_space<hbm>>
      tpu.enqueue_dma source(%dma_start3A_40 : memref<640x128xf32, #tpu.memory_space<hbm>>) target(%dma_start3A_38 : memref<640x128xf32, #tpu.memory_space<vmem_shared>>) target_semaphore(%run_scoped3A_37 : memref<!tpu.dma_semaphore, #tpu.memory_space<semaphore_mem>>)
      %dma_wait3A_41 = arith.constant 0 : i32
      %dma_wait3A_42 = tpu.memref_slice %arg11[%mul3A_0, %dma_wait3A_41] : memref<10240x128xf32, #tpu.memory_space<vmem_shared>> -> memref<640x128xf32, #tpu.memory_space<vmem_shared>>
      %dma_wait3A_43 = arith.constant 0 : i32
      %dma_wait3A_44 = tpu.memref_slice %arg6[%mul3A_0, %dma_wait3A_43] : memref<10240x128xf32, #tpu.memory_space<hbm>> -> memref<640x128xf32, #tpu.memory_space<hbm>>
      tpu.wait_dma2 semaphore(%run_scoped3A_37 : memref<!tpu.dma_semaphore, #tpu.memory_space<semaphore_mem>>) src(%dma_wait3A_44 : memref<640x128xf32, #tpu.memory_space<hbm>>) dst(%dma_wait3A_42 : memref<640x128xf32, #tpu.memory_space<vmem_shared>>)
      tpu.yield
    }) : () -> ()
    %barrier3A = arith.constant 0 : index
    tpu.barrier barrier_id(%barrier3A)
    %mul3A_1 = arith.constant 160 : i32
    %mul3A_2 = arith.muli %arg1, %mul3A_1 : i32
    %run_scoped3A = arith.constant 0 : i32
    "tpu.region"() ({
      %run_scoped3A_37 = tpu.sem_alloc : memref<!tpu.dma_semaphore, #tpu.memory_space<semaphore_mem>>
      %dma_start3A = arith.constant 0 : i32
      %dma_start3A_38 = arith.constant 0 : i32
      %dma_start3A_39 = tpu.memref_slice %arg8[%run_scoped3A, %dma_start3A, %dma_start3A_38] : memref<2x2x128xi32, #tpu.memory_space<vmem>> -> memref<1x2x128xi32, #tpu.memory_space<vmem>>
      %dma_start3A_40 = tpu.memref_squeeze %dma_start3A_39 : memref<1x2x128xi32, #tpu.memory_space<vmem>> -> memref<2x128xi32, #tpu.memory_space<vmem>>
      %dma_start3A_41 = arith.constant 0 : i32
      %dma_start3A_42 = tpu.memref_slice %arg4[%mul3A_2, %dma_start3A_41] : memref<2560x128xi32, #tpu.memory_space<hbm>> -> memref<2x128xi32, #tpu.memory_space<hbm>>
      %dma_start3A_43 = arith.constant 0 : i32
      %dma_start3A_44 = arith.constant 0 : i32
      %dma_start3A_45 = tpu.memref_slice %arg8[%run_scoped3A, %dma_start3A_43, %dma_start3A_44] : memref<2x2x128xi32, #tpu.memory_space<vmem>> -> memref<1x2x128xi32, #tpu.memory_space<vmem>>
      %dma_start3A_46 = tpu.memref_squeeze %dma_start3A_45 : memref<1x2x128xi32, #tpu.memory_space<vmem>> -> memref<2x128xi32, #tpu.memory_space<vmem>>
      %dma_start3A_47 = arith.constant 0 : i32
      %dma_start3A_48 = tpu.memref_slice %arg4[%mul3A_2, %dma_start3A_47] : memref<2560x128xi32, #tpu.memory_space<hbm>> -> memref<2x128xi32, #tpu.memory_space<hbm>>
      tpu.enqueue_dma source(%dma_start3A_48 : memref<2x128xi32, #tpu.memory_space<hbm>>) target(%dma_start3A_46 : memref<2x128xi32, #tpu.memory_space<vmem>>) target_semaphore(%run_scoped3A_37 : memref<!tpu.dma_semaphore, #tpu.memory_space<semaphore_mem>>)
      %dma_wait3A_49 = arith.constant 0 : i32
      %dma_wait3A_50 = arith.constant 0 : i32
      %dma_wait3A_51 = tpu.memref_slice %arg8[%run_scoped3A, %dma_wait3A_49, %dma_wait3A_50] : memref<2x2x128xi32, #tpu.memory_space<vmem>> -> memref<1x2x128xi32, #tpu.memory_space<vmem>>
      %dma_wait3A_52 = tpu.memref_squeeze %dma_wait3A_51 : memref<1x2x128xi32, #tpu.memory_space<vmem>> -> memref<2x128xi32, #tpu.memory_space<vmem>>
      %dma_wait3A_53 = arith.constant 0 : i32
      %dma_wait3A_54 = tpu.memref_slice %arg4[%mul3A_2, %dma_wait3A_53] : memref<2560x128xi32, #tpu.memory_space<hbm>> -> memref<2x128xi32, #tpu.memory_space<hbm>>
      %dma_wait3A_55 = arith.constant 0 : i32
      %dma_wait3A_56 = arith.constant 0 : i32
      %dma_wait3A_57 = tpu.memref_slice %arg8[%run_scoped3A, %dma_wait3A_55, %dma_wait3A_56] : memref<2x2x128xi32, #tpu.memory_space<vmem>> -> memref<1x2x128xi32, #tpu.memory_space<vmem>>
      %dma_wait3A_58 = tpu.memref_squeeze %dma_wait3A_57 : memref<1x2x128xi32, #tpu.memory_space<vmem>> -> memref<2x128xi32, #tpu.memory_space<vmem>>
      %dma_wait3A_59 = arith.constant 0 : i32
      %dma_wait3A_60 = tpu.memref_slice %arg4[%mul3A_2, %dma_wait3A_59] : memref<2560x128xi32, #tpu.memory_space<hbm>> -> memref<2x128xi32, #tpu.memory_space<hbm>>
      tpu.wait_dma2 semaphore(%run_scoped3A_37 : memref<!tpu.dma_semaphore, #tpu.memory_space<semaphore_mem>>) src(%dma_wait3A_60 : memref<2x128xi32, #tpu.memory_space<hbm>>) dst(%dma_wait3A_58 : memref<2x128xi32, #tpu.memory_space<vmem>>)
      tpu.yield
    }) : () -> ()
    %run_scoped3A_3 = arith.constant 0 : i32
    "tpu.region"() ({
      %run_scoped3A_37 = tpu.sem_alloc : memref<!tpu.dma_semaphore, #tpu.memory_space<semaphore_mem>>
      %dma_start3A = arith.constant 0 : i32
      %dma_start3A_38 = arith.constant 0 : i32
      %dma_start3A_39 = tpu.memref_slice %arg9[%run_scoped3A_3, %dma_start3A, %dma_start3A_38] : memref<2x2x128xi32, #tpu.memory_space<vmem>> -> memref<1x2x128xi32, #tpu.memory_space<vmem>>
      %dma_start3A_40 = tpu.memref_squeeze %dma_start3A_39 : memref<1x2x128xi32, #tpu.memory_space<vmem>> -> memref<2x128xi32, #tpu.memory_space<vmem>>
      %dma_start3A_41 = arith.constant 0 : i32
      %dma_start3A_42 = tpu.memref_slice %arg5[%mul3A_2, %dma_start3A_41] : memref<2560x128xi32, #tpu.memory_space<hbm>> -> memref<2x128xi32, #tpu.memory_space<hbm>>
      %dma_start3A_43 = arith.constant 0 : i32
      %dma_start3A_44 = arith.constant 0 : i32
      %dma_start3A_45 = tpu.memref_slice %arg9[%run_scoped3A_3, %dma_start3A_43, %dma_start3A_44] : memref<2x2x128xi32, #tpu.memory_space<vmem>> -> memref<1x2x128xi32, #tpu.memory_space<vmem>>
      %dma_start3A_46 = tpu.memref_squeeze %dma_start3A_45 : memref<1x2x128xi32, #tpu.memory_space<vmem>> -> memref<2x128xi32, #tpu.memory_space<vmem>>
      %dma_start3A_47 = arith.constant 0 : i32
      %dma_start3A_48 = tpu.memref_slice %arg5[%mul3A_2, %dma_start3A_47] : memref<2560x128xi32, #tpu.memory_space<hbm>> -> memref<2x128xi32, #tpu.memory_space<hbm>>
      tpu.enqueue_dma source(%dma_start3A_48 : memref<2x128xi32, #tpu.memory_space<hbm>>) target(%dma_start3A_46 : memref<2x128xi32, #tpu.memory_space<vmem>>) target_semaphore(%run_scoped3A_37 : memref<!tpu.dma_semaphore, #tpu.memory_space<semaphore_mem>>)
      %dma_wait3A_49 = arith.constant 0 : i32
      %dma_wait3A_50 = arith.constant 0 : i32
      %dma_wait3A_51 = tpu.memref_slice %arg9[%run_scoped3A_3, %dma_wait3A_49, %dma_wait3A_50] : memref<2x2x128xi32, #tpu.memory_space<vmem>> -> memref<1x2x128xi32, #tpu.memory_space<vmem>>
      %dma_wait3A_52 = tpu.memref_squeeze %dma_wait3A_51 : memref<1x2x128xi32, #tpu.memory_space<vmem>> -> memref<2x128xi32, #tpu.memory_space<vmem>>
      %dma_wait3A_53 = arith.constant 0 : i32
      %dma_wait3A_54 = tpu.memref_slice %arg5[%mul3A_2, %dma_wait3A_53] : memref<2560x128xi32, #tpu.memory_space<hbm>> -> memref<2x128xi32, #tpu.memory_space<hbm>>
      %dma_wait3A_55 = arith.constant 0 : i32
      %dma_wait3A_56 = arith.constant 0 : i32
      %dma_wait3A_57 = tpu.memref_slice %arg9[%run_scoped3A_3, %dma_wait3A_55, %dma_wait3A_56] : memref<2x2x128xi32, #tpu.memory_space<vmem>> -> memref<1x2x128xi32, #tpu.memory_space<vmem>>
      %dma_wait3A_58 = tpu.memref_squeeze %dma_wait3A_57 : memref<1x2x128xi32, #tpu.memory_space<vmem>> -> memref<2x128xi32, #tpu.memory_space<vmem>>
      %dma_wait3A_59 = arith.constant 0 : i32
      %dma_wait3A_60 = tpu.memref_slice %arg5[%mul3A_2, %dma_wait3A_59] : memref<2560x128xi32, #tpu.memory_space<hbm>> -> memref<2x128xi32, #tpu.memory_space<hbm>>
      tpu.wait_dma2 semaphore(%run_scoped3A_37 : memref<!tpu.dma_semaphore, #tpu.memory_space<semaphore_mem>>) src(%dma_wait3A_60 : memref<2x128xi32, #tpu.memory_space<hbm>>) dst(%dma_wait3A_58 : memref<2x128xi32, #tpu.memory_space<vmem>>)
      tpu.yield
    }) : () -> ()
    %scan3A = arith.constant 0 : i32
    %scan3A_4 = arith.constant 0 : i32
    %scan3A_5 = arith.constant 80 : i32
    %scan3A_6 = arith.addi %scan3A_4, %scan3A_5 : i32
    %scan3A_7 = arith.constant 1 : i32
    scf.for %scan3A_37 = %scan3A_4 to %scan3A_6 step %scan3A_7  : i32 {
      %rem3A = arith.constant 2 : i32
      %rem3A_38 = arith.remsi %scan3A_37, %rem3A : i32
      %mul3A_39 = arith.constant 2 : i32
      %mul3A_40 = arith.muli %scan3A_37, %mul3A_39 : i32
      %add3A_41 = arith.addi %mul3A_2, %mul3A_40 : i32
      %gt3A = arith.constant 0 : i32
      %gt3A_42 = arith.cmpi sgt, %scan3A_37, %gt3A : i32
      %convert_element_type3A = arith.extui %gt3A_42 : i1 to i32
      %cond3A = arith.constant 0 : i32
      %cond3A_43 = arith.cmpi ne, %convert_element_type3A, %cond3A : i32
      scf.if %cond3A_43 {
        %sub3A = arith.constant 1 : i32
        %sub3A_113 = arith.subi %sub3A, %rem3A_38 : i32
        %dma_wait3A_114 = arith.constant 0 : i32
        %dma_wait3A_115 = arith.constant 0 : i32
        %dma_wait3A_116 = arith.constant 0 : i32
        %dma_wait3A_117 = arith.constant 0 : i32
        %dma_wait3A_118 = tpu.memref_slice %arg10[%dma_wait3A_114, %dma_wait3A_116, %dma_wait3A_117] : memref<2x128x128xf32, #tpu.memory_space<vmem>> -> memref<1x128x128xf32, #tpu.memory_space<vmem>>
        %dma_wait3A_119 = tpu.memref_squeeze %dma_wait3A_118 : memref<1x128x128xf32, #tpu.memory_space<vmem>> -> memref<128x128xf32, #tpu.memory_space<vmem>>
        %dma_wait3A_120 = arith.constant 0 : i32
        %dma_wait3A_121 = tpu.memref_slice %arg9[%sub3A_113, %dma_wait3A_115, %dma_wait3A_120] : memref<2x2x128xi32, #tpu.memory_space<vmem>> -> memref<1x1x128xi32, #tpu.memory_space<vmem>>
        %dma_wait3A_122 = tpu.memref_squeeze %dma_wait3A_121 : memref<1x1x128xi32, #tpu.memory_space<vmem>> -> memref<128xi32, #tpu.memory_space<vmem>>
        %dma_wait3A_123 = arith.constant 0 : i32
        %dma_wait3A_124 = arith.constant 0 : i32
        %dma_wait3A_125 = tpu.memref_slice %arg11[%dma_wait3A_123, %dma_wait3A_124] : memref<10240x128xf32, #tpu.memory_space<vmem_shared>> -> memref<10240x128xf32, #tpu.memory_space<vmem_shared>>
        tpu.wait_indirect_dma semaphore(%arg14 : memref<!tpu.dma_semaphore, #tpu.memory_space<semaphore_mem>>) src(%dma_wait3A_119 : memref<128x128xf32, #tpu.memory_space<vmem>>) dst(%dma_wait3A_125 : memref<10240x128xf32, #tpu.memory_space<vmem_shared>>)
        %sub3A_126 = arith.constant 1 : i32
        %sub3A_127 = arith.subi %sub3A_126, %rem3A_38 : i32
        %dma_wait3A_128 = arith.constant 1 : i32
        %dma_wait3A_129 = arith.constant 1 : i32
        %dma_wait3A_130 = arith.constant 0 : i32
        %dma_wait3A_131 = arith.constant 0 : i32
        %dma_wait3A_132 = tpu.memref_slice %arg10[%dma_wait3A_128, %dma_wait3A_130, %dma_wait3A_131] : memref<2x128x128xf32, #tpu.memory_space<vmem>> -> memref<1x128x128xf32, #tpu.memory_space<vmem>>
        %dma_wait3A_133 = tpu.memref_squeeze %dma_wait3A_132 : memref<1x128x128xf32, #tpu.memory_space<vmem>> -> memref<128x128xf32, #tpu.memory_space<vmem>>
        %dma_wait3A_134 = arith.constant 0 : i32
        %dma_wait3A_135 = tpu.memref_slice %arg9[%sub3A_127, %dma_wait3A_129, %dma_wait3A_134] : memref<2x2x128xi32, #tpu.memory_space<vmem>> -> memref<1x1x128xi32, #tpu.memory_space<vmem>>
        %dma_wait3A_136 = tpu.memref_squeeze %dma_wait3A_135 : memref<1x1x128xi32, #tpu.memory_space<vmem>> -> memref<128xi32, #tpu.memory_space<vmem>>
        %dma_wait3A_137 = arith.constant 0 : i32
        %dma_wait3A_138 = arith.constant 0 : i32
        %dma_wait3A_139 = tpu.memref_slice %arg11[%dma_wait3A_137, %dma_wait3A_138] : memref<10240x128xf32, #tpu.memory_space<vmem_shared>> -> memref<10240x128xf32, #tpu.memory_space<vmem_shared>>
        tpu.wait_indirect_dma semaphore(%arg14 : memref<!tpu.dma_semaphore, #tpu.memory_space<semaphore_mem>>) src(%dma_wait3A_133 : memref<128x128xf32, #tpu.memory_space<vmem>>) dst(%dma_wait3A_139 : memref<10240x128xf32, #tpu.memory_space<vmem_shared>>)
      } else {
      }
      %add3A_44 = arith.constant 1 : i32
      %add3A_45 = arith.addi %scan3A_37, %add3A_44 : i32
      %lt3A = arith.constant 80 : i32
      %lt3A_46 = arith.cmpi slt, %add3A_45, %lt3A : i32
      %convert_element_type3A_47 = arith.extui %lt3A_46 : i1 to i32
      %cond3A_48 = arith.constant 0 : i32
      %cond3A_49 = arith.cmpi ne, %convert_element_type3A_47, %cond3A_48 : i32
      scf.if %cond3A_49 {
        %add3A_113 = arith.constant 2 : i32
        %add3A_114 = arith.addi %add3A_41, %add3A_113 : i32
        %sub3A = arith.constant 1 : i32
        %sub3A_115 = arith.subi %sub3A, %rem3A_38 : i32
        %dma_start3A_116 = arith.constant 0 : i32
        %dma_start3A_117 = arith.constant 0 : i32
        %dma_start3A_118 = tpu.memref_slice %arg8[%sub3A_115, %dma_start3A_116, %dma_start3A_117] : memref<2x2x128xi32, #tpu.memory_space<vmem>> -> memref<1x2x128xi32, #tpu.memory_space<vmem>>
        %dma_start3A_119 = tpu.memref_squeeze %dma_start3A_118 : memref<1x2x128xi32, #tpu.memory_space<vmem>> -> memref<2x128xi32, #tpu.memory_space<vmem>>
        %dma_start3A_120 = arith.constant 0 : i32
        %dma_start3A_121 = tpu.memref_slice %arg4[%add3A_114, %dma_start3A_120] : memref<2560x128xi32, #tpu.memory_space<hbm>> -> memref<2x128xi32, #tpu.memory_space<hbm>>
        %dma_start3A_122 = arith.constant 0 : i32
        %dma_start3A_123 = arith.constant 0 : i32
        %dma_start3A_124 = tpu.memref_slice %arg8[%sub3A_115, %dma_start3A_122, %dma_start3A_123] : memref<2x2x128xi32, #tpu.memory_space<vmem>> -> memref<1x2x128xi32, #tpu.memory_space<vmem>>
        %dma_start3A_125 = tpu.memref_squeeze %dma_start3A_124 : memref<1x2x128xi32, #tpu.memory_space<vmem>> -> memref<2x128xi32, #tpu.memory_space<vmem>>
        %dma_start3A_126 = arith.constant 0 : i32
        %dma_start3A_127 = tpu.memref_slice %arg4[%add3A_114, %dma_start3A_126] : memref<2560x128xi32, #tpu.memory_space<hbm>> -> memref<2x128xi32, #tpu.memory_space<hbm>>
        tpu.enqueue_dma source(%dma_start3A_127 : memref<2x128xi32, #tpu.memory_space<hbm>>) target(%dma_start3A_125 : memref<2x128xi32, #tpu.memory_space<vmem>>) target_semaphore(%arg15 : memref<!tpu.dma_semaphore, #tpu.memory_space<semaphore_mem>>)
        %add3A_128 = arith.constant 2 : i32
        %add3A_129 = arith.addi %add3A_41, %add3A_128 : i32
        %sub3A_130 = arith.constant 1 : i32
        %sub3A_131 = arith.subi %sub3A_130, %rem3A_38 : i32
        %dma_start3A_132 = arith.constant 0 : i32
        %dma_start3A_133 = arith.constant 0 : i32
        %dma_start3A_134 = tpu.memref_slice %arg9[%sub3A_131, %dma_start3A_132, %dma_start3A_133] : memref<2x2x128xi32, #tpu.memory_space<vmem>> -> memref<1x2x128xi32, #tpu.memory_space<vmem>>
        %dma_start3A_135 = tpu.memref_squeeze %dma_start3A_134 : memref<1x2x128xi32, #tpu.memory_space<vmem>> -> memref<2x128xi32, #tpu.memory_space<vmem>>
        %dma_start3A_136 = arith.constant 0 : i32
        %dma_start3A_137 = tpu.memref_slice %arg5[%add3A_129, %dma_start3A_136] : memref<2560x128xi32, #tpu.memory_space<hbm>> -> memref<2x128xi32, #tpu.memory_space<hbm>>
        %dma_start3A_138 = arith.constant 0 : i32
        %dma_start3A_139 = arith.constant 0 : i32
        %dma_start3A_140 = tpu.memref_slice %arg9[%sub3A_131, %dma_start3A_138, %dma_start3A_139] : memref<2x2x128xi32, #tpu.memory_space<vmem>> -> memref<1x2x128xi32, #tpu.memory_space<vmem>>
        %dma_start3A_141 = tpu.memref_squeeze %dma_start3A_140 : memref<1x2x128xi32, #tpu.memory_space<vmem>> -> memref<2x128xi32, #tpu.memory_space<vmem>>
        %dma_start3A_142 = arith.constant 0 : i32
        %dma_start3A_143 = tpu.memref_slice %arg5[%add3A_129, %dma_start3A_142] : memref<2560x128xi32, #tpu.memory_space<hbm>> -> memref<2x128xi32, #tpu.memory_space<hbm>>
        tpu.enqueue_dma source(%dma_start3A_143 : memref<2x128xi32, #tpu.memory_space<hbm>>) target(%dma_start3A_141 : memref<2x128xi32, #tpu.memory_space<vmem>>) target_semaphore(%arg15 : memref<!tpu.dma_semaphore, #tpu.memory_space<semaphore_mem>>)
      } else {
      }
      %eq3A = arith.constant 0 : i32
      %eq3A_50 = arith.cmpi eq, %arg0, %eq3A : i32
      %convert_element_type3A_51 = arith.extui %eq3A_50 : i1 to i32
      %cond3A_52 = arith.constant 0 : i32
      %cond3A_53 = arith.cmpi ne, %convert_element_type3A_51, %cond3A_52 : i32
      scf.if %cond3A_53 {
        %dma_start3A_113 = arith.constant 0 : i32
        %dma_start3A_114 = arith.constant 0 : i32
        %dma_start3A_115 = arith.constant 0 : i32
        %dma_start3A_116 = arith.constant 0 : i32
        %dma_start3A_117 = tpu.memref_slice %arg10[%dma_start3A_114, %dma_start3A_115, %dma_start3A_116] : memref<2x128x128xf32, #tpu.memory_space<vmem>> -> memref<1x128x128xf32, #tpu.memory_space<vmem>>
        %dma_start3A_118 = tpu.memref_squeeze %dma_start3A_117 : memref<1x128x128xf32, #tpu.memory_space<vmem>> -> memref<128x128xf32, #tpu.memory_space<vmem>>
        %dma_start3A_119 = arith.constant 0 : i32
        %dma_start3A_120 = tpu.memref_slice %arg8[%rem3A_38, %dma_start3A_113, %dma_start3A_119] : memref<2x2x128xi32, #tpu.memory_space<vmem>> -> memref<1x1x128xi32, #tpu.memory_space<vmem>>
        %dma_start3A_121 = tpu.memref_squeeze %dma_start3A_120 : memref<1x1x128xi32, #tpu.memory_space<vmem>> -> memref<128xi32, #tpu.memory_space<vmem>>
        %dma_start3A_122 = arith.constant 0 : i32
        %dma_start3A_123 = arith.constant 0 : i32
        %dma_start3A_124 = tpu.memref_slice %arg2[%dma_start3A_122, %dma_start3A_123] : memref<10000x128xf32, #tpu.memory_space<hbm>> -> memref<10000x128xf32, #tpu.memory_space<hbm>>
        tpu.enqueue_indirect_dma source(%dma_start3A_124 : memref<10000x128xf32, #tpu.memory_space<hbm>>) target(%dma_start3A_118 : memref<128x128xf32, #tpu.memory_space<vmem>>) offsets(%dma_start3A_121 : memref<128xi32, #tpu.memory_space<vmem>>) semaphore(%arg12 : memref<!tpu.dma_semaphore, #tpu.memory_space<semaphore_mem>>)
        %dma_start3A_125 = arith.constant 1 : i32
        %dma_start3A_126 = arith.constant 1 : i32
        %dma_start3A_127 = arith.constant 0 : i32
        %dma_start3A_128 = arith.constant 0 : i32
        %dma_start3A_129 = tpu.memref_slice %arg10[%dma_start3A_126, %dma_start3A_127, %dma_start3A_128] : memref<2x128x128xf32, #tpu.memory_space<vmem>> -> memref<1x128x128xf32, #tpu.memory_space<vmem>>
        %dma_start3A_130 = tpu.memref_squeeze %dma_start3A_129 : memref<1x128x128xf32, #tpu.memory_space<vmem>> -> memref<128x128xf32, #tpu.memory_space<vmem>>
        %dma_start3A_131 = arith.constant 0 : i32
        %dma_start3A_132 = tpu.memref_slice %arg8[%rem3A_38, %dma_start3A_125, %dma_start3A_131] : memref<2x2x128xi32, #tpu.memory_space<vmem>> -> memref<1x1x128xi32, #tpu.memory_space<vmem>>
        %dma_start3A_133 = tpu.memref_squeeze %dma_start3A_132 : memref<1x1x128xi32, #tpu.memory_space<vmem>> -> memref<128xi32, #tpu.memory_space<vmem>>
        %dma_start3A_134 = arith.constant 0 : i32
        %dma_start3A_135 = arith.constant 0 : i32
        %dma_start3A_136 = tpu.memref_slice %arg2[%dma_start3A_134, %dma_start3A_135] : memref<10000x128xf32, #tpu.memory_space<hbm>> -> memref<10000x128xf32, #tpu.memory_space<hbm>>
        tpu.enqueue_indirect_dma source(%dma_start3A_136 : memref<10000x128xf32, #tpu.memory_space<hbm>>) target(%dma_start3A_130 : memref<128x128xf32, #tpu.memory_space<vmem>>) offsets(%dma_start3A_133 : memref<128xi32, #tpu.memory_space<vmem>>) semaphore(%arg13 : memref<!tpu.dma_semaphore, #tpu.memory_space<semaphore_mem>>)
      } else {
      }
      %eq3A_54 = arith.constant 1 : i32
      %eq3A_55 = arith.cmpi eq, %arg0, %eq3A_54 : i32
      %convert_element_type3A_56 = arith.extui %eq3A_55 : i1 to i32
      %cond3A_57 = arith.constant 0 : i32
      %cond3A_58 = arith.cmpi ne, %convert_element_type3A_56, %cond3A_57 : i32
      scf.if %cond3A_58 {
        %dma_start3A_113 = arith.constant 0 : i32
        %dma_start3A_114 = arith.constant 0 : i32
        %dma_start3A_115 = arith.constant 0 : i32
        %dma_start3A_116 = arith.constant 0 : i32
        %dma_start3A_117 = tpu.memref_slice %arg10[%dma_start3A_114, %dma_start3A_115, %dma_start3A_116] : memref<2x128x128xf32, #tpu.memory_space<vmem>> -> memref<1x128x128xf32, #tpu.memory_space<vmem>>
        %dma_start3A_118 = tpu.memref_squeeze %dma_start3A_117 : memref<1x128x128xf32, #tpu.memory_space<vmem>> -> memref<128x128xf32, #tpu.memory_space<vmem>>
        %dma_start3A_119 = arith.constant 0 : i32
        %dma_start3A_120 = tpu.memref_slice %arg8[%rem3A_38, %dma_start3A_113, %dma_start3A_119] : memref<2x2x128xi32, #tpu.memory_space<vmem>> -> memref<1x1x128xi32, #tpu.memory_space<vmem>>
        %dma_start3A_121 = tpu.memref_squeeze %dma_start3A_120 : memref<1x1x128xi32, #tpu.memory_space<vmem>> -> memref<128xi32, #tpu.memory_space<vmem>>
        %dma_start3A_122 = arith.constant 0 : i32
        %dma_start3A_123 = arith.constant 0 : i32
        %dma_start3A_124 = tpu.memref_slice %arg3[%dma_start3A_122, %dma_start3A_123] : memref<10000x128xf32, #tpu.memory_space<hbm>> -> memref<10000x128xf32, #tpu.memory_space<hbm>>
        tpu.enqueue_indirect_dma source(%dma_start3A_124 : memref<10000x128xf32, #tpu.memory_space<hbm>>) target(%dma_start3A_118 : memref<128x128xf32, #tpu.memory_space<vmem>>) offsets(%dma_start3A_121 : memref<128xi32, #tpu.memory_space<vmem>>) semaphore(%arg12 : memref<!tpu.dma_semaphore, #tpu.memory_space<semaphore_mem>>)
        %dma_start3A_125 = arith.constant 1 : i32
        %dma_start3A_126 = arith.constant 1 : i32
        %dma_start3A_127 = arith.constant 0 : i32
        %dma_start3A_128 = arith.constant 0 : i32
        %dma_start3A_129 = tpu.memref_slice %arg10[%dma_start3A_126, %dma_start3A_127, %dma_start3A_128] : memref<2x128x128xf32, #tpu.memory_space<vmem>> -> memref<1x128x128xf32, #tpu.memory_space<vmem>>
        %dma_start3A_130 = tpu.memref_squeeze %dma_start3A_129 : memref<1x128x128xf32, #tpu.memory_space<vmem>> -> memref<128x128xf32, #tpu.memory_space<vmem>>
        %dma_start3A_131 = arith.constant 0 : i32
        %dma_start3A_132 = tpu.memref_slice %arg8[%rem3A_38, %dma_start3A_125, %dma_start3A_131] : memref<2x2x128xi32, #tpu.memory_space<vmem>> -> memref<1x1x128xi32, #tpu.memory_space<vmem>>
        %dma_start3A_133 = tpu.memref_squeeze %dma_start3A_132 : memref<1x1x128xi32, #tpu.memory_space<vmem>> -> memref<128xi32, #tpu.memory_space<vmem>>
        %dma_start3A_134 = arith.constant 0 : i32
        %dma_start3A_135 = arith.constant 0 : i32
        %dma_start3A_136 = tpu.memref_slice %arg3[%dma_start3A_134, %dma_start3A_135] : memref<10000x128xf32, #tpu.memory_space<hbm>> -> memref<10000x128xf32, #tpu.memory_space<hbm>>
        tpu.enqueue_indirect_dma source(%dma_start3A_136 : memref<10000x128xf32, #tpu.memory_space<hbm>>) target(%dma_start3A_130 : memref<128x128xf32, #tpu.memory_space<vmem>>) offsets(%dma_start3A_133 : memref<128xi32, #tpu.memory_space<vmem>>) semaphore(%arg13 : memref<!tpu.dma_semaphore, #tpu.memory_space<semaphore_mem>>)
      } else {
      }
      %dma_wait3A_59 = arith.constant 0 : i32
      %dma_wait3A_60 = arith.constant 0 : i32
      %dma_wait3A_61 = arith.constant 0 : i32
      %dma_wait3A_62 = arith.constant 0 : i32
      %dma_wait3A_63 = tpu.memref_slice %arg10[%dma_wait3A_60, %dma_wait3A_61, %dma_wait3A_62] : memref<2x128x128xf32, #tpu.memory_space<vmem>> -> memref<1x128x128xf32, #tpu.memory_space<vmem>>
      %dma_wait3A_64 = tpu.memref_squeeze %dma_wait3A_63 : memref<1x128x128xf32, #tpu.memory_space<vmem>> -> memref<128x128xf32, #tpu.memory_space<vmem>>
      %dma_wait3A_65 = arith.constant 0 : i32
      %dma_wait3A_66 = tpu.memref_slice %arg8[%rem3A_38, %dma_wait3A_59, %dma_wait3A_65] : memref<2x2x128xi32, #tpu.memory_space<vmem>> -> memref<1x1x128xi32, #tpu.memory_space<vmem>>
      %dma_wait3A_67 = tpu.memref_squeeze %dma_wait3A_66 : memref<1x1x128xi32, #tpu.memory_space<vmem>> -> memref<128xi32, #tpu.memory_space<vmem>>
      %dma_wait3A_68 = arith.constant 0 : i32
      %dma_wait3A_69 = arith.constant 0 : i32
      %dma_wait3A_70 = tpu.memref_slice %arg2[%dma_wait3A_68, %dma_wait3A_69] : memref<10000x128xf32, #tpu.memory_space<hbm>> -> memref<10000x128xf32, #tpu.memory_space<hbm>>
      tpu.wait_indirect_dma semaphore(%arg12 : memref<!tpu.dma_semaphore, #tpu.memory_space<semaphore_mem>>) src(%dma_wait3A_70 : memref<10000x128xf32, #tpu.memory_space<hbm>>) dst(%dma_wait3A_64 : memref<128x128xf32, #tpu.memory_space<vmem>>)
      %dma_start3A = arith.constant 0 : i32
      %dma_start3A_71 = arith.constant 0 : i32
      %dma_start3A_72 = arith.constant 0 : i32
      %dma_start3A_73 = arith.constant 0 : i32
      %dma_start3A_74 = tpu.memref_slice %arg10[%dma_start3A, %dma_start3A_72, %dma_start3A_73] : memref<2x128x128xf32, #tpu.memory_space<vmem>> -> memref<1x128x128xf32, #tpu.memory_space<vmem>>
      %dma_start3A_75 = tpu.memref_squeeze %dma_start3A_74 : memref<1x128x128xf32, #tpu.memory_space<vmem>> -> memref<128x128xf32, #tpu.memory_space<vmem>>
      %dma_start3A_76 = arith.constant 0 : i32
      %dma_start3A_77 = tpu.memref_slice %arg9[%rem3A_38, %dma_start3A_71, %dma_start3A_76] : memref<2x2x128xi32, #tpu.memory_space<vmem>> -> memref<1x1x128xi32, #tpu.memory_space<vmem>>
      %dma_start3A_78 = tpu.memref_squeeze %dma_start3A_77 : memref<1x1x128xi32, #tpu.memory_space<vmem>> -> memref<128xi32, #tpu.memory_space<vmem>>
      %dma_start3A_79 = arith.constant 0 : i32
      %dma_start3A_80 = arith.constant 0 : i32
      %dma_start3A_81 = tpu.memref_slice %arg11[%dma_start3A_79, %dma_start3A_80] : memref<10240x128xf32, #tpu.memory_space<vmem_shared>> -> memref<10240x128xf32, #tpu.memory_space<vmem_shared>>
      tpu.enqueue_indirect_dma source(%dma_start3A_75 : memref<128x128xf32, #tpu.memory_space<vmem>>) target(%dma_start3A_81 : memref<10240x128xf32, #tpu.memory_space<vmem_shared>>) offsets(%dma_start3A_78 : memref<128xi32, #tpu.memory_space<vmem>>) semaphore(%arg14 : memref<!tpu.dma_semaphore, #tpu.memory_space<semaphore_mem>>) {add = true}
      %dma_wait3A_82 = arith.constant 1 : i32
      %dma_wait3A_83 = arith.constant 1 : i32
      %dma_wait3A_84 = arith.constant 0 : i32
      %dma_wait3A_85 = arith.constant 0 : i32
      %dma_wait3A_86 = tpu.memref_slice %arg10[%dma_wait3A_83, %dma_wait3A_84, %dma_wait3A_85] : memref<2x128x128xf32, #tpu.memory_space<vmem>> -> memref<1x128x128xf32, #tpu.memory_space<vmem>>
      %dma_wait3A_87 = tpu.memref_squeeze %dma_wait3A_86 : memref<1x128x128xf32, #tpu.memory_space<vmem>> -> memref<128x128xf32, #tpu.memory_space<vmem>>
      %dma_wait3A_88 = arith.constant 0 : i32
      %dma_wait3A_89 = tpu.memref_slice %arg8[%rem3A_38, %dma_wait3A_82, %dma_wait3A_88] : memref<2x2x128xi32, #tpu.memory_space<vmem>> -> memref<1x1x128xi32, #tpu.memory_space<vmem>>
      %dma_wait3A_90 = tpu.memref_squeeze %dma_wait3A_89 : memref<1x1x128xi32, #tpu.memory_space<vmem>> -> memref<128xi32, #tpu.memory_space<vmem>>
      %dma_wait3A_91 = arith.constant 0 : i32
      %dma_wait3A_92 = arith.constant 0 : i32
      %dma_wait3A_93 = tpu.memref_slice %arg2[%dma_wait3A_91, %dma_wait3A_92] : memref<10000x128xf32, #tpu.memory_space<hbm>> -> memref<10000x128xf32, #tpu.memory_space<hbm>>
      tpu.wait_indirect_dma semaphore(%arg13 : memref<!tpu.dma_semaphore, #tpu.memory_space<semaphore_mem>>) src(%dma_wait3A_93 : memref<10000x128xf32, #tpu.memory_space<hbm>>) dst(%dma_wait3A_87 : memref<128x128xf32, #tpu.memory_space<vmem>>)
      %dma_start3A_94 = arith.constant 1 : i32
      %dma_start3A_95 = arith.constant 1 : i32
      %dma_start3A_96 = arith.constant 0 : i32
      %dma_start3A_97 = arith.constant 0 : i32
      %dma_start3A_98 = tpu.memref_slice %arg10[%dma_start3A_94, %dma_start3A_96, %dma_start3A_97] : memref<2x128x128xf32, #tpu.memory_space<vmem>> -> memref<1x128x128xf32, #tpu.memory_space<vmem>>
      %dma_start3A_99 = tpu.memref_squeeze %dma_start3A_98 : memref<1x128x128xf32, #tpu.memory_space<vmem>> -> memref<128x128xf32, #tpu.memory_space<vmem>>
      %dma_start3A_100 = arith.constant 0 : i32
      %dma_start3A_101 = tpu.memref_slice %arg9[%rem3A_38, %dma_start3A_95, %dma_start3A_100] : memref<2x2x128xi32, #tpu.memory_space<vmem>> -> memref<1x1x128xi32, #tpu.memory_space<vmem>>
      %dma_start3A_102 = tpu.memref_squeeze %dma_start3A_101 : memref<1x1x128xi32, #tpu.memory_space<vmem>> -> memref<128xi32, #tpu.memory_space<vmem>>
      %dma_start3A_103 = arith.constant 0 : i32
      %dma_start3A_104 = arith.constant 0 : i32
      %dma_start3A_105 = tpu.memref_slice %arg11[%dma_start3A_103, %dma_start3A_104] : memref<10240x128xf32, #tpu.memory_space<vmem_shared>> -> memref<10240x128xf32, #tpu.memory_space<vmem_shared>>
      tpu.enqueue_indirect_dma source(%dma_start3A_99 : memref<128x128xf32, #tpu.memory_space<vmem>>) target(%dma_start3A_105 : memref<10240x128xf32, #tpu.memory_space<vmem_shared>>) offsets(%dma_start3A_102 : memref<128xi32, #tpu.memory_space<vmem>>) semaphore(%arg14 : memref<!tpu.dma_semaphore, #tpu.memory_space<semaphore_mem>>) {add = true}
      %add3A_106 = arith.constant 1 : i32
      %add3A_107 = arith.addi %scan3A_37, %add3A_106 : i32
      %lt3A_108 = arith.constant 80 : i32
      %lt3A_109 = arith.cmpi slt, %add3A_107, %lt3A_108 : i32
      %convert_element_type3A_110 = arith.extui %lt3A_109 : i1 to i32
      %cond3A_111 = arith.constant 0 : i32
      %cond3A_112 = arith.cmpi ne, %convert_element_type3A_110, %cond3A_111 : i32
      scf.if %cond3A_112 {
        %add3A_113 = arith.constant 2 : i32
        %add3A_114 = arith.addi %add3A_41, %add3A_113 : i32
        %sub3A = arith.constant 1 : i32
        %sub3A_115 = arith.subi %sub3A, %rem3A_38 : i32
        %dma_wait3A_116 = arith.constant 0 : i32
        %dma_wait3A_117 = arith.constant 0 : i32
        %dma_wait3A_118 = tpu.memref_slice %arg8[%sub3A_115, %dma_wait3A_116, %dma_wait3A_117] : memref<2x2x128xi32, #tpu.memory_space<vmem>> -> memref<1x2x128xi32, #tpu.memory_space<vmem>>
        %dma_wait3A_119 = tpu.memref_squeeze %dma_wait3A_118 : memref<1x2x128xi32, #tpu.memory_space<vmem>> -> memref<2x128xi32, #tpu.memory_space<vmem>>
        %dma_wait3A_120 = arith.constant 0 : i32
        %dma_wait3A_121 = tpu.memref_slice %arg4[%add3A_114, %dma_wait3A_120] : memref<2560x128xi32, #tpu.memory_space<hbm>> -> memref<2x128xi32, #tpu.memory_space<hbm>>
        %dma_wait3A_122 = arith.constant 0 : i32
        %dma_wait3A_123 = arith.constant 0 : i32
        %dma_wait3A_124 = tpu.memref_slice %arg8[%sub3A_115, %dma_wait3A_122, %dma_wait3A_123] : memref<2x2x128xi32, #tpu.memory_space<vmem>> -> memref<1x2x128xi32, #tpu.memory_space<vmem>>
        %dma_wait3A_125 = tpu.memref_squeeze %dma_wait3A_124 : memref<1x2x128xi32, #tpu.memory_space<vmem>> -> memref<2x128xi32, #tpu.memory_space<vmem>>
        %dma_wait3A_126 = arith.constant 0 : i32
        %dma_wait3A_127 = tpu.memref_slice %arg4[%add3A_114, %dma_wait3A_126] : memref<2560x128xi32, #tpu.memory_space<hbm>> -> memref<2x128xi32, #tpu.memory_space<hbm>>
        tpu.wait_dma2 semaphore(%arg15 : memref<!tpu.dma_semaphore, #tpu.memory_space<semaphore_mem>>) src(%dma_wait3A_127 : memref<2x128xi32, #tpu.memory_space<hbm>>) dst(%dma_wait3A_125 : memref<2x128xi32, #tpu.memory_space<vmem>>)
        %add3A_128 = arith.constant 2 : i32
        %add3A_129 = arith.addi %add3A_41, %add3A_128 : i32
        %sub3A_130 = arith.constant 1 : i32
        %sub3A_131 = arith.subi %sub3A_130, %rem3A_38 : i32
        %dma_wait3A_132 = arith.constant 0 : i32
        %dma_wait3A_133 = arith.constant 0 : i32
        %dma_wait3A_134 = tpu.memref_slice %arg9[%sub3A_131, %dma_wait3A_132, %dma_wait3A_133] : memref<2x2x128xi32, #tpu.memory_space<vmem>> -> memref<1x2x128xi32, #tpu.memory_space<vmem>>
        %dma_wait3A_135 = tpu.memref_squeeze %dma_wait3A_134 : memref<1x2x128xi32, #tpu.memory_space<vmem>> -> memref<2x128xi32, #tpu.memory_space<vmem>>
        %dma_wait3A_136 = arith.constant 0 : i32
        %dma_wait3A_137 = tpu.memref_slice %arg5[%add3A_129, %dma_wait3A_136] : memref<2560x128xi32, #tpu.memory_space<hbm>> -> memref<2x128xi32, #tpu.memory_space<hbm>>
        %dma_wait3A_138 = arith.constant 0 : i32
        %dma_wait3A_139 = arith.constant 0 : i32
        %dma_wait3A_140 = tpu.memref_slice %arg9[%sub3A_131, %dma_wait3A_138, %dma_wait3A_139] : memref<2x2x128xi32, #tpu.memory_space<vmem>> -> memref<1x2x128xi32, #tpu.memory_space<vmem>>
        %dma_wait3A_141 = tpu.memref_squeeze %dma_wait3A_140 : memref<1x2x128xi32, #tpu.memory_space<vmem>> -> memref<2x128xi32, #tpu.memory_space<vmem>>
        %dma_wait3A_142 = arith.constant 0 : i32
        %dma_wait3A_143 = tpu.memref_slice %arg5[%add3A_129, %dma_wait3A_142] : memref<2560x128xi32, #tpu.memory_space<hbm>> -> memref<2x128xi32, #tpu.memory_space<hbm>>
        tpu.wait_dma2 semaphore(%arg15 : memref<!tpu.dma_semaphore, #tpu.memory_space<semaphore_mem>>) src(%dma_wait3A_143 : memref<2x128xi32, #tpu.memory_space<hbm>>) dst(%dma_wait3A_141 : memref<2x128xi32, #tpu.memory_space<vmem>>)
      } else {
      }
    }
    %scan3A_8 = arith.constant 80 : i32
    %dma_wait3A = arith.constant 0 : i32
    %dma_wait3A_9 = arith.constant 1 : i32
    %dma_wait3A_10 = arith.constant 0 : i32
    %dma_wait3A_11 = arith.constant 0 : i32
    %dma_wait3A_12 = arith.constant 0 : i32
    %dma_wait3A_13 = tpu.memref_slice %arg10[%dma_wait3A, %dma_wait3A_11, %dma_wait3A_12] : memref<2x128x128xf32, #tpu.memory_space<vmem>> -> memref<1x128x128xf32, #tpu.memory_space<vmem>>
    %dma_wait3A_14 = tpu.memref_squeeze %dma_wait3A_13 : memref<1x128x128xf32, #tpu.memory_space<vmem>> -> memref<128x128xf32, #tpu.memory_space<vmem>>
    %dma_wait3A_15 = arith.constant 0 : i32
    %dma_wait3A_16 = tpu.memref_slice %arg9[%dma_wait3A_9, %dma_wait3A_10, %dma_wait3A_15] : memref<2x2x128xi32, #tpu.memory_space<vmem>> -> memref<1x1x128xi32, #tpu.memory_space<vmem>>
    %dma_wait3A_17 = tpu.memref_squeeze %dma_wait3A_16 : memref<1x1x128xi32, #tpu.memory_space<vmem>> -> memref<128xi32, #tpu.memory_space<vmem>>
    %dma_wait3A_18 = arith.constant 0 : i32
    %dma_wait3A_19 = arith.constant 0 : i32
    %dma_wait3A_20 = tpu.memref_slice %arg11[%dma_wait3A_18, %dma_wait3A_19] : memref<10240x128xf32, #tpu.memory_space<vmem_shared>> -> memref<10240x128xf32, #tpu.memory_space<vmem_shared>>
    tpu.wait_indirect_dma semaphore(%arg14 : memref<!tpu.dma_semaphore, #tpu.memory_space<semaphore_mem>>) src(%dma_wait3A_14 : memref<128x128xf32, #tpu.memory_space<vmem>>) dst(%dma_wait3A_20 : memref<10240x128xf32, #tpu.memory_space<vmem_shared>>)
    %dma_wait3A_21 = arith.constant 1 : i32
    %dma_wait3A_22 = arith.constant 1 : i32
    %dma_wait3A_23 = arith.constant 1 : i32
    %dma_wait3A_24 = arith.constant 0 : i32
    %dma_wait3A_25 = arith.constant 0 : i32
    %dma_wait3A_26 = tpu.memref_slice %arg10[%dma_wait3A_21, %dma_wait3A_24, %dma_wait3A_25] : memref<2x128x128xf32, #tpu.memory_space<vmem>> -> memref<1x128x128xf32, #tpu.memory_space<vmem>>
    %dma_wait3A_27 = tpu.memref_squeeze %dma_wait3A_26 : memref<1x128x128xf32, #tpu.memory_space<vmem>> -> memref<128x128xf32, #tpu.memory_space<vmem>>
    %dma_wait3A_28 = arith.constant 0 : i32
    %dma_wait3A_29 = tpu.memref_slice %arg9[%dma_wait3A_22, %dma_wait3A_23, %dma_wait3A_28] : memref<2x2x128xi32, #tpu.memory_space<vmem>> -> memref<1x1x128xi32, #tpu.memory_space<vmem>>
    %dma_wait3A_30 = tpu.memref_squeeze %dma_wait3A_29 : memref<1x1x128xi32, #tpu.memory_space<vmem>> -> memref<128xi32, #tpu.memory_space<vmem>>
    %dma_wait3A_31 = arith.constant 0 : i32
    %dma_wait3A_32 = arith.constant 0 : i32
    %dma_wait3A_33 = tpu.memref_slice %arg11[%dma_wait3A_31, %dma_wait3A_32] : memref<10240x128xf32, #tpu.memory_space<vmem_shared>> -> memref<10240x128xf32, #tpu.memory_space<vmem_shared>>
    tpu.wait_indirect_dma semaphore(%arg14 : memref<!tpu.dma_semaphore, #tpu.memory_space<semaphore_mem>>) src(%dma_wait3A_27 : memref<128x128xf32, #tpu.memory_space<vmem>>) dst(%dma_wait3A_33 : memref<10240x128xf32, #tpu.memory_space<vmem_shared>>)
    %barrier3A_34 = arith.constant 0 : index
    tpu.barrier barrier_id(%barrier3A_34)
    %mul3A_35 = arith.constant 10240 : i32
    %mul3A_36 = arith.muli %arg0, %mul3A_35 : i32
    %add3A = arith.addi %mul3A_36, %mul3A_0 : i32
    "tpu.region"() ({
      %run_scoped3A_37 = tpu.sem_alloc : memref<!tpu.dma_semaphore, #tpu.memory_space<semaphore_mem>>
      %dma_start3A = arith.constant 0 : i32
      %dma_start3A_38 = tpu.memref_slice %arg7[%add3A, %dma_start3A] : memref<20480x128xf32, #tpu.memory_space<hbm>> -> memref<640x128xf32, #tpu.memory_space<hbm>>
      %dma_start3A_39 = arith.constant 0 : i32
      %dma_start3A_40 = tpu.memref_slice %arg11[%mul3A_0, %dma_start3A_39] : memref<10240x128xf32, #tpu.memory_space<vmem_shared>> -> memref<640x128xf32, #tpu.memory_space<vmem_shared>>
      tpu.enqueue_dma source(%dma_start3A_40 : memref<640x128xf32, #tpu.memory_space<vmem_shared>>) target(%dma_start3A_38 : memref<640x128xf32, #tpu.memory_space<hbm>>) target_semaphore(%run_scoped3A_37 : memref<!tpu.dma_semaphore, #tpu.memory_space<semaphore_mem>>)
      %dma_wait3A_41 = arith.constant 0 : i32
      %dma_wait3A_42 = tpu.memref_slice %arg7[%add3A, %dma_wait3A_41] : memref<20480x128xf32, #tpu.memory_space<hbm>> -> memref<640x128xf32, #tpu.memory_space<hbm>>
      %dma_wait3A_43 = arith.constant 0 : i32
      %dma_wait3A_44 = tpu.memref_slice %arg11[%mul3A_0, %dma_wait3A_43] : memref<10240x128xf32, #tpu.memory_space<vmem_shared>> -> memref<640x128xf32, #tpu.memory_space<vmem_shared>>
      tpu.wait_dma2 semaphore(%run_scoped3A_37 : memref<!tpu.dma_semaphore, #tpu.memory_space<semaphore_mem>>) src(%dma_wait3A_44 : memref<640x128xf32, #tpu.memory_space<vmem_shared>>) dst(%dma_wait3A_42 : memref<640x128xf32, #tpu.memory_space<hbm>>)
      tpu.yield
    }) : () -> ()
    return
  }
}

module attributes {stable_mosaic.version = 14 : i64} {
  func.func @body(%arg0: i32, %arg1: memref<2000x128xf32, #tpu.memory_space<vmem>>, %arg2: memref<2000x128xf32, #tpu.memory_space<vmem>>, %arg3: memref<2000x128xf32, #tpu.memory_space<vmem>>, %arg4: memref<2000x128xf32, #tpu.memory_space<vmem>>, %arg5: memref<2000x128xf32, #tpu.memory_space<vmem>>, %arg6: memref<128x256xf32, #tpu.memory_space<vmem>>, %arg7: memref<128x256xf32, #tpu.memory_space<vmem>>, %arg8: memref<128x256xf32, #tpu.memory_space<vmem>>, %arg9: memref<1x256xf32, #tpu.memory_space<vmem>>, %arg10: memref<2x2000x128xf32, #tpu.memory_space<vmem>>) attributes {dimension_semantics = [#tpu.dimension_semantics<arbitrary>], iteration_bounds = array<i64: 5>, scalar_prefetch = 0 : i64, scratch_operands = 0 : i64, tpu.core_type = #tpu.core_type<tc>, window_params = [{transform_indices = @transform_0, window_bounds = array<i64: 2000, 128>}, {transform_indices = @transform_1, window_bounds = array<i64: 2000, 128>}, {transform_indices = @transform_2, window_bounds = array<i64: 2000, 128>}, {transform_indices = @transform_3, window_bounds = array<i64: 2000, 128>}, {transform_indices = @transform_4, window_bounds = array<i64: 2000, 128>}, {pipeline_mode = #tpu.pipeline_mode<synchronous>, transform_indices = @transform_5, window_bounds = array<i64: 128, 256>}, {pipeline_mode = #tpu.pipeline_mode<synchronous>, transform_indices = @transform_6, window_bounds = array<i64: 128, 256>}, {pipeline_mode = #tpu.pipeline_mode<synchronous>, transform_indices = @transform_7, window_bounds = array<i64: 128, 256>}, {pipeline_mode = #tpu.pipeline_mode<synchronous>, transform_indices = @transform_8, window_bounds = array<i64: 1, 256>}, {transform_indices = @transform_9, window_bounds = array<i64: 2, 2000, 128>}]} {
    %get3A = arith.constant 0 : index
    %get3A_0 = arith.constant 0 : index
    %get3A_1 = vector.load %arg3[%get3A, %get3A_0] : memref<2000x128xf32, #tpu.memory_space<vmem>>, vector<2000x1xf32>
    %get3A_2 = arith.constant 0 : index
    %get3A_3 = arith.constant 0 : index
    %get3A_4 = vector.load %arg4[%get3A_2, %get3A_3] : memref<2000x128xf32, #tpu.memory_space<vmem>>, vector<2000x1xf32>
    %add3A = arith.addf %get3A_1, %get3A_4 : vector<2000x1xf32>
    %max3A = arith.constant 1.000000e+00 : f32
    %max3A_5 = vector.broadcast %max3A : f32 to vector<2000x1xf32>
    %max3A_6 = arith.maximumf %add3A, %max3A_5 : vector<2000x1xf32>
    %div3A = arith.constant 1.000000e+00 : f32
    %div3A_7 = vector.broadcast %div3A : f32 to vector<2000x1xf32>
    %div3A_8 = arith.divf %div3A_7, %max3A_6 : vector<2000x1xf32>
    %get3A_9 = arith.constant 0 : index
    %get3A_10 = arith.constant 0 : index
    %get3A_11 = vector.load %arg1[%get3A_9, %get3A_10] : memref<2000x128xf32, #tpu.memory_space<vmem>>, vector<2000x128xf32>
    %mul3A = vector.broadcast %div3A_8 : vector<2000x1xf32> to vector<2000x128xf32>
    %mul3A_12 = arith.mulf %get3A_11, %mul3A : vector<2000x128xf32>
    %get3A_13 = arith.constant 0 : index
    %get3A_14 = arith.constant 0 : index
    %get3A_15 = vector.load %arg6[%get3A_13, %get3A_14] : memref<128x256xf32, #tpu.memory_space<vmem>>, vector<128x256xf32>
    %dot_general3A = arith.constant dense<0.000000e+00> : vector<2000x256xf32>
    %dot_general3A_16 = tpu.matmul %mul3A_12, %get3A_15, %dot_general3A {dimension_numbers = #tpu.dot_dimension_numbers<[1], [0], [0], [1], [0, 0, 1, 1], [], []>, transpose_lhs_hint = false} : vector<2000x128xf32>, vector<128x256xf32>, vector<2000x256xf32> -> vector<2000x256xf32>
    %get3A_17 = arith.constant 0 : index
    %get3A_18 = arith.constant 0 : index
    %get3A_19 = vector.load %arg2[%get3A_17, %get3A_18] : memref<2000x128xf32, #tpu.memory_space<vmem>>, vector<2000x128xf32>
    %mul3A_20 = vector.broadcast %div3A_8 : vector<2000x1xf32> to vector<2000x128xf32>
    %mul3A_21 = arith.mulf %get3A_19, %mul3A_20 : vector<2000x128xf32>
    %get3A_22 = arith.constant 0 : index
    %get3A_23 = arith.constant 0 : index
    %get3A_24 = vector.load %arg7[%get3A_22, %get3A_23] : memref<128x256xf32, #tpu.memory_space<vmem>>, vector<128x256xf32>
    %dot_general3A_25 = arith.constant dense<0.000000e+00> : vector<2000x256xf32>
    %dot_general3A_26 = tpu.matmul %mul3A_21, %get3A_24, %dot_general3A_25 {dimension_numbers = #tpu.dot_dimension_numbers<[1], [0], [0], [1], [0, 0, 1, 1], [], []>, transpose_lhs_hint = false} : vector<2000x128xf32>, vector<128x256xf32>, vector<2000x256xf32> -> vector<2000x256xf32>
    %add3A_27 = arith.addf %dot_general3A_16, %dot_general3A_26 : vector<2000x256xf32>
    %get3A_28 = arith.constant 0 : index
    %get3A_29 = arith.constant 0 : index
    %get3A_30 = vector.load %arg5[%get3A_28, %get3A_29] : memref<2000x128xf32, #tpu.memory_space<vmem>>, vector<2000x128xf32>
    %get3A_31 = arith.constant 0 : index
    %get3A_32 = arith.constant 0 : index
    %get3A_33 = vector.load %arg8[%get3A_31, %get3A_32] : memref<128x256xf32, #tpu.memory_space<vmem>>, vector<128x256xf32>
    %dot_general3A_34 = arith.constant dense<0.000000e+00> : vector<2000x256xf32>
    %dot_general3A_35 = tpu.matmul %get3A_30, %get3A_33, %dot_general3A_34 {dimension_numbers = #tpu.dot_dimension_numbers<[1], [0], [0], [1], [0, 0, 1, 1], [], []>, transpose_lhs_hint = false} : vector<2000x128xf32>, vector<128x256xf32>, vector<2000x256xf32> -> vector<2000x256xf32>
    %add3A_36 = arith.addf %add3A_27, %dot_general3A_35 : vector<2000x256xf32>
    %get3A_37 = arith.constant 0 : index
    %get3A_38 = arith.constant 0 : index
    %get3A_39 = vector.load %arg9[%get3A_37, %get3A_38] : memref<1x256xf32, #tpu.memory_space<vmem>>, vector<1x256xf32>
    %add3A_40 = vector.broadcast %get3A_39 : vector<1x256xf32> to vector<2000x256xf32>
    %add3A_41 = arith.addf %add3A_36, %add3A_40 : vector<2000x256xf32>
    %max3A_42 = arith.constant 0.000000e+00 : f32
    %max3A_43 = vector.broadcast %max3A_42 : f32 to vector<2000x256xf32>
    %max3A_44 = arith.maximumf %add3A_41, %max3A_43 : vector<2000x256xf32>
    %slice3A = vector.extract_strided_slice %max3A_44 {offsets = [0, 0], sizes = [2000, 128], strides = [1, 1]} : vector<2000x256xf32> to vector<2000x128xf32>
    %swap3A = arith.constant 0 : index
    %swap3A_45 = arith.constant 0 : index
    %swap3A_46 = arith.constant 0 : index
    %swap3A_47 = vector.load %arg10[%swap3A, %swap3A_45, %swap3A_46] : memref<2x2000x128xf32, #tpu.memory_space<vmem>>, vector<1x2000x128xf32>
    %swap3A_48 = vector.shape_cast %swap3A_47 : vector<1x2000x128xf32> to vector<2000x128xf32>
    %swap3A_49 = vector.shape_cast %slice3A : vector<2000x128xf32> to vector<1x2000x128xf32>
    tpu.vector_store %arg10[%swap3A, %swap3A_45, %swap3A_46], %swap3A_49 {strides = array<i32>} : memref<2x2000x128xf32, #tpu.memory_space<vmem>>, vector<1x2000x128xf32>,
    %slice3A_50 = vector.extract_strided_slice %max3A_44 {offsets = [0, 128], sizes = [2000, 128], strides = [1, 1]} : vector<2000x256xf32> to vector<2000x128xf32>
    %swap3A_51 = arith.constant 1 : index
    %swap3A_52 = arith.constant 0 : index
    %swap3A_53 = arith.constant 0 : index
    %swap3A_54 = vector.load %arg10[%swap3A_51, %swap3A_52, %swap3A_53] : memref<2x2000x128xf32, #tpu.memory_space<vmem>>, vector<1x2000x128xf32>
    %swap3A_55 = vector.shape_cast %swap3A_54 : vector<1x2000x128xf32> to vector<2000x128xf32>
    %swap3A_56 = vector.shape_cast %slice3A_50 : vector<2000x128xf32> to vector<1x2000x128xf32>
    tpu.vector_store %arg10[%swap3A_51, %swap3A_52, %swap3A_53], %swap3A_56 {strides = array<i32>} : memref<2x2000x128xf32, #tpu.memory_space<vmem>>, vector<1x2000x128xf32>,
    return
  }
  func.func @transform_0(%arg0: i32) -> (i32, i32) {
    %c0_i32 = arith.constant 0 : i32
    %c0_i32_0 = arith.constant 0 : i32
    return %arg0, %c0_i32 : i32, i32
  }
  func.func @transform_1(%arg0: i32) -> (i32, i32) {
    %c0_i32 = arith.constant 0 : i32
    %c0_i32_0 = arith.constant 0 : i32
    return %arg0, %c0_i32 : i32, i32
  }
  func.func @transform_2(%arg0: i32) -> (i32, i32) {
    %c0_i32 = arith.constant 0 : i32
    %c0_i32_0 = arith.constant 0 : i32
    return %arg0, %c0_i32 : i32, i32
  }
  func.func @transform_3(%arg0: i32) -> (i32, i32) {
    %c0_i32 = arith.constant 0 : i32
    %c0_i32_0 = arith.constant 0 : i32
    return %arg0, %c0_i32 : i32, i32
  }
  func.func @transform_4(%arg0: i32) -> (i32, i32) {
    %c0_i32 = arith.constant 0 : i32
    %c0_i32_0 = arith.constant 0 : i32
    return %arg0, %c0_i32 : i32, i32
  }
  func.func @transform_5(%arg0: i32) -> (i32, i32) {
    %c0_i32 = arith.constant 0 : i32
    %c0_i32_0 = arith.constant 0 : i32
    %c0_i32_1 = arith.constant 0 : i32
    return %c0_i32, %c0_i32_0 : i32, i32
  }
  func.func @transform_6(%arg0: i32) -> (i32, i32) {
    %c0_i32 = arith.constant 0 : i32
    %c0_i32_0 = arith.constant 0 : i32
    %c0_i32_1 = arith.constant 0 : i32
    return %c0_i32, %c0_i32_0 : i32, i32
  }
  func.func @transform_7(%arg0: i32) -> (i32, i32) {
    %c0_i32 = arith.constant 0 : i32
    %c0_i32_0 = arith.constant 0 : i32
    %c0_i32_1 = arith.constant 0 : i32
    return %c0_i32, %c0_i32_0 : i32, i32
  }
  func.func @transform_8(%arg0: i32) -> (i32, i32) {
    %c0_i32 = arith.constant 0 : i32
    %c0_i32_0 = arith.constant 0 : i32
    %c0_i32_1 = arith.constant 0 : i32
    return %c0_i32, %c0_i32_0 : i32, i32
  }
  func.func @transform_9(%arg0: i32) -> (i32, i32, i32) {
    %c0_i32 = arith.constant 0 : i32
    %c0_i32_0 = arith.constant 0 : i32
    %c0_i32_1 = arith.constant 0 : i32
    return %c0_i32, %arg0, %c0_i32_0 : i32, i32, i32
  }
}

module attributes {stable_mosaic.version = 14 : i64} {
  func.func @body(%arg0: i32, %arg1: memref<2000x128xf32, #tpu.memory_space<vmem>>, %arg2: memref<2000x128xf32, #tpu.memory_space<vmem>>, %arg3: memref<2000x128xf32, #tpu.memory_space<vmem>>, %arg4: memref<2000x128xf32, #tpu.memory_space<vmem>>, %arg5: memref<2000x128xf32, #tpu.memory_space<vmem>>, %arg6: memref<2000x128xf32, #tpu.memory_space<vmem>>, %arg7: memref<128x256xf32, #tpu.memory_space<vmem>>, %arg8: memref<128x256xf32, #tpu.memory_space<vmem>>, %arg9: memref<128x256xf32, #tpu.memory_space<vmem>>, %arg10: memref<128x256xf32, #tpu.memory_space<vmem>>, %arg11: memref<1x256xf32, #tpu.memory_space<vmem>>, %arg12: memref<2x2000x128xf32, #tpu.memory_space<vmem>>) attributes {dimension_semantics = [#tpu.dimension_semantics<arbitrary>], iteration_bounds = array<i64: 5>, scalar_prefetch = 0 : i64, scratch_operands = 0 : i64, tpu.core_type = #tpu.core_type<tc>, window_params = [{transform_indices = @transform_0, window_bounds = array<i64: 2000, 128>}, {transform_indices = @transform_1, window_bounds = array<i64: 2000, 128>}, {transform_indices = @transform_2, window_bounds = array<i64: 2000, 128>}, {transform_indices = @transform_3, window_bounds = array<i64: 2000, 128>}, {transform_indices = @transform_4, window_bounds = array<i64: 2000, 128>}, {transform_indices = @transform_5, window_bounds = array<i64: 2000, 128>}, {pipeline_mode = #tpu.pipeline_mode<synchronous>, transform_indices = @transform_6, window_bounds = array<i64: 128, 256>}, {pipeline_mode = #tpu.pipeline_mode<synchronous>, transform_indices = @transform_7, window_bounds = array<i64: 128, 256>}, {pipeline_mode = #tpu.pipeline_mode<synchronous>, transform_indices = @transform_8, window_bounds = array<i64: 128, 256>}, {pipeline_mode = #tpu.pipeline_mode<synchronous>, transform_indices = @transform_9, window_bounds = array<i64: 128, 256>}, {pipeline_mode = #tpu.pipeline_mode<synchronous>, transform_indices = @transform_10, window_bounds = array<i64: 1, 256>}, {transform_indices = @transform_11, window_bounds = array<i64: 2, 2000, 128>}]} {
    %get3A = arith.constant 0 : index
    %get3A_0 = arith.constant 0 : index
    %get3A_1 = vector.load %arg3[%get3A, %get3A_0] : memref<2000x128xf32, #tpu.memory_space<vmem>>, vector<2000x1xf32>
    %get3A_2 = arith.constant 0 : index
    %get3A_3 = arith.constant 0 : index
    %get3A_4 = vector.load %arg4[%get3A_2, %get3A_3] : memref<2000x128xf32, #tpu.memory_space<vmem>>, vector<2000x1xf32>
    %add3A = arith.addf %get3A_1, %get3A_4 : vector<2000x1xf32>
    %max3A = arith.constant 1.000000e+00 : f32
    %max3A_5 = vector.broadcast %max3A : f32 to vector<2000x1xf32>
    %max3A_6 = arith.maximumf %add3A, %max3A_5 : vector<2000x1xf32>
    %div3A = arith.constant 1.000000e+00 : f32
    %div3A_7 = vector.broadcast %div3A : f32 to vector<2000x1xf32>
    %div3A_8 = arith.divf %div3A_7, %max3A_6 : vector<2000x1xf32>
    %get3A_9 = arith.constant 0 : index
    %get3A_10 = arith.constant 0 : index
    %get3A_11 = vector.load %arg1[%get3A_9, %get3A_10] : memref<2000x128xf32, #tpu.memory_space<vmem>>, vector<2000x128xf32>
    %mul3A = vector.broadcast %div3A_8 : vector<2000x1xf32> to vector<2000x128xf32>
    %mul3A_12 = arith.mulf %get3A_11, %mul3A : vector<2000x128xf32>
    %get3A_13 = arith.constant 0 : index
    %get3A_14 = arith.constant 0 : index
    %get3A_15 = vector.load %arg7[%get3A_13, %get3A_14] : memref<128x256xf32, #tpu.memory_space<vmem>>, vector<128x256xf32>
    %dot_general3A = arith.constant dense<0.000000e+00> : vector<2000x256xf32>
    %dot_general3A_16 = tpu.matmul %mul3A_12, %get3A_15, %dot_general3A {dimension_numbers = #tpu.dot_dimension_numbers<[1], [0], [0], [1], [0, 0, 1, 1], [], []>, transpose_lhs_hint = false} : vector<2000x128xf32>, vector<128x256xf32>, vector<2000x256xf32> -> vector<2000x256xf32>
    %get3A_17 = arith.constant 0 : index
    %get3A_18 = arith.constant 0 : index
    %get3A_19 = vector.load %arg2[%get3A_17, %get3A_18] : memref<2000x128xf32, #tpu.memory_space<vmem>>, vector<2000x128xf32>
    %mul3A_20 = vector.broadcast %div3A_8 : vector<2000x1xf32> to vector<2000x128xf32>
    %mul3A_21 = arith.mulf %get3A_19, %mul3A_20 : vector<2000x128xf32>
    %get3A_22 = arith.constant 0 : index
    %get3A_23 = arith.constant 0 : index
    %get3A_24 = vector.load %arg8[%get3A_22, %get3A_23] : memref<128x256xf32, #tpu.memory_space<vmem>>, vector<128x256xf32>
    %dot_general3A_25 = arith.constant dense<0.000000e+00> : vector<2000x256xf32>
    %dot_general3A_26 = tpu.matmul %mul3A_21, %get3A_24, %dot_general3A_25 {dimension_numbers = #tpu.dot_dimension_numbers<[1], [0], [0], [1], [0, 0, 1, 1], [], []>, transpose_lhs_hint = false} : vector<2000x128xf32>, vector<128x256xf32>, vector<2000x256xf32> -> vector<2000x256xf32>
    %add3A_27 = arith.addf %dot_general3A_16, %dot_general3A_26 : vector<2000x256xf32>
    %get3A_28 = arith.constant 0 : index
    %get3A_29 = arith.constant 0 : index
    %get3A_30 = vector.load %arg5[%get3A_28, %get3A_29] : memref<2000x128xf32, #tpu.memory_space<vmem>>, vector<2000x128xf32>
    %get3A_31 = arith.constant 0 : index
    %get3A_32 = arith.constant 0 : index
    %get3A_33 = vector.load %arg9[%get3A_31, %get3A_32] : memref<128x256xf32, #tpu.memory_space<vmem>>, vector<128x256xf32>
    %dot_general3A_34 = arith.constant dense<0.000000e+00> : vector<2000x256xf32>
    %dot_general3A_35 = tpu.matmul %get3A_30, %get3A_33, %dot_general3A_34 {dimension_numbers = #tpu.dot_dimension_numbers<[1], [0], [0], [1], [0, 0, 1, 1], [], []>, transpose_lhs_hint = false} : vector<2000x128xf32>, vector<128x256xf32>, vector<2000x256xf32> -> vector<2000x256xf32>
    %add3A_36 = arith.addf %add3A_27, %dot_general3A_35 : vector<2000x256xf32>
    %get3A_37 = arith.constant 0 : index
    %get3A_38 = arith.constant 0 : index
    %get3A_39 = vector.load %arg6[%get3A_37, %get3A_38] : memref<2000x128xf32, #tpu.memory_space<vmem>>, vector<2000x128xf32>
    %get3A_40 = arith.constant 0 : index
    %get3A_41 = arith.constant 0 : index
    %get3A_42 = vector.load %arg10[%get3A_40, %get3A_41] : memref<128x256xf32, #tpu.memory_space<vmem>>, vector<128x256xf32>
    %dot_general3A_43 = arith.constant dense<0.000000e+00> : vector<2000x256xf32>
    %dot_general3A_44 = tpu.matmul %get3A_39, %get3A_42, %dot_general3A_43 {dimension_numbers = #tpu.dot_dimension_numbers<[1], [0], [0], [1], [0, 0, 1, 1], [], []>, transpose_lhs_hint = false} : vector<2000x128xf32>, vector<128x256xf32>, vector<2000x256xf32> -> vector<2000x256xf32>
    %add3A_45 = arith.addf %add3A_36, %dot_general3A_44 : vector<2000x256xf32>
    %get3A_46 = arith.constant 0 : index
    %get3A_47 = arith.constant 0 : index
    %get3A_48 = vector.load %arg11[%get3A_46, %get3A_47] : memref<1x256xf32, #tpu.memory_space<vmem>>, vector<1x256xf32>
    %add3A_49 = vector.broadcast %get3A_48 : vector<1x256xf32> to vector<2000x256xf32>
    %add3A_50 = arith.addf %add3A_45, %add3A_49 : vector<2000x256xf32>
    %max3A_51 = arith.constant 0.000000e+00 : f32
    %max3A_52 = vector.broadcast %max3A_51 : f32 to vector<2000x256xf32>
    %max3A_53 = arith.maximumf %add3A_50, %max3A_52 : vector<2000x256xf32>
    %slice3A = vector.extract_strided_slice %max3A_53 {offsets = [0, 0], sizes = [2000, 128], strides = [1, 1]} : vector<2000x256xf32> to vector<2000x128xf32>
    %swap3A = arith.constant 0 : index
    %swap3A_54 = arith.constant 0 : index
    %swap3A_55 = arith.constant 0 : index
    %swap3A_56 = vector.load %arg12[%swap3A, %swap3A_54, %swap3A_55] : memref<2x2000x128xf32, #tpu.memory_space<vmem>>, vector<1x2000x128xf32>
    %swap3A_57 = vector.shape_cast %swap3A_56 : vector<1x2000x128xf32> to vector<2000x128xf32>
    %swap3A_58 = vector.shape_cast %slice3A : vector<2000x128xf32> to vector<1x2000x128xf32>
    tpu.vector_store %arg12[%swap3A, %swap3A_54, %swap3A_55], %swap3A_58 {strides = array<i32>} : memref<2x2000x128xf32, #tpu.memory_space<vmem>>, vector<1x2000x128xf32>,
    %slice3A_59 = vector.extract_strided_slice %max3A_53 {offsets = [0, 128], sizes = [2000, 128], strides = [1, 1]} : vector<2000x256xf32> to vector<2000x128xf32>
    %swap3A_60 = arith.constant 1 : index
    %swap3A_61 = arith.constant 0 : index
    %swap3A_62 = arith.constant 0 : index
    %swap3A_63 = vector.load %arg12[%swap3A_60, %swap3A_61, %swap3A_62] : memref<2x2000x128xf32, #tpu.memory_space<vmem>>, vector<1x2000x128xf32>
    %swap3A_64 = vector.shape_cast %swap3A_63 : vector<1x2000x128xf32> to vector<2000x128xf32>
    %swap3A_65 = vector.shape_cast %slice3A_59 : vector<2000x128xf32> to vector<1x2000x128xf32>
    tpu.vector_store %arg12[%swap3A_60, %swap3A_61, %swap3A_62], %swap3A_65 {strides = array<i32>} : memref<2x2000x128xf32, #tpu.memory_space<vmem>>, vector<1x2000x128xf32>,
    return
  }
  func.func @transform_0(%arg0: i32) -> (i32, i32) {
    %c0_i32 = arith.constant 0 : i32
    %c0_i32_0 = arith.constant 0 : i32
    return %arg0, %c0_i32 : i32, i32
  }
  func.func @transform_1(%arg0: i32) -> (i32, i32) {
    %c0_i32 = arith.constant 0 : i32
    %c0_i32_0 = arith.constant 0 : i32
    return %arg0, %c0_i32 : i32, i32
  }
  func.func @transform_2(%arg0: i32) -> (i32, i32) {
    %c0_i32 = arith.constant 0 : i32
    %c0_i32_0 = arith.constant 0 : i32
    return %arg0, %c0_i32 : i32, i32
  }
  func.func @transform_3(%arg0: i32) -> (i32, i32) {
    %c0_i32 = arith.constant 0 : i32
    %c0_i32_0 = arith.constant 0 : i32
    return %arg0, %c0_i32 : i32, i32
  }
  func.func @transform_4(%arg0: i32) -> (i32, i32) {
    %c0_i32 = arith.constant 0 : i32
    %c0_i32_0 = arith.constant 0 : i32
    return %arg0, %c0_i32 : i32, i32
  }
  func.func @transform_5(%arg0: i32) -> (i32, i32) {
    %c0_i32 = arith.constant 0 : i32
    %c0_i32_0 = arith.constant 0 : i32
    return %arg0, %c0_i32 : i32, i32
  }
  func.func @transform_6(%arg0: i32) -> (i32, i32) {
    %c0_i32 = arith.constant 0 : i32
    %c0_i32_0 = arith.constant 0 : i32
    %c0_i32_1 = arith.constant 0 : i32
    return %c0_i32, %c0_i32_0 : i32, i32
  }
  func.func @transform_7(%arg0: i32) -> (i32, i32) {
    %c0_i32 = arith.constant 0 : i32
    %c0_i32_0 = arith.constant 0 : i32
    %c0_i32_1 = arith.constant 0 : i32
    return %c0_i32, %c0_i32_0 : i32, i32
  }
  func.func @transform_8(%arg0: i32) -> (i32, i32) {
    %c0_i32 = arith.constant 0 : i32
    %c0_i32_0 = arith.constant 0 : i32
    %c0_i32_1 = arith.constant 0 : i32
    return %c0_i32, %c0_i32_0 : i32, i32
  }
  func.func @transform_9(%arg0: i32) -> (i32, i32) {
    %c0_i32 = arith.constant 0 : i32
    %c0_i32_0 = arith.constant 0 : i32
    %c0_i32_1 = arith.constant 0 : i32
    return %c0_i32, %c0_i32_0 : i32, i32
  }
  func.func @transform_10(%arg0: i32) -> (i32, i32) {
    %c0_i32 = arith.constant 0 : i32
    %c0_i32_0 = arith.constant 0 : i32
    %c0_i32_1 = arith.constant 0 : i32
    return %c0_i32, %c0_i32_0 : i32, i32
  }
  func.func @transform_11(%arg0: i32) -> (i32, i32, i32) {
    %c0_i32 = arith.constant 0 : i32
    %c0_i32_0 = arith.constant 0 : i32
    %c0_i32_1 = arith.constant 0 : i32
    return %c0_i32, %arg0, %c0_i32_0 : i32, i32, i32
  }
}

module attributes {stable_mosaic.version = 14 : i64} {
  func.func @body(%arg0: i32, %arg1: memref<2000x128xf32, #tpu.memory_space<vmem>>, %arg2: memref<2000x128xf32, #tpu.memory_space<vmem>>, %arg3: memref<1x1x2000xi32, #tpu.memory_space<vmem>>, %arg4: memref<128x128xf32, #tpu.memory_space<vmem>>, %arg5: memref<128x128xf32, #tpu.memory_space<vmem>>, %arg6: memref<16x128xf32, #tpu.memory_space<vmem>>, %arg7: memref<16x128xf32, #tpu.memory_space<vmem>>) attributes {dimension_semantics = [#tpu.dimension_semantics<arbitrary>], iteration_bounds = array<i64: 5>, scalar_prefetch = 0 : i64, scratch_operands = 0 : i64, tpu.core_type = #tpu.core_type<tc>, window_params = [{transform_indices = @transform_0, window_bounds = array<i64: 2000, 128>}, {transform_indices = @transform_1, window_bounds = array<i64: 2000, 128>}, {transform_indices = @transform_2, window_bounds = array<i64: 1, 1, 2000>}, {pipeline_mode = #tpu.pipeline_mode<synchronous>, transform_indices = @transform_3, window_bounds = array<i64: 128, 128>}, {pipeline_mode = #tpu.pipeline_mode<synchronous>, transform_indices = @transform_4, window_bounds = array<i64: 128, 128>}, {pipeline_mode = #tpu.pipeline_mode<synchronous>, transform_indices = @transform_5, window_bounds = array<i64: 16, 128>}, {pipeline_mode = #tpu.pipeline_mode<synchronous>, transform_indices = @transform_6, window_bounds = array<i64: 16, 128>}]} {
    %eq3A = arith.constant 0 : i32
    %eq3A_0 = arith.cmpi eq, %arg0, %eq3A : i32
    %convert_element_type3A = arith.extui %eq3A_0 : i1 to i32
    %cond3A = arith.constant 0 : i32
    %cond3A_1 = arith.cmpi ne, %convert_element_type3A, %cond3A : i32
    scf.if %cond3A_1 {
      %get3A_33 = arith.constant 0 : index
      %get3A_34 = arith.constant 0 : index
      %get3A_35 = vector.load %arg6[%get3A_33, %get3A_34] : memref<16x128xf32, #tpu.memory_space<vmem>>, vector<16x128xf32>
      %swap3A_36 = arith.constant 0 : index
      %swap3A_37 = arith.constant 0 : index
      %swap3A_38 = vector.load %arg7[%swap3A_36, %swap3A_37] : memref<16x128xf32, #tpu.memory_space<vmem>>, vector<16x128xf32>
      tpu.vector_store %arg7[%swap3A_36, %swap3A_37], %get3A_35 {strides = array<i32>} : memref<16x128xf32, #tpu.memory_space<vmem>>, vector<16x128xf32>,
    } else {
    }
    %get3A = arith.constant 0 : index
    %get3A_2 = arith.constant 0 : index
    %get3A_3 = vector.load %arg1[%get3A, %get3A_2] : memref<2000x128xf32, #tpu.memory_space<vmem>>, vector<2000x128xf32>
    %get3A_4 = arith.constant 0 : index
    %get3A_5 = arith.constant 0 : index
    %get3A_6 = vector.load %arg4[%get3A_4, %get3A_5] : memref<128x128xf32, #tpu.memory_space<vmem>>, vector<128x128xf32>
    %dot_general3A = arith.constant dense<0.000000e+00> : vector<2000x128xf32>
    %dot_general3A_7 = tpu.matmul %get3A_3, %get3A_6, %dot_general3A {dimension_numbers = #tpu.dot_dimension_numbers<[1], [0], [0], [1], [0, 0, 1, 1], [], []>, transpose_lhs_hint = false} : vector<2000x128xf32>, vector<128x128xf32>, vector<2000x128xf32> -> vector<2000x128xf32>
    %get3A_8 = arith.constant 0 : index
    %get3A_9 = arith.constant 0 : index
    %get3A_10 = vector.load %arg2[%get3A_8, %get3A_9] : memref<2000x128xf32, #tpu.memory_space<vmem>>, vector<2000x128xf32>
    %get3A_11 = arith.constant 0 : index
    %get3A_12 = arith.constant 0 : index
    %get3A_13 = vector.load %arg5[%get3A_11, %get3A_12] : memref<128x128xf32, #tpu.memory_space<vmem>>, vector<128x128xf32>
    %dot_general3A_14 = arith.constant dense<0.000000e+00> : vector<2000x128xf32>
    %dot_general3A_15 = tpu.matmul %get3A_10, %get3A_13, %dot_general3A_14 {dimension_numbers = #tpu.dot_dimension_numbers<[1], [0], [0], [1], [0, 0, 1, 1], [], []>, transpose_lhs_hint = false} : vector<2000x128xf32>, vector<128x128xf32>, vector<2000x128xf32> -> vector<2000x128xf32>
    %add3A = arith.addf %dot_general3A_7, %dot_general3A_15 : vector<2000x128xf32>
    %get3A_16 = arith.constant 0 : index
    %get3A_17 = arith.constant 0 : index
    %get3A_18 = arith.constant 0 : index
    %get3A_19 = vector.load %arg3[%get3A_16, %get3A_17, %get3A_18] : memref<1x1x2000xi32, #tpu.memory_space<vmem>>, vector<1x1x2000xi32>
    %get3A_20 = vector.shape_cast %get3A_19 : vector<1x1x2000xi32> to vector<1x2000xi32>
    %iota3A = tpu.iota {dimensions = array<i32: 0>} : vector<16x2000xi32>
    %eq3A_21 = vector.broadcast %get3A_20 : vector<1x2000xi32> to vector<16x2000xi32>
    %eq3A_22 = arith.cmpi eq, %eq3A_21, %iota3A : vector<16x2000xi32>
    %convert_element_type3A_23 = arith.extui %eq3A_22 : vector<16x2000xi1> to vector<16x2000xi32>
    %convert_element_type3A_24 = arith.sitofp %convert_element_type3A_23 : vector<16x2000xi32> to vector<16x2000xf32>
    %get3A_25 = arith.constant 0 : index
    %get3A_26 = arith.constant 0 : index
    %get3A_27 = vector.load %arg7[%get3A_25, %get3A_26] : memref<16x128xf32, #tpu.memory_space<vmem>>, vector<16x128xf32>
    %dot_general3A_28 = arith.constant dense<0.000000e+00> : vector<16x128xf32>
    %dot_general3A_29 = tpu.matmul %convert_element_type3A_24, %add3A, %dot_general3A_28 {dimension_numbers = #tpu.dot_dimension_numbers<[1], [0], [0], [1], [0, 0, 1, 1], [], []>, transpose_lhs_hint = false} : vector<16x2000xf32>, vector<2000x128xf32>, vector<16x128xf32> -> vector<16x128xf32>
    %add3A_30 = arith.addf %get3A_27, %dot_general3A_29 : vector<16x128xf32>
    %swap3A = arith.constant 0 : index
    %swap3A_31 = arith.constant 0 : index
    %swap3A_32 = vector.load %arg7[%swap3A, %swap3A_31] : memref<16x128xf32, #tpu.memory_space<vmem>>, vector<16x128xf32>
    tpu.vector_store %arg7[%swap3A, %swap3A_31], %add3A_30 {strides = array<i32>} : memref<16x128xf32, #tpu.memory_space<vmem>>, vector<16x128xf32>,
    return
  }
  func.func @transform_0(%arg0: i32) -> (i32, i32) {
    %c0_i32 = arith.constant 0 : i32
    %c0_i32_0 = arith.constant 0 : i32
    return %arg0, %c0_i32 : i32, i32
  }
  func.func @transform_1(%arg0: i32) -> (i32, i32) {
    %c0_i32 = arith.constant 0 : i32
    %c0_i32_0 = arith.constant 0 : i32
    return %arg0, %c0_i32 : i32, i32
  }
  func.func @transform_2(%arg0: i32) -> (i32, i32, i32) {
    %c0_i32 = arith.constant 0 : i32
    %c0_i32_0 = arith.constant 0 : i32
    %c0_i32_1 = arith.constant 0 : i32
    return %arg0, %c0_i32, %c0_i32_0 : i32, i32, i32
  }
  func.func @transform_3(%arg0: i32) -> (i32, i32) {
    %c0_i32 = arith.constant 0 : i32
    %c0_i32_0 = arith.constant 0 : i32
    %c0_i32_1 = arith.constant 0 : i32
    return %c0_i32, %c0_i32_0 : i32, i32
  }
  func.func @transform_4(%arg0: i32) -> (i32, i32) {
    %c0_i32 = arith.constant 0 : i32
    %c0_i32_0 = arith.constant 0 : i32
    %c0_i32_1 = arith.constant 0 : i32
    return %c0_i32, %c0_i32_0 : i32, i32
  }
  func.func @transform_5(%arg0: i32) -> (i32, i32) {
    %c0_i32 = arith.constant 0 : i32
    %c0_i32_0 = arith.constant 0 : i32
    %c0_i32_1 = arith.constant 0 : i32
    return %c0_i32, %c0_i32_0 : i32, i32
  }
  func.func @transform_6(%arg0: i32) -> (i32, i32) {
    %c0_i32 = arith.constant 0 : i32
    %c0_i32_0 = arith.constant 0 : i32
    %c0_i32_1 = arith.constant 0 : i32
    return %c0_i32, %c0_i32_0 : i32, i32
  }
}

</mosaic_0001>

<sc_bundles>
// kernel: kernel.10.cloned.1.call-start
scs
__scs_entry_jumppad:
0x0: {  	(pc) =	sbr.rel $0x88, $3  }
0x1: {  	(tag) =	ssettag $0x0;
	lr =	simm.s32 $0x1  }
0x2: {  	[smem:$0x3F93] =	sst lr;
	_ =	strace $0xD0000000  }
0x3: {  	_ = 	snop  }
0x4: {  	_ = 	snop  }
0x5: {  	_ = 	snop  }
0x6: {  	_ = 	snop  }
0x7: {  	_ = 	snop  }
__scs_overlays_trampoline_lowered:
0x8: {  	[smem:$0x3FA2] =	sst s0  }
0x9: {  	[smem:$0x3FA3] =	sst s1  }
0xa: {  	[smem:$0x3FA4] =	sst s2  }
0xb: {  	[smem:$0x3FA5] =	sst s3  }
0xc: {  	[smem:$0x3FA6] =	sst s4  }
0xd: {  	[smem:$0x3FA7] =	sst s5  }
0xe: {  	[smem:$0x3FA8] =	sst s6  }
0xf: {  	[smem:$0x3FA9] =	sst s7  }
0x10: {  	[smem:$0x3FAA] =	sst s8  }
0x11: {  	[smem:$0x3FAB] =	sst s9;
	s0 =	simm.s32 @!p0 $0x0  }
0x12: {  	s1 =	sld [smem:$0x3F91];
	s0 =	simm.s32 @p0 $0x1  }
0x13: {  	[smem:$0x3FAC] =	sst s0;
	s0 =	simm.s32 @!p1 $0x0  }
0x14: {  	s2 =	sld [smem:$0x3F90];
	s0 =	simm.s32 @p1 $0x1  }
0x15: {  	[smem:$0x3FAD] =	sst s0;
	s0 =	simm.s32 @!p2 $0x0  }
0x16: {  	s3 =	sld [smem:$0x3FDB];
	s0 =	simm.s32 @p2 $0x1  }
0x17: {  	s4 =	simm.s32 $0x1BF5;
	[smem:$0x3FAF] =	sst s0  }
0x18: {  	s0 =	sld [smem:$0x3F92];
	_ =	swait.ge [sflag:s4], $0x0  }
0x19: {  	s7 =	sld [smem:$0x3F93]  }
0x1a: {  	s8 =	sadd.s32 $0xFFFFE003, lr  }
0x1b: {  	s9 =	sadd.s32 $0xFFFFFEF7, lr;
	s5 =	simm.s32 $0xFFFFFFFF;
	p2 =	slt.u32 s8, $0xFFFFF086  }
0x1c: {  	p1 =	slt.u32 s9, $0xF7A;
	s5 =	simm.s32 @!p2 $0x0  }
0x1d: {  	s5 =	simm.s32 @p1 $0x1;
	p0 =	seq.s32 s7, s2  }
0x1e: {  	s7 =	smul.u32 @!p0 $0xF7A, s2;
	p2 =	seq.s32 @!p0 s5, $0x0  }
0x1f: {  	s9 =	smul.u32 $0xF7A, s1;
	s8 =	simm.s32 @!p0 $0x1BF5;
	p2 =	por !p2, p0  }
0x20: {  	[sflag:s8] =	ssyncset.s32 @!p0 $0xFFFFF086;
	s6 =	sadd.s32 @!p0 s3, s7;
	s7 =	simm.s32 @!p0 $0x108  }
0x21: {  	s3 =	sadd.s32 s3, s9;
	s6 =	sadd.s32 @!p0 $0x88, s6;
	s7 =	simm.s32 @p2 $0x1082  }
0x22: {  	[simem:s7], [sflag:s8] =	dma.local @!p0 [hbm:s6], $0xF7A  }
0x23: {  	s9 =	sor.u32 $0xD0000000, s2;
	s6 =	simm.s32 $0x108;
	_ =	swait.ge @!p0 [sflag:s8], $0x0  }
0x24: {  	s3 =	sadd.s32 $0x88, s3;
	s6 =	simm.s32 @!p1 $0x1082;
	[sflag:s4] =	ssyncset.s32 $0xFFFFF086  }
0x25: {  	[simem:s6], [sflag:s4] =	dma.local [hbm:s3], $0xF7A  }
0x26: {  	[smem:$0x3F93] =	sst s1;
	(tag) =	ssettag s2;
	_ =	strace s9  }
0x27: {  	s1 =	sld [smem:$0x3FA3]  }
0x28: {  	s2 =	sld [smem:$0x3FA4]  }
0x29: {  	s4 =	sld [smem:$0x3FA6]  }
0x2a: {  	p0 =	seq.s32 s5, $0x0;
	s5 =	sld [smem:$0x3FA7]  }
0x2b: {  	s6 =	sld [smem:$0x3FA8]  }
0x2c: {  	s7 =	sld [smem:$0x3FA9]  }
0x2d: {  	s3 =	simm.s32 $0x108;
	s8 =	sld [smem:$0x3FAA]  }
0x2e: {  	s3 =	simm.s32 @!p0 $0x1082;
	s9 =	sld [smem:$0x3FAB]  }
0x2f: {  	lr =	sadd.s32 s0, s3;
	s0 =	sld [smem:$0x3FA2]  }
0x30: {  	s3 =	sld [smem:$0x3FA5]  }
0x31: {  	[smem:$0x3FAE] =	sst s10  }
0x32: {  	s10 =	sld [smem:$0x3FAC];
	_ =	sdelay $0x3  }
0x33: {  	p0 =	seq.s32 s10, $0x1;
	s10 =	sld [smem:$0x3FAE];
	_ =	sdelay $0x3  }
0x34: {  	[smem:$0x3FAE] =	sst s10  }
0x35: {  	s10 =	sld [smem:$0x3FAD];
	_ =	sdelay $0x3  }
0x36: {  	p1 =	seq.s32 s10, $0x1;
	s10 =	sld [smem:$0x3FAE];
	_ =	sdelay $0x3  }
0x37: {  	[smem:$0x3FAE] =	sst s10  }
0x38: {  	s10 =	sld [smem:$0x3FAF]  }
0x39: {  	_ = 	snop;
	(pc) =	sbr.ind lr, $3  }
0x3a: {  	_ = 	snop  }
0x3b: {  	_ = 	snop  }
0x3c: {  	p2 =	seq.s32 s10, $0x1;
	s10 =	sld [smem:$0x3FAE]  }
0x3d: {  	_ =	shalt  }
0x3e: {  	_ =	shalt  }
0x3f: {  	_ =	shalt  }
0x40: {  	_ =	shalt  }
0x41: {  	_ =	shalt  }
0x42: {  	_ =	shalt  }
0x43: {  	_ =	shalt  }
0x44: {  	_ =	shalt  }
0x45: {  	_ =	shalt  }
0x46: {  	_ =	shalt  }
0x47: {  	_ =	shalt  }
0x48: {  	_ =	shalt  }
0x49: {  	_ =	shalt  }
0x4a: {  	_ =	shalt  }
0x4b: {  	_ =	shalt  }
0x4c: {  	_ =	shalt  }
0x4d: {  	_ =	shalt  }
0x4e: {  	_ =	shalt  }
0x4f: {  	_ =	shalt  }
0x50: {  	_ =	shalt  }
0x51: {  	_ =	shalt  }
0x52: {  	_ =	shalt  }
0x53: {  	_ =	shalt  }
0x54: {  	_ =	shalt  }
0x55: {  	_ =	shalt  }
0x56: {  	_ =	shalt  }
0x57: {  	_ =	shalt  }
0x58: {  	_ =	shalt  }
0x59: {  	_ =	shalt  }
0x5a: {  	_ =	shalt  }
0x5b: {  	_ =	shalt  }
0x5c: {  	_ =	shalt  }
0x5d: {  	_ =	shalt  }
0x5e: {  	_ =	shalt  }
0x5f: {  	_ =	shalt  }
0x60: {  	_ =	shalt  }
0x61: {  	_ =	shalt  }
0x62: {  	_ =	shalt  }
0x63: {  	_ =	shalt  }
0x64: {  	_ =	shalt  }
0x65: {  	_ =	shalt  }
0x66: {  	_ =	shalt  }
0x67: {  	_ =	shalt  }
0x68: {  	_ =	shalt  }
0x69: {  	_ =	shalt  }
0x6a: {  	_ =	shalt  }
0x6b: {  	_ =	shalt  }
0x6c: {  	_ =	shalt  }
0x6d: {  	_ =	shalt  }
0x6e: {  	_ =	shalt  }
0x6f: {  	_ =	shalt  }
0x70: {  	_ =	shalt  }
0x71: {  	_ =	shalt  }
0x72: {  	_ =	shalt  }
0x73: {  	_ =	shalt  }
0x74: {  	_ =	shalt  }
0x75: {  	_ =	shalt  }
0x76: {  	_ =	shalt  }
0x77: {  	_ =	shalt  }
0x78: {  	_ =	shalt  }
0x79: {  	_ =	shalt  }
0x7a: {  	_ =	shalt  }
0x7b: {  	_ =	shalt  }
0x7c: {  	_ =	shalt  }
0x7d: {  	_ =	shalt  }
0x7e: {  	_ =	shalt  }
0x7f: {  	_ =	shalt  }
0x80: {  	_ =	shalt  }
0x81: {  	_ =	shalt  }
0x82: {  	_ =	shalt  }
0x83: {  	_ =	shalt  }
0x84: {  	_ =	shalt  }
0x85: {  	_ =	shalt  }
0x86: {  	_ =	shalt  }
0x87: {  	_ =	shalt  }
.Lfunc_end0:
.L_simem_size_0:
called_computation_lowered:
.L_overlay_start_0:
0x88: {  	s2 =	sld [smem:$0x3FD9]  }
0x89: {  	s3 =	sld [smem:$0x3FFE];
	_ =	sdelay $0x1  }
0x8a: {  	s1 =	srdreg.scid  }
0x8b: {  	s0 =	sand.u32 $0x1, s1  }
0x8c: {  	s17 =	sshll.u32 s0, $0xA;
	s2 =	sadd.s32 s3, s2  }
0x8d: {  	s2 =	sadd.s32 s2, s17  }
0x8e: {  	[smem:$0x3FBA] =	sst s2  }
0x8f: {  	_ = 	snop  }
0x90: {  	(tm) =	ssettm $0x1  }
0x91: {  	s18 =	sld [smem:$0x3FFB];
	_ =	sdelay $0x3  }
0x92: {  	_ =	strace s18  }
0x93: {  	s2 =	sld [smem:$0x3FFC];
	_ =	sdelay $0x3  }
0x94: {  	_ =	strace s2  }
0x95: {  	s2 =	sld [smem:$0x3FFD];
	_ =	sdelay $0x3  }
0x96: {  	_ =	strace s2  }
0x97: {  	_ =	strace $0x8FFFFFFF  }
0x98: {  	s19 =	sld [smem:$0x3FDB];
	_ =	sdelay $0x1  }
0x99: {  	s20 =	simm.s32 $_scs_section_size  }
0x9a: {  	s4 =	simm.s32 $_size__tile_overlayer_lowered;
	s5 =	simm.s32 $_tile_overlayer_lowered  }
0x9b: {  	s6 =	simm.s32 $0x1BFF;
	s21 =	sshll.u32 s5, $0x1;
	s3 =	sadd.s32 s20, s19  }
0x9c: {  	s22 =	simm.s32 $0x0;
	s4 =	sshll.u32 s4, $0x1;
	s5 =	sadd.s32 s21, s3  }
0x9d: {  	[timem:s22], [sflag:s6] =	dma.local [hbm:s5], s4  }
0x9e: {  	_ =	swait.ge [sflag:s6], s4  }
0x9f: {  	s4 =	ssub.s32 $0x0, s4;
	[sflag:s6] =	ssyncset.done $0x0  }
0xa0: {  	[sflag:s6] =	ssyncadd.s32 s4;
	_ =	sdelay $0x1  }
0xa1: {  	s23 =	simm.s32 $0x1B8B  }
0xa2: {  	_ =	swait.ge [sflag:s23], $0x1  }
0xa3: {  	[sflag:s23] =	ssyncset.done $0x0  }
0xa4: {  	[sflag:s23] =	ssyncadd.s32 $0xFFFFFFFF  }
0xa5: {  	s4 =	sld [smem:$0x0]  }
0xa6: {  	s5 =	sand.u32 $0xFFFFFFFE, s1  }
0xa7: {  	p0 =	sne.s32 s1, s5  }
0xa8: {  	s5 =	sshll.u32 @p0 s5, $0xE  }
0xa9: {  	s5 =	sadd.s32 @p0 $0x11B8D, s5;
	s6 =	sshll.u32 @p0 s4, $0x11  }
0xaa: {  	s5 =	sor.u32 @p0 s6, s5  }
0xab: {  	[sflag:s5] =	ssyncadd.remote.s32 @p0 $0x1;
	_ =	sdelay $0x1  }
0xac: {  	s5 =	simm.s32 @p0 $0x1B8D  }
0xad: {  	_ =	swait.eq @p0 [sflag:s5], $0x1  }
0xae: {  	[sflag:s5] =	ssyncadd.s32 @p0 $0xFFFFFFFF  }
0xaf: {  	s6 =	sshll.u32 @!p0 s1, $0xE  }
0xb0: {  	s6 =	sor.u32 @!p0 $0x4000, s6;
	s5 =	simm.s32 @!p0 $0x1B8D  }
0xb1: {  	s4 =	sshll.u32 @!p0 s4, $0x11;
	s6 =	sadd.s32 @!p0 $0x11B8D, s6;
	_ =	swait.eq @!p0 [sflag:s5], $0x1  }
0xb2: {  	s4 =	sor.u32 @!p0 s4, s6;
	[sflag:s5] =	ssyncadd.s32 @!p0 $0xFFFFFFFF  }
0xb3: {  	s25 =	simm.s32 $0x1B8E;
	s24 =	sld [smem:$0x3FFE];
	[sflag:s4] =	ssyncadd.remote.s32 @!p0 $0x1  }
0xb4: {  	s26 =	simm.s32 $execute0_lowered;
	[smem:$0x3FD2] =	sst s25  }
0xb5: {  	s5 =	sshll.u32 s26, $0x1;
	_ =	strace $0x80000049;
	[dreg:$0x1] =	wrdreg $0xFFFFFFFF  }
0xb6: {  	s28 =	simm.s32 $_size_execute0_lowered;
	s3 =	sadd.s32 s3, s5;
	[dreg:$0x0] =	wrdreg $0x0  }
0xb7: {  	s5 =	sshll.u32 s28, $0x1;
	[dreg:$0x2] =	wrdreg s3  }
0xb8: {  	[dreg:$0x3] =	wrdreg s5  }
0xb9: {  	[dreg:$0x4] =	wrdreg $0xC0  }
0xba: {  	_ =	task [dreg:s22], $0x5FFFF  }
0xbb: {  	[dreg:$0x1] =	wrdreg $0xFFFFFFFF  }
0xbc: {  	[dreg:$0x0] =	wrdreg $0x60  }
0xbd: {  	[dreg:$0x2] =	wrdreg s24  }
0xbe: {  	[dreg:$0x3] =	wrdreg $0x40800  }
0xbf: {  	[dreg:$0x4] =	wrdreg $0x9  }
0xc0: {  	_ =	task.clear_ibuf [dreg:s22], $0x5FFFF;
	_ =	strace $0x90000049  }
0xc1: {  	s29 =	simm.s32 $0x9;
	_ =	strace $0x8000004B  }
0xc2: {  	_ =	swait.ge [sflag:s29], $0x1  }
0xc3: {  	[sflag:s29] =	ssyncadd.s32 $0xFFFFFFFF  }
0xc4: {  	_ =	strace $0x9000004B  }
0xc5: {  	_ =	sfence  }
0xc6: {  	s30 =	sld [smem:$0x0];
	_ =	sdelay $0x2  }
0xc7: {  	s31 =	sshll.u32 s1, $0xD;
	s1 =	sshrl.u32 s1, $0x2  }
0xc8: {  	s4 =	sand.u32 $0x4000, s31;
	s1 =	sadd.s32 s1, s30  }
0xc9: {  	s0 =	sor.u32 s4, s0;
	s1 =	sshll.u32 s1, $0x11  }
0xca: {  	s0 =	sor.u32 s1, s0  }
0xcb: {  	s0 =	sadd.s32 $0x8F2B, s0  }
0xcc: {  	[sflag:s0] =	ssyncadd.remote.s32 $0x1  }
0xcd: {  	_ =	sfence.sel $0xFFFF  }
0xce: {  	[dreg:$0x0] =	wrdreg $0xFFFFFFFF;
	(pc) =	sbr.abs _section_cstart, $3  }
0xcf: {  	[dreg:$0x1] =	wrdreg $0xFFFFFFFF  }
0xd0: {  	_ =	task.clear_ibuf [dreg:s22], $0x2FFFF;
	_ =	strace $0x9FFFFFFF  }
0xd1: {  	(tm) =	ssettm $0x7FFFFFFF  }
tec
execute0_lowered:
.L_overlay_start_1:
0x0: {  	(tag) =	ssettag $0x1  }
0x1: {  	s5 =	rddreg [dreg:$0x0];
	s2 =	srdreg.scid  }
0x2: {  	s1 =	rddreg [dreg:$0x1];
	s6 =	sand.u32 $0x1, s2  }
0x3: {  	s2 =	stileid.u32;
	s4 =	smul.u32 $0x5000, s6  }
0x4: {  	s0 =	rddreg [dreg:$0x2];
	s3 =	simm.s32 $0x0;
	s7 =	smul.u32 $0x2800, s2  }
0x5: {  	[smem:$0x7FF] =	sst s3;
	s10 =	smul.u32 $0x28000, s6  }
0x6: {  	_ =	strace $0x8000004A;
	s6 =	ssub.s32 $0x2, s6;
	s11 =	smul.u32 $0x50000, s2  }
0x7: {  	s12 =	smul.u32 $0x500, s2;
	s31 =	sshll.u32 s2, $0x6;
	s29 =	sshrl.u32 s6, $0x1  }
0x8: {  	s8 =	sadd.s32 s4, s5;
	s9 =	sadd.s32 s7, s5;
	s4 =	sadd.s32 $0x9B800, s5  }
0x9: {  	s7 =	sadd.s32 s7, s10;
	s10 =	ssub.s32 s6, s29;
	s30 =	sshrl.u32 s11, $0x2  }
0xa: {  	s11 =	sor.u32 $0x1C01, s31;
	s7 =	sadd.s32 s7, s5;
	s13 =	sadd.s32 s30, s1  }
0xb: {  	s5 =	sadd.s32 $0x23800, s9;
	s8 =	sadd.s32 s12, s8;
	s9 =	simm.s32 $0x80  }
0xc: {  	s6 =	sadd.s32 $0x9C000, s7;
	s7 =	smax.u32 s10, $0x1;
	s8 =	sadd.s32 $0x5800, s8  }
0xd: {  	s10 =	simm.s32 $0x1;
	s12 =	sshrl.u32 s13, $0x3;
	s13 =	simm.s32 $0x0  }
.LBB2_1:
0xe: {  	[tilespmem:s9], [sflag:$0x1] =	stream.linear.gather [hbm4b:s4+s3], $0x4000, $0x38;
	[tilespmem:$0x18080] =	vst v63  }
0xf: {  	_ =	swait.ge [sflag:s10], $0x4000  }
0x10: {  	[sflag:s10] =	ssyncset.done $0x0  }
0x11: {  	[sflag:s10] =	ssyncadd.s32 $0xFFFFC000  }
0x12: {  	[spmem:s12], [sflag:s11] =	dma.local [hbm:s5], $0x2800  }
0x13: {  	_ =	swait.ge [sflag:s10], $0x2800  }
0x14: {  	[sflag:s10] =	ssyncset.done $0x0  }
0x15: {  	[sflag:s10] =	ssyncadd.s32 $0xFFFFD800  }
0x16: {  	s14 =	sadd.s32 $0x0, s8;
	[bflag:$0x0] =	sbarrier.arrive $0xFFFF  }
0x17: {  	[tilespmem:s3], [sflag:$0x1] =	stream.linear.gather [hbm4b:s14+s3], $0x80, $0x38;
	[tilespmem:$0x18080] =	vst v63  }
0x18: {  	_ =	swait.ge [sflag:s10], $0x80  }
0x19: {  	[sflag:s10] =	ssyncset.done $0x0  }
0x1a: {  	[sflag:s10] =	ssyncadd.s32 $0xFFFFFF80  }
0x1b: {  	[spmem:s1] =	stream.indirect.scatter.add.f32 [tilespmem:s9], [sflag:$0x1], $0x80, s3, s9, $0xb8;
	[tilespmem:$0x18080] =	vst v63  }
0x1c: {  	_ =	swait.ge [sflag:s10], $0x4000  }
0x1d: {  	s15 =	simm.s32 $0x20;
	s14 =	simm.s32 $0x10;
	[sflag:s10] =	ssyncset.done $0x0  }
.LBB2_2:
0x1e: {  	s16 =	sadd.s32 s14, s8  }
0x1f: {  	[sflag:s10] =	ssyncadd.s32 $0xFFFFC000;
	s14 =	smov.u32 s15;
	s17 =	sadd.s32 $0x10, s15  }
0x20: {  	[tilespmem:s3], [sflag:$0x1] =	stream.linear.gather [hbm4b:s16+s3], $0x80, $0x38;
	[tilespmem:$0x18080] =	vst v63  }
0x21: {  	p0 =	sne.s32 s15, $0x4F0;
	_ =	swait.ge [sflag:s10], $0x80  }
.Ltmp0:
0x22: {  	[sflag:s10] =	ssyncset.done $0x0;
	(pc) =	sbr.rel @p0 .LBB2_2-.Ltmp0, $4  }
0x23: {  	[sflag:s10] =	ssyncadd.s32 $0xFFFFFF80  }
0x24: {  	[spmem:s1] =	stream.indirect.scatter.add.f32 [tilespmem:s9], [sflag:$0x1], $0x80, s3, s9, $0xb8;
	[tilespmem:$0x18080] =	vst v63  }
0x25: {  	_ =	swait.ge [sflag:s10], $0x4000  }
0x26: {  	s15 =	smov.u32 s17;
	[sflag:s10] =	ssyncset.done $0x0  }
0x27: {  	s14 =	sadd.s32 s14, s8;
	[sflag:s10] =	ssyncadd.s32 $0xFFFFC000  }
0x28: {  	[tilespmem:s3], [sflag:$0x1] =	stream.linear.gather [hbm4b:s14+s3], $0x80, $0x38;
	[tilespmem:$0x18080] =	vst v63  }
0x29: {  	_ =	swait.ge [sflag:s10], $0x80  }
0x2a: {  	[sflag:s10] =	ssyncset.done $0x0  }
0x2b: {  	[sflag:s10] =	ssyncadd.s32 $0xFFFFFF80  }
0x2c: {  	[spmem:s1] =	stream.indirect.scatter.add.f32 [tilespmem:s9], [sflag:$0x1], $0x80, s3, s9, $0xb8;
	[tilespmem:$0x18080] =	vst v63  }
0x2d: {  	_ =	swait.ge [sflag:s10], $0x4000  }
0x2e: {  	s13 =	sadd.s32 $0x1, s13;
	[sflag:s10] =	ssyncset.done $0x0  }
0x2f: {  	p0 =	sne.s32 s13, s7;
	[sflag:s10] =	ssyncadd.s32 $0xFFFFC000  }
.Ltmp1:
0x30: {  	[bflag:$0x0] =	sbarrier.arrive $0xFFFF;
	(pc) =	sbr.rel @p0 .LBB2_1-.Ltmp1, $4  }
0x31: {  	[hbm:s6], [sflag:s11] =	dma.local [spmem:s12], $0x2800  }
0x32: {  	_ =	swait.ge [sflag:s10], $0x2800  }
0x33: {  	[sflag:s10] =	ssyncset.done $0x0  }
0x34: {  	[sflag:s10] =	ssyncadd.s32 $0xFFFFD800  }
0x35: {  	_ =	sfence.sel $0x180000  }
0x36: {  	[bflag:$0x0] =	sbarrier.arrive $0xFFFF  }
0x37: {  	p0 =	sne.s32 s2, $0x0;
	_ =	strace $0x9000004A  }
0x38: {  	s0 =	sadd.s32 @!p0 $0x100000, s0;
	[bflag:$0x2] =	sbarrier.arrive $0xFFFF  }
0x39: {  	[sflag:s0] =	ssyncadd.tile.s32 @!p0 $0x1;
	_ =	shalt  }
.Lfunc_end2:
_tile_overlayer_lowered:
.L_overlay_start_2:
0x3a: {  	(tag) =	ssettag $0x2  }
0x3b: {  	s0 =	rddreg [dreg:$0x0];
	s2 =	stileid.u32  }
0x3c: {  	s1 =	rddreg [dreg:$0x1];
	p0 =	sne.s32 s2, $0x0  }
0x3d: {  	s3 =	rddreg [dreg:$0x2];
	[bflag:$0x3] =	sbarrier.arrive $0xFFFF;
	s2 =	simm.s32 @!p0 $0x1C01  }
0x3e: {  	[timem:s3], [sflag:s2] =	dma.local @!p0 [hbm:s0], s1  }
0x3f: {  	s0 =	simm.s32 @!p0 $0x1  }
0x40: {  	_ =	swait.ge @!p0 [sflag:s0], s1  }
0x41: {  	s1 =	ssub.s32 @!p0 $0x0, s1;
	[sflag:s0] =	ssyncset.done @!p0 $0x0  }
0x42: {  	[sflag:s0] =	ssyncadd.s32 @!p0 s1  }
0x43: {  	[bflag:$0x3] =	sbarrier.arrive $0xFFFF  }
0x44: {  	_ =	shalt  }

// kernel: kernel.13.cloned.1.call-start
scs
__scs_entry_jumppad:
0x0: {  	(pc) =	sbr.rel $0x88, $3  }
0x1: {  	(tag) =	ssettag $0x0;
	lr =	simm.s32 $0x1  }
0x2: {  	[smem:$0x3F93] =	sst lr;
	_ =	strace $0xD0000000  }
0x3: {  	_ = 	snop  }
0x4: {  	_ = 	snop  }
0x5: {  	_ = 	snop  }
0x6: {  	_ = 	snop  }
0x7: {  	_ = 	snop  }
__scs_overlays_trampoline_lowered:
0x8: {  	[smem:$0x3FA2] =	sst s0  }
0x9: {  	[smem:$0x3FA3] =	sst s1  }
0xa: {  	[smem:$0x3FA4] =	sst s2  }
0xb: {  	[smem:$0x3FA5] =	sst s3  }
0xc: {  	[smem:$0x3FA6] =	sst s4  }
0xd: {  	[smem:$0x3FA7] =	sst s5  }
0xe: {  	[smem:$0x3FA8] =	sst s6  }
0xf: {  	[smem:$0x3FA9] =	sst s7  }
0x10: {  	[smem:$0x3FAA] =	sst s8  }
0x11: {  	[smem:$0x3FAB] =	sst s9;
	s0 =	simm.s32 @!p0 $0x0  }
0x12: {  	s1 =	sld [smem:$0x3F91];
	s0 =	simm.s32 @p0 $0x1  }
0x13: {  	[smem:$0x3FAC] =	sst s0;
	s0 =	simm.s32 @!p1 $0x0  }
0x14: {  	s2 =	sld [smem:$0x3F90];
	s0 =	simm.s32 @p1 $0x1  }
0x15: {  	[smem:$0x3FAD] =	sst s0;
	s0 =	simm.s32 @!p2 $0x0  }
0x16: {  	s3 =	sld [smem:$0x3FDB];
	s0 =	simm.s32 @p2 $0x1  }
0x17: {  	s4 =	simm.s32 $0x1BF5;
	[smem:$0x3FAF] =	sst s0  }
0x18: {  	s0 =	sld [smem:$0x3F92];
	_ =	swait.ge [sflag:s4], $0x0  }
0x19: {  	s7 =	sld [smem:$0x3F93]  }
0x1a: {  	s8 =	sadd.s32 $0xFFFFE003, lr  }
0x1b: {  	s9 =	sadd.s32 $0xFFFFFEF7, lr;
	s5 =	simm.s32 $0xFFFFFFFF;
	p2 =	slt.u32 s8, $0xFFFFF086  }
0x1c: {  	p1 =	slt.u32 s9, $0xF7A;
	s5 =	simm.s32 @!p2 $0x0  }
0x1d: {  	s5 =	simm.s32 @p1 $0x1;
	p0 =	seq.s32 s7, s2  }
0x1e: {  	s7 =	smul.u32 @!p0 $0xF7A, s2;
	p2 =	seq.s32 @!p0 s5, $0x0  }
0x1f: {  	s9 =	smul.u32 $0xF7A, s1;
	s8 =	simm.s32 @!p0 $0x1BF5;
	p2 =	por !p2, p0  }
0x20: {  	[sflag:s8] =	ssyncset.s32 @!p0 $0xFFFFF086;
	s6 =	sadd.s32 @!p0 s3, s7;
	s7 =	simm.s32 @!p0 $0x108  }
0x21: {  	s3 =	sadd.s32 s3, s9;
	s6 =	sadd.s32 @!p0 $0x88, s6;
	s7 =	simm.s32 @p2 $0x1082  }
0x22: {  	[simem:s7], [sflag:s8] =	dma.local @!p0 [hbm:s6], $0xF7A  }
0x23: {  	s9 =	sor.u32 $0xD0000000, s2;
	s6 =	simm.s32 $0x108;
	_ =	swait.ge @!p0 [sflag:s8], $0x0  }
0x24: {  	s3 =	sadd.s32 $0x88, s3;
	s6 =	simm.s32 @!p1 $0x1082;
	[sflag:s4] =	ssyncset.s32 $0xFFFFF086  }
0x25: {  	[simem:s6], [sflag:s4] =	dma.local [hbm:s3], $0xF7A  }
0x26: {  	[smem:$0x3F93] =	sst s1;
	(tag) =	ssettag s2;
	_ =	strace s9  }
0x27: {  	s1 =	sld [smem:$0x3FA3]  }
0x28: {  	s2 =	sld [smem:$0x3FA4]  }
0x29: {  	s4 =	sld [smem:$0x3FA6]  }
0x2a: {  	p0 =	seq.s32 s5, $0x0;
	s5 =	sld [smem:$0x3FA7]  }
0x2b: {  	s6 =	sld [smem:$0x3FA8]  }
0x2c: {  	s7 =	sld [smem:$0x3FA9]  }
0x2d: {  	s3 =	simm.s32 $0x108;
	s8 =	sld [smem:$0x3FAA]  }
0x2e: {  	s3 =	simm.s32 @!p0 $0x1082;
	s9 =	sld [smem:$0x3FAB]  }
0x2f: {  	lr =	sadd.s32 s0, s3;
	s0 =	sld [smem:$0x3FA2]  }
0x30: {  	s3 =	sld [smem:$0x3FA5]  }
0x31: {  	[smem:$0x3FAE] =	sst s10  }
0x32: {  	s10 =	sld [smem:$0x3FAC];
	_ =	sdelay $0x3  }
0x33: {  	p0 =	seq.s32 s10, $0x1;
	s10 =	sld [smem:$0x3FAE];
	_ =	sdelay $0x3  }
0x34: {  	[smem:$0x3FAE] =	sst s10  }
0x35: {  	s10 =	sld [smem:$0x3FAD];
	_ =	sdelay $0x3  }
0x36: {  	p1 =	seq.s32 s10, $0x1;
	s10 =	sld [smem:$0x3FAE];
	_ =	sdelay $0x3  }
0x37: {  	[smem:$0x3FAE] =	sst s10  }
0x38: {  	s10 =	sld [smem:$0x3FAF]  }
0x39: {  	_ = 	snop;
	(pc) =	sbr.ind lr, $3  }
0x3a: {  	_ = 	snop  }
0x3b: {  	_ = 	snop  }
0x3c: {  	p2 =	seq.s32 s10, $0x1;
	s10 =	sld [smem:$0x3FAE]  }
0x3d: {  	_ =	shalt  }
0x3e: {  	_ =	shalt  }
0x3f: {  	_ =	shalt  }
0x40: {  	_ =	shalt  }
0x41: {  	_ =	shalt  }
0x42: {  	_ =	shalt  }
0x43: {  	_ =	shalt  }
0x44: {  	_ =	shalt  }
0x45: {  	_ =	shalt  }
0x46: {  	_ =	shalt  }
0x47: {  	_ =	shalt  }
0x48: {  	_ =	shalt  }
0x49: {  	_ =	shalt  }
0x4a: {  	_ =	shalt  }
0x4b: {  	_ =	shalt  }
0x4c: {  	_ =	shalt  }
0x4d: {  	_ =	shalt  }
0x4e: {  	_ =	shalt  }
0x4f: {  	_ =	shalt  }
0x50: {  	_ =	shalt  }
0x51: {  	_ =	shalt  }
0x52: {  	_ =	shalt  }
0x53: {  	_ =	shalt  }
0x54: {  	_ =	shalt  }
0x55: {  	_ =	shalt  }
0x56: {  	_ =	shalt  }
0x57: {  	_ =	shalt  }
0x58: {  	_ =	shalt  }
0x59: {  	_ =	shalt  }
0x5a: {  	_ =	shalt  }
0x5b: {  	_ =	shalt  }
0x5c: {  	_ =	shalt  }
0x5d: {  	_ =	shalt  }
0x5e: {  	_ =	shalt  }
0x5f: {  	_ =	shalt  }
0x60: {  	_ =	shalt  }
0x61: {  	_ =	shalt  }
0x62: {  	_ =	shalt  }
0x63: {  	_ =	shalt  }
0x64: {  	_ =	shalt  }
0x65: {  	_ =	shalt  }
0x66: {  	_ =	shalt  }
0x67: {  	_ =	shalt  }
0x68: {  	_ =	shalt  }
0x69: {  	_ =	shalt  }
0x6a: {  	_ =	shalt  }
0x6b: {  	_ =	shalt  }
0x6c: {  	_ =	shalt  }
0x6d: {  	_ =	shalt  }
0x6e: {  	_ =	shalt  }
0x6f: {  	_ =	shalt  }
0x70: {  	_ =	shalt  }
0x71: {  	_ =	shalt  }
0x72: {  	_ =	shalt  }
0x73: {  	_ =	shalt  }
0x74: {  	_ =	shalt  }
0x75: {  	_ =	shalt  }
0x76: {  	_ =	shalt  }
0x77: {  	_ =	shalt  }
0x78: {  	_ =	shalt  }
0x79: {  	_ =	shalt  }
0x7a: {  	_ =	shalt  }
0x7b: {  	_ =	shalt  }
0x7c: {  	_ =	shalt  }
0x7d: {  	_ =	shalt  }
0x7e: {  	_ =	shalt  }
0x7f: {  	_ =	shalt  }
0x80: {  	_ =	shalt  }
0x81: {  	_ =	shalt  }
0x82: {  	_ =	shalt  }
0x83: {  	_ =	shalt  }
0x84: {  	_ =	shalt  }
0x85: {  	_ =	shalt  }
0x86: {  	_ =	shalt  }
0x87: {  	_ =	shalt  }
.Lfunc_end0:
.L_simem_size_0:
called_computation.1_lowered:
.L_overlay_start_0:
0x88: {  	s2 =	sld [smem:$0x3FD9]  }
0x89: {  	s3 =	sld [smem:$0x3FFE];
	_ =	sdelay $0x1  }
0x8a: {  	s1 =	srdreg.scid  }
0x8b: {  	s0 =	sand.u32 $0x1, s1  }
0x8c: {  	s17 =	sshll.u32 s0, $0xA;
	s2 =	sadd.s32 s3, s2  }
0x8d: {  	s2 =	sadd.s32 s2, s17  }
0x8e: {  	[smem:$0x3FBA] =	sst s2  }
0x8f: {  	_ = 	snop  }
0x90: {  	s2 =	sld [smem:$0x3FC9];
	(tm) =	ssettm $0x1  }
0x91: {  	s18 =	sld [smem:$0x3FFB];
	_ =	sdelay $0x3  }
0x92: {  	_ =	strace s18  }
0x93: {  	s3 =	sld [smem:$0x3FFC];
	_ =	sdelay $0x3  }
0x94: {  	_ =	strace s3  }
0x95: {  	s3 =	sld [smem:$0x3FFD];
	_ =	sdelay $0x3  }
0x96: {  	_ =	strace s3  }
0x97: {  	_ =	strace $0x8FFFFFFF  }
0x98: {  	s19 =	sld [smem:$0x3FDB];
	_ =	sdelay $0x1  }
0x99: {  	s4 =	simm.s32 $_scs_section_size  }
0x9a: {  	s5 =	simm.s32 $_size__tile_overlayer_lowered;
	s6 =	simm.s32 $_tile_overlayer_lowered  }
0x9b: {  	s22 =	simm.s32 $0x1BFF;
	s21 =	sshll.u32 s6, $0x1;
	s3 =	sadd.s32 s4, s19  }
0x9c: {  	s7 =	simm.s32 $0x0;
	s20 =	sshll.u32 s5, $0x1;
	s5 =	sadd.s32 s21, s3  }
0x9d: {  	[timem:s7], [sflag:s22] =	dma.local [hbm:s5], s20  }
0x9e: {  	_ =	swait.ge [sflag:s22], s20  }
0x9f: {  	s4 =	ssub.s32 $0x0, s20;
	[sflag:s22] =	ssyncset.done $0x0  }
0xa0: {  	[sflag:s22] =	ssyncadd.s32 s4;
	_ =	sdelay $0x1  }
0xa1: {  	s23 =	simm.s32 $0x1B8B  }
0xa2: {  	_ =	swait.ge [sflag:s23], $0x1  }
0xa3: {  	[sflag:s23] =	ssyncset.done $0x0  }
0xa4: {  	s25 =	simm.s32 $0x1B8E;
	s24 =	sld [smem:$0x3FFE];
	[sflag:s23] =	ssyncadd.s32 $0xFFFFFFFF  }
0xa5: {  	s26 =	simm.s32 $execute0_lowered;
	[smem:$0x3FD2] =	sst s25  }
0xa6: {  	s5 =	sshll.u32 s26, $0x1;
	_ =	strace $0x80000046;
	[dreg:$0x1] =	wrdreg $0xFFFFFFFF  }
0xa7: {  	s28 =	simm.s32 $_size_execute0_lowered;
	s3 =	sadd.s32 s3, s5;
	[dreg:$0x0] =	wrdreg $0x0  }
0xa8: {  	s5 =	sshll.u32 s28, $0x1;
	[dreg:$0x2] =	wrdreg s3  }
0xa9: {  	[dreg:$0x3] =	wrdreg s5  }
0xaa: {  	[dreg:$0x4] =	wrdreg $0xC0  }
0xab: {  	_ =	task [dreg:s7], $0x5FFFF  }
0xac: {  	[dreg:$0x1] =	wrdreg $0xFFFFFFFF  }
0xad: {  	[dreg:$0x0] =	wrdreg $0x60  }
0xae: {  	[dreg:$0x2] =	wrdreg s2  }
0xaf: {  	[dreg:$0x3] =	wrdreg s24  }
0xb0: {  	[dreg:$0x4] =	wrdreg $0x84000  }
0xb1: {  	[dreg:$0x5] =	wrdreg $0xA  }
0xb2: {  	_ =	task.clear_ibuf [dreg:s7], $0x6FFFF;
	_ =	strace $0x90000046  }
0xb3: {  	s29 =	simm.s32 $0xA;
	_ =	strace $0x80000048  }
0xb4: {  	_ =	swait.ge [sflag:s29], $0x1  }
0xb5: {  	[sflag:s29] =	ssyncadd.s32 $0xFFFFFFFF  }
0xb6: {  	_ =	strace $0x90000048  }
0xb7: {  	_ =	sfence  }
0xb8: {  	s30 =	sld [smem:$0x0];
	_ =	sdelay $0x2  }
0xb9: {  	s31 =	sshll.u32 s1, $0xD;
	s1 =	sshrl.u32 s1, $0x2  }
0xba: {  	s3 =	sand.u32 $0x4000, s31;
	s1 =	sadd.s32 s1, s30  }
0xbb: {  	s0 =	sor.u32 s3, s0;
	s1 =	sshll.u32 s1, $0x11  }
0xbc: {  	s0 =	sor.u32 s1, s0  }
0xbd: {  	s0 =	sadd.s32 $0x8F2B, s0  }
0xbe: {  	[sflag:s0] =	ssyncadd.remote.s32 $0x1  }
0xbf: {  	_ =	sfence.sel $0xFFFF  }
0xc0: {  	[dreg:$0x0] =	wrdreg $0xFFFFFFFF;
	(pc) =	sbr.abs _section_cstart, $3  }
0xc1: {  	[dreg:$0x1] =	wrdreg $0xFFFFFFFF  }
0xc2: {  	_ =	task.clear_ibuf [dreg:s7], $0x2FFFF;
	_ =	strace $0x9FFFFFFF  }
0xc3: {  	(tm) =	ssettm $0x7FFFFFFF  }
tec
execute0_lowered:
.L_overlay_start_1:
0x0: {  	(tag) =	ssettag $0x1  }
0x1: {  	s2 =	rddreg [dreg:$0x0]  }
0x2: {  	s7 =	rddreg [dreg:$0x1]  }
0x3: {  	s3 =	rddreg [dreg:$0x2]  }
0x4: {  	s0 =	rddreg [dreg:$0x3]  }
0x5: {  	s1 =	stileid.u32;
	s5 =	srdreg.scid  }
0x6: {  	s4 =	simm.s32 $0x0;
	s17 =	simm.s32 $0x1;
	s18 =	simm.s32 $0x80  }
0x7: {  	s19 =	simm.s32 $0x400;
	s20 =	simm.s32 $0x4400;
	s21 =	simm.s32 $0x2  }
0x8: {  	s22 =	simm.s32 $0x3;
	s23 =	simm.s32 $0x0;
	s8 =	smul.u32 $0x2800, s1  }
0x9: {  	s9 =	sand.u32 $0x1, s5;
	[smem:$0x7FF] =	sst s4;
	s5 =	sadd.s32 $0x19800, s7  }
0xa: {  	s6 =	sadd.s32 $0xF800, s7;
	s13 =	smul.u32 $0x50000, s1;
	s30 =	sshll.u32 s1, $0x6  }
0xb: {  	s10 =	smul.u32 $0x28000, s9;
	s26 =	ssub.s32 $0x2, s9;
	s9 =	sshll.u32 s9, $0x4  }
0xc: {  	_ =	strace $0x80000047;
	s11 =	sadd.s32 s8, s7;
	s28 =	sor.u32 s1, s9  }
0xd: {  	s12 =	sshrl.u32 s26, $0x1;
	s29 =	sshrl.u32 s13, $0x2;
	s31 =	smul.u32 $0x500, s28  }
.Ltmp0:
0xe: {  	s8 =	sadd.s32 s8, s10;
	s15 =	ssub.s32 s26, s12;
	(pc) =	sbr.rel .LBB2_1-.Ltmp0, $4  }
0xf: {  	s16 =	sadd.s32 s29, s3;
	s14 =	sadd.s32 s8, s7;
	s7 =	sadd.s32 $0x23800, s11  }
0x10: {  	s8 =	sor.u32 $0x1C05, s30;
	s13 =	smax.u32 s15, $0x1;
	s15 =	simm.s32 $0x5  }
0x11: {  	s9 =	sadd.s32 s5, s31;
	s10 =	sadd.s32 s6, s31;
	s11 =	sor.u32 $0x20, s31  }
0x12: {  	s12 =	sadd.s32 $0x4B800, s14;
	s14 =	sshrl.u32 s16, $0x3;
	s16 =	simm.s32 $0x200  }
.LBB2_6:
0x13: {  	_ =	swait.ge [sflag:s22], $0x4000  }
0x14: {  	[sflag:s22] =	ssyncset.done $0x0  }
0x15: {  	[sflag:s22] =	ssyncadd.s32 $0xFFFFC000  }
0x16: {  	_ =	swait.ge [sflag:s22], $0x4000  }
0x17: {  	s23 =	sadd.s32 $0x1, s23;
	[sflag:s22] =	ssyncset.done $0x0  }
0x18: {  	p0 =	sne.s32 s23, s13;
	[sflag:s22] =	ssyncadd.s32 $0xFFFFC000  }
.Ltmp1:
0x19: {  	[bflag:$0x0] =	sbarrier.arrive $0xFFFF;
	(pc) =	sbr.rel @!p0 .LBB2_7-.Ltmp1, $4  }
0x1a: {  	[hbm:s12], [sflag:s8] =	dma.local [spmem:s14], $0x2800  }
0x1b: {  	_ =	swait.ge [sflag:s15], $0x2800  }
0x1c: {  	[sflag:s15] =	ssyncset.done $0x0  }
0x1d: {  	[sflag:s15] =	ssyncadd.s32 $0xFFFFD800  }
.LBB2_1:
0x1e: {  	[spmem:s14], [sflag:s8] =	dma.local [hbm:s7], $0x2800  }
0x1f: {  	_ =	swait.ge [sflag:s15], $0x2800  }
0x20: {  	[sflag:s15] =	ssyncset.done $0x0  }
0x21: {  	[sflag:s15] =	ssyncadd.s32 $0xFFFFD800  }
0x22: {  	[bflag:$0x0] =	sbarrier.arrive $0xFFFF  }
0x23: {  	[tilespmem:s4], [sflag:$0x5] =	stream.linear.gather [hbm4b:s9+s4], $0x100, $0x38;
	[tilespmem:$0x1C400] =	vst v63  }
0x24: {  	_ =	swait.ge [sflag:s15], $0x100  }
0x25: {  	[sflag:s15] =	ssyncset.done $0x0  }
.Ltmp2:
0x26: {  	[sflag:s15] =	ssyncadd.s32 $0xFFFFFF00;
	(pc) =	sbr.rel .LBB2_2-.Ltmp2, $4  }
0x27: {  	[tilespmem:s16], [sflag:$0x5] =	stream.linear.gather [hbm4b:s10+s4], $0x100, $0x38;
	[tilespmem:$0x1C400] =	vst v63  }
0x28: {  	_ =	swait.ge [sflag:s15], $0x100  }
0x29: {  	[sflag:s15] =	ssyncset.done $0x0  }
0x2a: {  	s24 =	simm.s32 $0x0;
	[sflag:s15] =	ssyncadd.s32 $0xFFFFFF00  }
.LBB2_4:
0x2b: {  	s25 =	sshll.u32 s24, $0x5  }
0x2c: {  	s26 =	sshll.u32 s24, $0x8;
	s25 =	sadd.s32 s25, s11  }
0x2d: {  	s24 =	sadd.s32 @!p0 $0x1, s24;
	s28 =	sand.u32 $0xFFFFFE0, s25;
	s25 =	sand.u32 $0x100, s26  }
0x2e: {  	p1 =	por $0x0, $0x0;
	s26 =	sxor.u32 $0x100, s25;
	s29 =	sadd.s32 s5, s28  }
0x2f: {  	[tilespmem:s26], [sflag:$0x4] =	stream.linear.gather [hbm4b:s29+s4], $0x100, $0x38;
	[tilespmem:$0x1C400] =	vst v63  }
0x30: {  	s24 =	simm.s32 @p0 $0x1;
	s31 =	sxor.u32 $0x300, s25;
	s28 =	sadd.s32 s6, s28  }
0x31: {  	[tilespmem:s31], [sflag:$0x4] =	stream.linear.gather [hbm4b:s28+s4], $0x100, $0x38;
	[tilespmem:$0x1C400] =	vst v63  }
.LBB2_5:
0x32: {  	[tilespmem:s19], [sflag:$0x1] =	stream.indirect.gather [hbm4b:s2+s18], $0x80, s25, s18, $0xb8;
	[tilespmem:$0x1C400] =	vst v63  }
0x33: {  	s26 =	sor.u32 $0x80, s25  }
0x34: {  	[tilespmem:s20], [sflag:$0x2] =	stream.indirect.gather [hbm4b:s2+s18], $0x80, s26, s18, $0xb8;
	[tilespmem:$0x1C400] =	vst v63  }
0x35: {  	_ =	swait.ge [sflag:s17], $0x4000  }
0x36: {  	[sflag:s17] =	ssyncset.done $0x0  }
0x37: {  	s30 =	sor.u32 $0x200, s25;
	[sflag:s17] =	ssyncadd.s32 $0xFFFFC000  }
0x38: {  	[spmem:s3] =	stream.indirect.scatter.add.f32 [tilespmem:s19], [sflag:$0x3], $0x80, s30, s18, $0xb8;
	[tilespmem:$0x1C400] =	vst v63  }
0x39: {  	_ =	swait.ge [sflag:s21], $0x4000  }
0x3a: {  	[sflag:s21] =	ssyncset.done $0x0  }
0x3b: {  	s31 =	sor.u32 $0x280, s25;
	s25 =	simm.s32 @!p1 $0x4;
	[sflag:s21] =	ssyncadd.s32 $0xFFFFC000  }
0x3c: {  	[spmem:s3] =	stream.indirect.scatter.add.f32 [tilespmem:s20], [sflag:$0x3], $0x80, s31, s18, $0xb8;
	[tilespmem:$0x1C400] =	vst v63  }
0x3d: {  	p0 =	slt.u32 s24, $0x28;
	_ =	swait.ge @!p1 [sflag:s25], $0x100  }
.Ltmp3:
0x3e: {  	[sflag:s25] =	ssyncset.done @!p1 $0x0;
	(pc) =	sbr.rel @!p0 .LBB2_6-.Ltmp3, $4  }
0x3f: {  	[sflag:s25] =	ssyncadd.s32 @!p1 $0xFFFFFF00  }
0x40: {  	_ =	swait.ge @!p1 [sflag:s25], $0x100  }
0x41: {  	[sflag:s25] =	ssyncset.done @!p1 $0x0  }
0x42: {  	[sflag:s25] =	ssyncadd.s32 @!p1 $0xFFFFFF00  }
.LBB2_2:
0x43: {  	p0 =	seq.s32 s24, $0x0  }
0x44: {  	s25 =	simm.s32 @!p0 $0x3;
	p1 =	seq.s32 @!p0 s24, $0x27  }
0x45: {  	_ =	swait.ge @!p0 [sflag:s25], $0x4000;
	p1 =	por p0, !p1  }
.Ltmp4:
0x46: {  	[sflag:s25] =	ssyncset.done @!p0 $0x0;
	(pc) =	sbr.rel @p1 .LBB2_4-.Ltmp4, $4  }
0x47: {  	[sflag:s25] =	ssyncadd.s32 @!p0 $0xFFFFC000  }
0x48: {  	_ =	swait.ge @!p0 [sflag:s25], $0x4000  }
0x49: {  	[sflag:s25] =	ssyncset.done @!p0 $0x0  }
0x4a: {  	[sflag:s25] =	ssyncadd.s32 @!p0 $0xFFFFC000  }
.Ltmp5:
0x4b: {  	(pc) =	sbr.rel .LBB2_5-.Ltmp5, $2  }
0x4c: {  	_ =	sdelay $0x2  }
0x4d: {  	s24 =	simm.s32 @!p0 $0x28;
	p1 =	por @!p0 $0x1, $0x1;
	s25 =	simm.s32 @!p0 $0x100  }
.LBB2_7:
0x4e: {  	_ =	sfence.sel $0x180000  }
0x4f: {  	[bflag:$0x0] =	sbarrier.arrive $0xFFFF  }
0x50: {  	p0 =	sne.s32 s1, $0x0;
	_ =	strace $0x90000047  }
0x51: {  	s0 =	sadd.s32 @!p0 $0x100000, s0;
	[bflag:$0x2] =	sbarrier.arrive $0xFFFF  }
0x52: {  	[sflag:s0] =	ssyncadd.tile.s32 @!p0 $0x1;
	_ =	shalt  }
.Lfunc_end2:
_tile_overlayer_lowered:
.L_overlay_start_2:
0x53: {  	(tag) =	ssettag $0x2  }
0x54: {  	s0 =	rddreg [dreg:$0x0];
	s2 =	stileid.u32  }
0x55: {  	s1 =	rddreg [dreg:$0x1];
	p0 =	sne.s32 s2, $0x0  }
0x56: {  	s3 =	rddreg [dreg:$0x2];
	[bflag:$0x3] =	sbarrier.arrive $0xFFFF;
	s2 =	simm.s32 @!p0 $0x1C05  }
0x57: {  	[timem:s3], [sflag:s2] =	dma.local @!p0 [hbm:s0], s1  }
0x58: {  	s0 =	simm.s32 @!p0 $0x5  }
0x59: {  	_ =	swait.ge @!p0 [sflag:s0], s1  }
0x5a: {  	s1 =	ssub.s32 @!p0 $0x0, s1;
	[sflag:s0] =	ssyncset.done @!p0 $0x0  }
0x5b: {  	[sflag:s0] =	ssyncadd.s32 @!p0 s1  }
0x5c: {  	[bflag:$0x3] =	sbarrier.arrive $0xFFFF  }
0x5d: {  	_ =	shalt  }

// kernel: kernel.16.cloned.1.call-start
scs
__scs_entry_jumppad:
0x0: {  	(pc) =	sbr.rel $0x88, $3  }
0x1: {  	(tag) =	ssettag $0x0;
	lr =	simm.s32 $0x1  }
0x2: {  	[smem:$0x3F93] =	sst lr;
	_ =	strace $0xD0000000  }
0x3: {  	_ = 	snop  }
0x4: {  	_ = 	snop  }
0x5: {  	_ = 	snop  }
0x6: {  	_ = 	snop  }
0x7: {  	_ = 	snop  }
__scs_overlays_trampoline_lowered:
0x8: {  	[smem:$0x3FA2] =	sst s0  }
0x9: {  	[smem:$0x3FA3] =	sst s1  }
0xa: {  	[smem:$0x3FA4] =	sst s2  }
0xb: {  	[smem:$0x3FA5] =	sst s3  }
0xc: {  	[smem:$0x3FA6] =	sst s4  }
0xd: {  	[smem:$0x3FA7] =	sst s5  }
0xe: {  	[smem:$0x3FA8] =	sst s6  }
0xf: {  	[smem:$0x3FA9] =	sst s7  }
0x10: {  	[smem:$0x3FAA] =	sst s8  }
0x11: {  	[smem:$0x3FAB] =	sst s9;
	s0 =	simm.s32 @!p0 $0x0  }
0x12: {  	s1 =	sld [smem:$0x3F91];
	s0 =	simm.s32 @p0 $0x1  }
0x13: {  	[smem:$0x3FAC] =	sst s0;
	s0 =	simm.s32 @!p1 $0x0  }
0x14: {  	s2 =	sld [smem:$0x3F90];
	s0 =	simm.s32 @p1 $0x1  }
0x15: {  	[smem:$0x3FAD] =	sst s0;
	s0 =	simm.s32 @!p2 $0x0  }
0x16: {  	s3 =	sld [smem:$0x3FDB];
	s0 =	simm.s32 @p2 $0x1  }
0x17: {  	s4 =	simm.s32 $0x1BF5;
	[smem:$0x3FAF] =	sst s0  }
0x18: {  	s0 =	sld [smem:$0x3F92];
	_ =	swait.ge [sflag:s4], $0x0  }
0x19: {  	s7 =	sld [smem:$0x3F93]  }
0x1a: {  	s8 =	sadd.s32 $0xFFFFE003, lr  }
0x1b: {  	s9 =	sadd.s32 $0xFFFFFEF7, lr;
	s5 =	simm.s32 $0xFFFFFFFF;
	p2 =	slt.u32 s8, $0xFFFFF086  }
0x1c: {  	p1 =	slt.u32 s9, $0xF7A;
	s5 =	simm.s32 @!p2 $0x0  }
0x1d: {  	s5 =	simm.s32 @p1 $0x1;
	p0 =	seq.s32 s7, s2  }
0x1e: {  	s7 =	smul.u32 @!p0 $0xF7A, s2;
	p2 =	seq.s32 @!p0 s5, $0x0  }
0x1f: {  	s9 =	smul.u32 $0xF7A, s1;
	s8 =	simm.s32 @!p0 $0x1BF5;
	p2 =	por !p2, p0  }
0x20: {  	[sflag:s8] =	ssyncset.s32 @!p0 $0xFFFFF086;
	s6 =	sadd.s32 @!p0 s3, s7;
	s7 =	simm.s32 @!p0 $0x108  }
0x21: {  	s3 =	sadd.s32 s3, s9;
	s6 =	sadd.s32 @!p0 $0x88, s6;
	s7 =	simm.s32 @p2 $0x1082  }
0x22: {  	[simem:s7], [sflag:s8] =	dma.local @!p0 [hbm:s6], $0xF7A  }
0x23: {  	s9 =	sor.u32 $0xD0000000, s2;
	s6 =	simm.s32 $0x108;
	_ =	swait.ge @!p0 [sflag:s8], $0x0  }
0x24: {  	s3 =	sadd.s32 $0x88, s3;
	s6 =	simm.s32 @!p1 $0x1082;
	[sflag:s4] =	ssyncset.s32 $0xFFFFF086  }
0x25: {  	[simem:s6], [sflag:s4] =	dma.local [hbm:s3], $0xF7A  }
0x26: {  	[smem:$0x3F93] =	sst s1;
	(tag) =	ssettag s2;
	_ =	strace s9  }
0x27: {  	s1 =	sld [smem:$0x3FA3]  }
0x28: {  	s2 =	sld [smem:$0x3FA4]  }
0x29: {  	s4 =	sld [smem:$0x3FA6]  }
0x2a: {  	p0 =	seq.s32 s5, $0x0;
	s5 =	sld [smem:$0x3FA7]  }
0x2b: {  	s6 =	sld [smem:$0x3FA8]  }
0x2c: {  	s7 =	sld [smem:$0x3FA9]  }
0x2d: {  	s3 =	simm.s32 $0x108;
	s8 =	sld [smem:$0x3FAA]  }
0x2e: {  	s3 =	simm.s32 @!p0 $0x1082;
	s9 =	sld [smem:$0x3FAB]  }
0x2f: {  	lr =	sadd.s32 s0, s3;
	s0 =	sld [smem:$0x3FA2]  }
0x30: {  	s3 =	sld [smem:$0x3FA5]  }
0x31: {  	[smem:$0x3FAE] =	sst s10  }
0x32: {  	s10 =	sld [smem:$0x3FAC];
	_ =	sdelay $0x3  }
0x33: {  	p0 =	seq.s32 s10, $0x1;
	s10 =	sld [smem:$0x3FAE];
	_ =	sdelay $0x3  }
0x34: {  	[smem:$0x3FAE] =	sst s10  }
0x35: {  	s10 =	sld [smem:$0x3FAD];
	_ =	sdelay $0x3  }
0x36: {  	p1 =	seq.s32 s10, $0x1;
	s10 =	sld [smem:$0x3FAE];
	_ =	sdelay $0x3  }
0x37: {  	[smem:$0x3FAE] =	sst s10  }
0x38: {  	s10 =	sld [smem:$0x3FAF]  }
0x39: {  	_ = 	snop;
	(pc) =	sbr.ind lr, $3  }
0x3a: {  	_ = 	snop  }
0x3b: {  	_ = 	snop  }
0x3c: {  	p2 =	seq.s32 s10, $0x1;
	s10 =	sld [smem:$0x3FAE]  }
0x3d: {  	_ =	shalt  }
0x3e: {  	_ =	shalt  }
0x3f: {  	_ =	shalt  }
0x40: {  	_ =	shalt  }
0x41: {  	_ =	shalt  }
0x42: {  	_ =	shalt  }
0x43: {  	_ =	shalt  }
0x44: {  	_ =	shalt  }
0x45: {  	_ =	shalt  }
0x46: {  	_ =	shalt  }
0x47: {  	_ =	shalt  }
0x48: {  	_ =	shalt  }
0x49: {  	_ =	shalt  }
0x4a: {  	_ =	shalt  }
0x4b: {  	_ =	shalt  }
0x4c: {  	_ =	shalt  }
0x4d: {  	_ =	shalt  }
0x4e: {  	_ =	shalt  }
0x4f: {  	_ =	shalt  }
0x50: {  	_ =	shalt  }
0x51: {  	_ =	shalt  }
0x52: {  	_ =	shalt  }
0x53: {  	_ =	shalt  }
0x54: {  	_ =	shalt  }
0x55: {  	_ =	shalt  }
0x56: {  	_ =	shalt  }
0x57: {  	_ =	shalt  }
0x58: {  	_ =	shalt  }
0x59: {  	_ =	shalt  }
0x5a: {  	_ =	shalt  }
0x5b: {  	_ =	shalt  }
0x5c: {  	_ =	shalt  }
0x5d: {  	_ =	shalt  }
0x5e: {  	_ =	shalt  }
0x5f: {  	_ =	shalt  }
0x60: {  	_ =	shalt  }
0x61: {  	_ =	shalt  }
0x62: {  	_ =	shalt  }
0x63: {  	_ =	shalt  }
0x64: {  	_ =	shalt  }
0x65: {  	_ =	shalt  }
0x66: {  	_ =	shalt  }
0x67: {  	_ =	shalt  }
0x68: {  	_ =	shalt  }
0x69: {  	_ =	shalt  }
0x6a: {  	_ =	shalt  }
0x6b: {  	_ =	shalt  }
0x6c: {  	_ =	shalt  }
0x6d: {  	_ =	shalt  }
0x6e: {  	_ =	shalt  }
0x6f: {  	_ =	shalt  }
0x70: {  	_ =	shalt  }
0x71: {  	_ =	shalt  }
0x72: {  	_ =	shalt  }
0x73: {  	_ =	shalt  }
0x74: {  	_ =	shalt  }
0x75: {  	_ =	shalt  }
0x76: {  	_ =	shalt  }
0x77: {  	_ =	shalt  }
0x78: {  	_ =	shalt  }
0x79: {  	_ =	shalt  }
0x7a: {  	_ =	shalt  }
0x7b: {  	_ =	shalt  }
0x7c: {  	_ =	shalt  }
0x7d: {  	_ =	shalt  }
0x7e: {  	_ =	shalt  }
0x7f: {  	_ =	shalt  }
0x80: {  	_ =	shalt  }
0x81: {  	_ =	shalt  }
0x82: {  	_ =	shalt  }
0x83: {  	_ =	shalt  }
0x84: {  	_ =	shalt  }
0x85: {  	_ =	shalt  }
0x86: {  	_ =	shalt  }
0x87: {  	_ =	shalt  }
.Lfunc_end0:
.L_simem_size_0:
called_computation.2_lowered:
.L_overlay_start_0:
0x88: {  	s2 =	sld [smem:$0x3FD9]  }
0x89: {  	s3 =	sld [smem:$0x3FFE];
	_ =	sdelay $0x1  }
0x8a: {  	s1 =	srdreg.scid  }
0x8b: {  	s0 =	sand.u32 $0x1, s1  }
0x8c: {  	s16 =	sshll.u32 s0, $0xA;
	s2 =	sadd.s32 s3, s2  }
0x8d: {  	s2 =	sadd.s32 s2, s16  }
0x8e: {  	[smem:$0x3FBA] =	sst s2  }
0x8f: {  	_ = 	snop  }
0x90: {  	(tm) =	ssettm $0x1  }
0x91: {  	s17 =	sld [smem:$0x3FFB];
	_ =	sdelay $0x3  }
0x92: {  	_ =	strace s17  }
0x93: {  	s2 =	sld [smem:$0x3FFC];
	_ =	sdelay $0x3  }
0x94: {  	_ =	strace s2  }
0x95: {  	s2 =	sld [smem:$0x3FFD];
	_ =	sdelay $0x3  }
0x96: {  	_ =	strace s2  }
0x97: {  	_ =	strace $0x8FFFFFFF  }
0x98: {  	s18 =	sld [smem:$0x3FDB];
	_ =	sdelay $0x1  }
0x99: {  	s19 =	simm.s32 $_scs_section_size  }
0x9a: {  	s4 =	simm.s32 $_size__tile_overlayer_lowered;
	s5 =	simm.s32 $_tile_overlayer_lowered  }
0x9b: {  	s22 =	simm.s32 $0x1BFF;
	s21 =	sshll.u32 s5, $0x1;
	s2 =	sadd.s32 s19, s18  }
0x9c: {  	s6 =	simm.s32 $0x0;
	s20 =	sshll.u32 s4, $0x1;
	s4 =	sadd.s32 s21, s2  }
0x9d: {  	[timem:s6], [sflag:s22] =	dma.local [hbm:s4], s20  }
0x9e: {  	_ =	swait.ge [sflag:s22], s20  }
0x9f: {  	s3 =	ssub.s32 $0x0, s20;
	[sflag:s22] =	ssyncset.done $0x0  }
0xa0: {  	[sflag:s22] =	ssyncadd.s32 s3;
	_ =	sdelay $0x1  }
0xa1: {  	s23 =	simm.s32 $0x1B8B  }
0xa2: {  	_ =	swait.ge [sflag:s23], $0x1  }
0xa3: {  	[sflag:s23] =	ssyncset.done $0x0  }
0xa4: {  	s25 =	simm.s32 $0x1B8E;
	s24 =	sld [smem:$0x3FFE];
	[sflag:s23] =	ssyncadd.s32 $0xFFFFFFFF  }
0xa5: {  	s26 =	simm.s32 $execute0_lowered;
	[smem:$0x3FD2] =	sst s25  }
0xa6: {  	s4 =	sshll.u32 s26, $0x1;
	_ =	strace $0x8000004C;
	[dreg:$0x1] =	wrdreg $0xFFFFFFFF  }
0xa7: {  	s28 =	simm.s32 $_size_execute0_lowered;
	s2 =	sadd.s32 s2, s4;
	[dreg:$0x0] =	wrdreg $0x0  }
0xa8: {  	s4 =	sshll.u32 s28, $0x1;
	[dreg:$0x2] =	wrdreg s2  }
0xa9: {  	[dreg:$0x3] =	wrdreg s4  }
0xaa: {  	[dreg:$0x4] =	wrdreg $0xC0  }
0xab: {  	_ =	task [dreg:s6], $0x5FFFF  }
0xac: {  	[dreg:$0x1] =	wrdreg $0xFFFFFFFF  }
0xad: {  	[dreg:$0x0] =	wrdreg $0x60  }
0xae: {  	[dreg:$0x2] =	wrdreg s24  }
0xaf: {  	[dreg:$0x3] =	wrdreg $0x84000  }
0xb0: {  	[dreg:$0x4] =	wrdreg $0x9  }
0xb1: {  	_ =	task.clear_ibuf [dreg:s6], $0x5FFFF;
	_ =	strace $0x9000004C  }
0xb2: {  	s29 =	simm.s32 $0x9;
	_ =	strace $0x8000004E  }
0xb3: {  	_ =	swait.ge [sflag:s29], $0x1  }
0xb4: {  	[sflag:s29] =	ssyncadd.s32 $0xFFFFFFFF  }
0xb5: {  	_ =	strace $0x9000004E  }
0xb6: {  	_ =	sfence  }
0xb7: {  	s30 =	sld [smem:$0x0];
	_ =	sdelay $0x2  }
0xb8: {  	s31 =	sshll.u32 s1, $0xD;
	s1 =	sshrl.u32 s1, $0x2  }
0xb9: {  	s3 =	sand.u32 $0x4000, s31;
	s1 =	sadd.s32 s1, s30  }
0xba: {  	s0 =	sor.u32 s3, s0;
	s1 =	sshll.u32 s1, $0x11  }
0xbb: {  	s0 =	sor.u32 s1, s0  }
0xbc: {  	s0 =	sadd.s32 $0x8F2B, s0  }
0xbd: {  	[sflag:s0] =	ssyncadd.remote.s32 $0x1  }
0xbe: {  	_ =	sfence.sel $0xFFFF  }
0xbf: {  	[dreg:$0x0] =	wrdreg $0xFFFFFFFF;
	(pc) =	sbr.abs _section_cstart, $3  }
0xc0: {  	[dreg:$0x1] =	wrdreg $0xFFFFFFFF  }
0xc1: {  	_ =	task.clear_ibuf [dreg:s6], $0x2FFFF;
	_ =	strace $0x9FFFFFFF  }
0xc2: {  	(tm) =	ssettm $0x7FFFFFFF  }
0xc3: {  	_ =	shalt  }
tec
execute0_lowered:
.L_overlay_start_1:
0x0: {  	(tag) =	ssettag $0x1  }
0x1: {  	s13 =	rddreg [dreg:$0x0]  }
0x2: {  	s2 =	rddreg [dreg:$0x1]  }
0x3: {  	s0 =	rddreg [dreg:$0x2];
	s1 =	stileid.u32  }
0x4: {  	s4 =	srdreg.scid;
	s3 =	simm.s32 $0x0;
	s16 =	simm.s32 $0x114000  }
0x5: {  	s17 =	simm.s32 $0x1;
	s18 =	simm.s32 $0x80;
	s19 =	simm.s32 $0x400  }
0x6: {  	s20 =	simm.s32 $0x4400;
	s21 =	simm.s32 $0x2;
	s22 =	simm.s32 $0x3  }
0x7: {  	s23 =	simm.s32 $0x0;
	s6 =	smul.u32 $0x2800, s1;
	s10 =	sand.u32 $0x1, s4  }
0x8: {  	[smem:$0x7FF] =	sst s3;
	s4 =	sadd.s32 $0x19800, s13;
	s8 =	smul.u32 $0x50000, s1  }
0x9: {  	s5 =	sadd.s32 $0xF800, s13;
	s12 =	smul.u32 $0xA00, s1;
	s31 =	sshll.u32 s1, $0x6  }
0xa: {  	s7 =	smul.u32 $0x28000, s10;
	_ =	strace $0x8000004D;
	s30 =	ssub.s32 $0x2, s10  }
0xb: {  	p0 =	seq.s32 s10, $0x1;
	s9 =	sshrl.u32 s30, $0x1;
	s8 =	sshrl.u32 s8, $0x2  }
0xc: {  	s10 =	sor.u32 $0x20, s12;
	s16 =	simm.s32 @!p0 $0xC1A00;
	s7 =	sadd.s32 s6, s7  }
.Ltmp0:
0xd: {  	s6 =	sadd.s32 s6, s13;
	s14 =	ssub.s32 s30, s9;
	(pc) =	sbr.rel .LBB2_1-.Ltmp0, $4  }
0xe: {  	s15 =	sadd.s32 s8, s2;
	s8 =	sadd.s32 s4, s12;
	s9 =	sadd.s32 s5, s12  }
0xf: {  	s11 =	sadd.s32 s7, s13;
	s6 =	sadd.s32 $0x23800, s6;
	s7 =	sor.u32 $0x1C05, s31  }
0x10: {  	s12 =	smax.u32 s14, $0x1;
	s13 =	sadd.s32 s16, s13;
	s14 =	sshrl.u32 s15, $0x3  }
0x11: {  	s15 =	simm.s32 $0x5;
	s16 =	simm.s32 $0x200;
	s11 =	sadd.s32 $0x13B200, s11  }
.LBB2_6:
0x12: {  	_ =	swait.ge [sflag:s22], $0x4000  }
0x13: {  	[sflag:s22] =	ssyncset.done $0x0  }
0x14: {  	[sflag:s22] =	ssyncadd.s32 $0xFFFFC000  }
0x15: {  	_ =	swait.ge [sflag:s22], $0x4000  }
0x16: {  	s23 =	sadd.s32 $0x1, s23;
	[sflag:s22] =	ssyncset.done $0x0  }
0x17: {  	p0 =	sne.s32 s23, s12;
	[sflag:s22] =	ssyncadd.s32 $0xFFFFC000  }
.Ltmp1:
0x18: {  	[bflag:$0x0] =	sbarrier.arrive $0xFFFF;
	(pc) =	sbr.rel @!p0 .LBB2_7-.Ltmp1, $4  }
0x19: {  	[hbm:s11], [sflag:s7] =	dma.local [spmem:s14], $0x2800  }
0x1a: {  	_ =	swait.ge [sflag:s15], $0x2800  }
0x1b: {  	[sflag:s15] =	ssyncset.done $0x0  }
0x1c: {  	[sflag:s15] =	ssyncadd.s32 $0xFFFFD800  }
.LBB2_1:
0x1d: {  	[spmem:s14], [sflag:s7] =	dma.local [hbm:s6], $0x2800  }
0x1e: {  	_ =	swait.ge [sflag:s15], $0x2800  }
0x1f: {  	[sflag:s15] =	ssyncset.done $0x0  }
0x20: {  	[sflag:s15] =	ssyncadd.s32 $0xFFFFD800  }
0x21: {  	[bflag:$0x0] =	sbarrier.arrive $0xFFFF  }
0x22: {  	[tilespmem:s3], [sflag:$0x5] =	stream.linear.gather [hbm4b:s8+s3], $0x100, $0x38;
	[tilespmem:$0x1C400] =	vst v63  }
0x23: {  	_ =	swait.ge [sflag:s15], $0x100  }
0x24: {  	[sflag:s15] =	ssyncset.done $0x0  }
.Ltmp2:
0x25: {  	[sflag:s15] =	ssyncadd.s32 $0xFFFFFF00;
	(pc) =	sbr.rel .LBB2_2-.Ltmp2, $4  }
0x26: {  	[tilespmem:s16], [sflag:$0x5] =	stream.linear.gather [hbm4b:s9+s3], $0x100, $0x38;
	[tilespmem:$0x1C400] =	vst v63  }
0x27: {  	_ =	swait.ge [sflag:s15], $0x100  }
0x28: {  	[sflag:s15] =	ssyncset.done $0x0  }
0x29: {  	s24 =	simm.s32 $0x0;
	[sflag:s15] =	ssyncadd.s32 $0xFFFFFF00  }
.LBB2_4:
0x2a: {  	s26 =	sshll.u32 s24, $0x5  }
0x2b: {  	s28 =	sshll.u32 s25, $0x8;
	s24 =	sadd.s32 @!p0 $0x1, s24;
	s26 =	sadd.s32 s26, s10  }
0x2c: {  	s29 =	sxor.u32 $0x100, s28;
	s28 =	sxor.u32 $0x300, s28;
	s30 =	sadd.s32 s4, s26  }
0x2d: {  	[tilespmem:s29], [sflag:$0x4] =	stream.linear.gather [hbm4b:s30+s3], $0x100, $0x38;
	[tilespmem:$0x1C400] =	vst v63  }
0x2e: {  	s24 =	simm.s32 @p0 $0x1;
	p0 =	por $0x0, $0x0;
	s26 =	sadd.s32 s5, s26  }
0x2f: {  	[tilespmem:s28], [sflag:$0x4] =	stream.linear.gather [hbm4b:s26+s3], $0x100, $0x38;
	[tilespmem:$0x1C400] =	vst v63  }
.LBB2_5:
0x30: {  	s25 =	sshll.u32 s25, $0x8  }
0x31: {  	[tilespmem:s19], [sflag:$0x1] =	stream.indirect.gather [hbm4b:s13+s18], $0x80, s25, s18, $0xb8;
	[tilespmem:$0x1C400] =	vst v63  }
0x32: {  	s26 =	sor.u32 $0x80, s25  }
0x33: {  	[tilespmem:s20], [sflag:$0x2] =	stream.indirect.gather [hbm4b:s13+s18], $0x80, s26, s18, $0xb8;
	[tilespmem:$0x1C400] =	vst v63  }
0x34: {  	_ =	swait.ge [sflag:s17], $0x4000  }
0x35: {  	[sflag:s17] =	ssyncset.done $0x0  }
0x36: {  	s31 =	sor.u32 $0x200, s25;
	[sflag:s17] =	ssyncadd.s32 $0xFFFFC000  }
0x37: {  	[spmem:s2] =	stream.indirect.scatter.add.f32 [tilespmem:s19], [sflag:$0x3], $0x80, s31, s18, $0xb8;
	[tilespmem:$0x1C400] =	vst v63  }
0x38: {  	_ =	swait.ge [sflag:s21], $0x4000  }
0x39: {  	[sflag:s21] =	ssyncset.done $0x0  }
0x3a: {  	s25 =	sor.u32 $0x280, s25;
	[sflag:s21] =	ssyncadd.s32 $0xFFFFC000  }
0x3b: {  	[spmem:s2] =	stream.indirect.scatter.add.f32 [tilespmem:s20], [sflag:$0x3], $0x80, s25, s18, $0xb8;
	[tilespmem:$0x1C400] =	vst v63  }
0x3c: {  	s25 =	simm.s32 @!p0 $0x4  }
0x3d: {  	p1 =	slt.u32 s24, $0x50;
	_ =	swait.ge @!p0 [sflag:s25], $0x100  }
.Ltmp3:
0x3e: {  	[sflag:s25] =	ssyncset.done @!p0 $0x0;
	(pc) =	sbr.rel @!p1 .LBB2_6-.Ltmp3, $4  }
0x3f: {  	[sflag:s25] =	ssyncadd.s32 @!p0 $0xFFFFFF00  }
0x40: {  	_ =	swait.ge @!p0 [sflag:s25], $0x100  }
0x41: {  	[sflag:s25] =	ssyncset.done @!p0 $0x0  }
0x42: {  	[sflag:s25] =	ssyncadd.s32 @!p0 $0xFFFFFF00  }
.LBB2_2:
0x43: {  	p0 =	seq.s32 s24, $0x0  }
0x44: {  	s26 =	simm.s32 @!p0 $0x3;
	p1 =	seq.s32 @!p0 s24, $0x4F  }
0x45: {  	_ =	swait.ge @!p0 [sflag:s26], $0x4000;
	p1 =	por p0, !p1  }
.Ltmp4:
0x46: {  	[sflag:s26] =	ssyncset.done @!p0 $0x0;
	(pc) =	sbr.rel @p1 .LBB2_4-.Ltmp4, $4  }
0x47: {  	[sflag:s26] =	ssyncadd.s32 @!p0 $0xFFFFC000  }
0x48: {  	_ =	swait.ge @!p0 [sflag:s26], $0x4000  }
0x49: {  	[sflag:s26] =	ssyncset.done @!p0 $0x0  }
0x4a: {  	s25 =	sand.u32 $0x1, s24;
	[sflag:s26] =	ssyncadd.s32 @!p0 $0xFFFFC000  }
.Ltmp5:
0x4b: {  	(pc) =	sbr.rel .LBB2_5-.Ltmp5, $2  }
0x4c: {  	_ =	sdelay $0x2  }
0x4d: {  	s24 =	simm.s32 @!p0 $0x50;
	p0 =	por @!p0 $0x1, $0x1  }
.LBB2_7:
0x4e: {  	_ =	sfence.sel $0x180000  }
0x4f: {  	[bflag:$0x0] =	sbarrier.arrive $0xFFFF  }
0x50: {  	p0 =	sne.s32 s1, $0x0;
	_ =	strace $0x9000004D  }
0x51: {  	s0 =	sadd.s32 @!p0 $0x100000, s0;
	[bflag:$0x2] =	sbarrier.arrive $0xFFFF  }
0x52: {  	[sflag:s0] =	ssyncadd.tile.s32 @!p0 $0x1;
	_ =	shalt  }
.Lfunc_end2:
_tile_overlayer_lowered:
.L_overlay_start_2:
0x53: {  	(tag) =	ssettag $0x2  }
0x54: {  	s0 =	rddreg [dreg:$0x0];
	s2 =	stileid.u32  }
0x55: {  	s1 =	rddreg [dreg:$0x1];
	p0 =	sne.s32 s2, $0x0  }
0x56: {  	s3 =	rddreg [dreg:$0x2];
	[bflag:$0x3] =	sbarrier.arrive $0xFFFF;
	s2 =	simm.s32 @!p0 $0x1C05  }
0x57: {  	[timem:s3], [sflag:s2] =	dma.local @!p0 [hbm:s0], s1  }
0x58: {  	s0 =	simm.s32 @!p0 $0x5  }
0x59: {  	_ =	swait.ge @!p0 [sflag:s0], s1  }
0x5a: {  	s1 =	ssub.s32 @!p0 $0x0, s1;
	[sflag:s0] =	ssyncset.done @!p0 $0x0  }
0x5b: {  	[sflag:s0] =	ssyncadd.s32 @!p0 s1  }
0x5c: {  	[bflag:$0x3] =	sbarrier.arrive $0xFFFF  }
0x5d: {  	_ =	shalt  }

// kernel: kernel.19.cloned.1.call-start
scs
__scs_entry_jumppad:
0x0: {  	(pc) =	sbr.rel $0x88, $3  }
0x1: {  	(tag) =	ssettag $0x0;
	lr =	simm.s32 $0x1  }
0x2: {  	[smem:$0x3F93] =	sst lr;
	_ =	strace $0xD0000000  }
0x3: {  	_ = 	snop  }
0x4: {  	_ = 	snop  }
0x5: {  	_ = 	snop  }
0x6: {  	_ = 	snop  }
0x7: {  	_ = 	snop  }
__scs_overlays_trampoline_lowered:
0x8: {  	[smem:$0x3FA2] =	sst s0  }
0x9: {  	[smem:$0x3FA3] =	sst s1  }
0xa: {  	[smem:$0x3FA4] =	sst s2  }
0xb: {  	[smem:$0x3FA5] =	sst s3  }
0xc: {  	[smem:$0x3FA6] =	sst s4  }
0xd: {  	[smem:$0x3FA7] =	sst s5  }
0xe: {  	[smem:$0x3FA8] =	sst s6  }
0xf: {  	[smem:$0x3FA9] =	sst s7  }
0x10: {  	[smem:$0x3FAA] =	sst s8  }
0x11: {  	[smem:$0x3FAB] =	sst s9;
	s0 =	simm.s32 @!p0 $0x0  }
0x12: {  	s1 =	sld [smem:$0x3F91];
	s0 =	simm.s32 @p0 $0x1  }
0x13: {  	[smem:$0x3FAC] =	sst s0;
	s0 =	simm.s32 @!p1 $0x0  }
0x14: {  	s2 =	sld [smem:$0x3F90];
	s0 =	simm.s32 @p1 $0x1  }
0x15: {  	[smem:$0x3FAD] =	sst s0;
	s0 =	simm.s32 @!p2 $0x0  }
0x16: {  	s3 =	sld [smem:$0x3FDB];
	s0 =	simm.s32 @p2 $0x1  }
0x17: {  	s4 =	simm.s32 $0x1BF5;
	[smem:$0x3FAF] =	sst s0  }
0x18: {  	s0 =	sld [smem:$0x3F92];
	_ =	swait.ge [sflag:s4], $0x0  }
0x19: {  	s7 =	sld [smem:$0x3F93]  }
0x1a: {  	s8 =	sadd.s32 $0xFFFFE003, lr  }
0x1b: {  	s9 =	sadd.s32 $0xFFFFFEF7, lr;
	s5 =	simm.s32 $0xFFFFFFFF;
	p2 =	slt.u32 s8, $0xFFFFF086  }
0x1c: {  	p1 =	slt.u32 s9, $0xF7A;
	s5 =	simm.s32 @!p2 $0x0  }
0x1d: {  	s5 =	simm.s32 @p1 $0x1;
	p0 =	seq.s32 s7, s2  }
0x1e: {  	s7 =	smul.u32 @!p0 $0xF7A, s2;
	p2 =	seq.s32 @!p0 s5, $0x0  }
0x1f: {  	s9 =	smul.u32 $0xF7A, s1;
	s8 =	simm.s32 @!p0 $0x1BF5;
	p2 =	por !p2, p0  }
0x20: {  	[sflag:s8] =	ssyncset.s32 @!p0 $0xFFFFF086;
	s6 =	sadd.s32 @!p0 s3, s7;
	s7 =	simm.s32 @!p0 $0x108  }
0x21: {  	s3 =	sadd.s32 s3, s9;
	s6 =	sadd.s32 @!p0 $0x88, s6;
	s7 =	simm.s32 @p2 $0x1082  }
0x22: {  	[simem:s7], [sflag:s8] =	dma.local @!p0 [hbm:s6], $0xF7A  }
0x23: {  	s9 =	sor.u32 $0xD0000000, s2;
	s6 =	simm.s32 $0x108;
	_ =	swait.ge @!p0 [sflag:s8], $0x0  }
0x24: {  	s3 =	sadd.s32 $0x88, s3;
	s6 =	simm.s32 @!p1 $0x1082;
	[sflag:s4] =	ssyncset.s32 $0xFFFFF086  }
0x25: {  	[simem:s6], [sflag:s4] =	dma.local [hbm:s3], $0xF7A  }
0x26: {  	[smem:$0x3F93] =	sst s1;
	(tag) =	ssettag s2;
	_ =	strace s9  }
0x27: {  	s1 =	sld [smem:$0x3FA3]  }
0x28: {  	s2 =	sld [smem:$0x3FA4]  }
0x29: {  	s4 =	sld [smem:$0x3FA6]  }
0x2a: {  	p0 =	seq.s32 s5, $0x0;
	s5 =	sld [smem:$0x3FA7]  }
0x2b: {  	s6 =	sld [smem:$0x3FA8]  }
0x2c: {  	s7 =	sld [smem:$0x3FA9]  }
0x2d: {  	s3 =	simm.s32 $0x108;
	s8 =	sld [smem:$0x3FAA]  }
0x2e: {  	s3 =	simm.s32 @!p0 $0x1082;
	s9 =	sld [smem:$0x3FAB]  }
0x2f: {  	lr =	sadd.s32 s0, s3;
	s0 =	sld [smem:$0x3FA2]  }
0x30: {  	s3 =	sld [smem:$0x3FA5]  }
0x31: {  	[smem:$0x3FAE] =	sst s10  }
0x32: {  	s10 =	sld [smem:$0x3FAC];
	_ =	sdelay $0x3  }
0x33: {  	p0 =	seq.s32 s10, $0x1;
	s10 =	sld [smem:$0x3FAE];
	_ =	sdelay $0x3  }
0x34: {  	[smem:$0x3FAE] =	sst s10  }
0x35: {  	s10 =	sld [smem:$0x3FAD];
	_ =	sdelay $0x3  }
0x36: {  	p1 =	seq.s32 s10, $0x1;
	s10 =	sld [smem:$0x3FAE];
	_ =	sdelay $0x3  }
0x37: {  	[smem:$0x3FAE] =	sst s10  }
0x38: {  	s10 =	sld [smem:$0x3FAF]  }
0x39: {  	_ = 	snop;
	(pc) =	sbr.ind lr, $3  }
0x3a: {  	_ = 	snop  }
0x3b: {  	_ = 	snop  }
0x3c: {  	p2 =	seq.s32 s10, $0x1;
	s10 =	sld [smem:$0x3FAE]  }
0x3d: {  	_ =	shalt  }
0x3e: {  	_ =	shalt  }
0x3f: {  	_ =	shalt  }
0x40: {  	_ =	shalt  }
0x41: {  	_ =	shalt  }
0x42: {  	_ =	shalt  }
0x43: {  	_ =	shalt  }
0x44: {  	_ =	shalt  }
0x45: {  	_ =	shalt  }
0x46: {  	_ =	shalt  }
0x47: {  	_ =	shalt  }
0x48: {  	_ =	shalt  }
0x49: {  	_ =	shalt  }
0x4a: {  	_ =	shalt  }
0x4b: {  	_ =	shalt  }
0x4c: {  	_ =	shalt  }
0x4d: {  	_ =	shalt  }
0x4e: {  	_ =	shalt  }
0x4f: {  	_ =	shalt  }
0x50: {  	_ =	shalt  }
0x51: {  	_ =	shalt  }
0x52: {  	_ =	shalt  }
0x53: {  	_ =	shalt  }
0x54: {  	_ =	shalt  }
0x55: {  	_ =	shalt  }
0x56: {  	_ =	shalt  }
0x57: {  	_ =	shalt  }
0x58: {  	_ =	shalt  }
0x59: {  	_ =	shalt  }
0x5a: {  	_ =	shalt  }
0x5b: {  	_ =	shalt  }
0x5c: {  	_ =	shalt  }
0x5d: {  	_ =	shalt  }
0x5e: {  	_ =	shalt  }
0x5f: {  	_ =	shalt  }
0x60: {  	_ =	shalt  }
0x61: {  	_ =	shalt  }
0x62: {  	_ =	shalt  }
0x63: {  	_ =	shalt  }
0x64: {  	_ =	shalt  }
0x65: {  	_ =	shalt  }
0x66: {  	_ =	shalt  }
0x67: {  	_ =	shalt  }
0x68: {  	_ =	shalt  }
0x69: {  	_ =	shalt  }
0x6a: {  	_ =	shalt  }
0x6b: {  	_ =	shalt  }
0x6c: {  	_ =	shalt  }
0x6d: {  	_ =	shalt  }
0x6e: {  	_ =	shalt  }
0x6f: {  	_ =	shalt  }
0x70: {  	_ =	shalt  }
0x71: {  	_ =	shalt  }
0x72: {  	_ =	shalt  }
0x73: {  	_ =	shalt  }
0x74: {  	_ =	shalt  }
0x75: {  	_ =	shalt  }
0x76: {  	_ =	shalt  }
0x77: {  	_ =	shalt  }
0x78: {  	_ =	shalt  }
0x79: {  	_ =	shalt  }
0x7a: {  	_ =	shalt  }
0x7b: {  	_ =	shalt  }
0x7c: {  	_ =	shalt  }
0x7d: {  	_ =	shalt  }
0x7e: {  	_ =	shalt  }
0x7f: {  	_ =	shalt  }
0x80: {  	_ =	shalt  }
0x81: {  	_ =	shalt  }
0x82: {  	_ =	shalt  }
0x83: {  	_ =	shalt  }
0x84: {  	_ =	shalt  }
0x85: {  	_ =	shalt  }
0x86: {  	_ =	shalt  }
0x87: {  	_ =	shalt  }
.Lfunc_end0:
.L_simem_size_0:
called_computation.3_lowered:
.L_overlay_start_0:
0x88: {  	s2 =	sld [smem:$0x3FD9]  }
0x89: {  	s3 =	sld [smem:$0x3FFE];
	_ =	sdelay $0x1  }
0x8a: {  	s1 =	srdreg.scid  }
0x8b: {  	s0 =	sand.u32 $0x1, s1  }
0x8c: {  	s16 =	sshll.u32 s0, $0xA;
	s2 =	sadd.s32 s3, s2  }
0x8d: {  	s2 =	sadd.s32 s2, s16  }
0x8e: {  	[smem:$0x3FBA] =	sst s2  }
0x8f: {  	_ = 	snop  }
0x90: {  	(tm) =	ssettm $0x1  }
0x91: {  	s17 =	sld [smem:$0x3FFB];
	_ =	sdelay $0x3  }
0x92: {  	_ =	strace s17  }
0x93: {  	s2 =	sld [smem:$0x3FFC];
	_ =	sdelay $0x3  }
0x94: {  	_ =	strace s2  }
0x95: {  	s2 =	sld [smem:$0x3FFD];
	_ =	sdelay $0x3  }
0x96: {  	_ =	strace s2  }
0x97: {  	_ =	strace $0x8FFFFFFF  }
0x98: {  	s18 =	sld [smem:$0x3FDB];
	_ =	sdelay $0x1  }
0x99: {  	s19 =	simm.s32 $_scs_section_size  }
0x9a: {  	s4 =	simm.s32 $_size__tile_overlayer_lowered;
	s5 =	simm.s32 $_tile_overlayer_lowered  }
0x9b: {  	s22 =	simm.s32 $0x1BFF;
	s21 =	sshll.u32 s5, $0x1;
	s2 =	sadd.s32 s19, s18  }
0x9c: {  	s6 =	simm.s32 $0x0;
	s20 =	sshll.u32 s4, $0x1;
	s4 =	sadd.s32 s21, s2  }
0x9d: {  	[timem:s6], [sflag:s22] =	dma.local [hbm:s4], s20  }
0x9e: {  	_ =	swait.ge [sflag:s22], s20  }
0x9f: {  	s3 =	ssub.s32 $0x0, s20;
	[sflag:s22] =	ssyncset.done $0x0  }
0xa0: {  	[sflag:s22] =	ssyncadd.s32 s3;
	_ =	sdelay $0x1  }
0xa1: {  	s23 =	simm.s32 $0x1B8B  }
0xa2: {  	_ =	swait.ge [sflag:s23], $0x1  }
0xa3: {  	[sflag:s23] =	ssyncset.done $0x0  }
0xa4: {  	s25 =	simm.s32 $0x1B8E;
	s24 =	sld [smem:$0x3FFE];
	[sflag:s23] =	ssyncadd.s32 $0xFFFFFFFF  }
0xa5: {  	s26 =	simm.s32 $execute0_lowered;
	[smem:$0x3FD2] =	sst s25  }
0xa6: {  	s4 =	sshll.u32 s26, $0x1;
	_ =	strace $0x8000004F;
	[dreg:$0x1] =	wrdreg $0xFFFFFFFF  }
0xa7: {  	s28 =	simm.s32 $_size_execute0_lowered;
	s2 =	sadd.s32 s2, s4;
	[dreg:$0x0] =	wrdreg $0x0  }
0xa8: {  	s4 =	sshll.u32 s28, $0x1;
	[dreg:$0x2] =	wrdreg s2  }
0xa9: {  	[dreg:$0x3] =	wrdreg s4  }
0xaa: {  	[dreg:$0x4] =	wrdreg $0xC0  }
0xab: {  	_ =	task [dreg:s6], $0x5FFFF  }
0xac: {  	[dreg:$0x1] =	wrdreg $0xFFFFFFFF  }
0xad: {  	[dreg:$0x0] =	wrdreg $0x60  }
0xae: {  	[dreg:$0x2] =	wrdreg s24  }
0xaf: {  	[dreg:$0x3] =	wrdreg $0x84000  }
0xb0: {  	[dreg:$0x4] =	wrdreg $0x9  }
0xb1: {  	_ =	task.clear_ibuf [dreg:s6], $0x5FFFF;
	_ =	strace $0x9000004F  }
0xb2: {  	s29 =	simm.s32 $0x9;
	_ =	strace $0x80000051  }
0xb3: {  	_ =	swait.ge [sflag:s29], $0x1  }
0xb4: {  	[sflag:s29] =	ssyncadd.s32 $0xFFFFFFFF  }
0xb5: {  	_ =	strace $0x90000051  }
0xb6: {  	_ =	sfence  }
0xb7: {  	s30 =	sld [smem:$0x0];
	_ =	sdelay $0x2  }
0xb8: {  	s31 =	sshll.u32 s1, $0xD;
	s1 =	sshrl.u32 s1, $0x2  }
0xb9: {  	s3 =	sand.u32 $0x4000, s31;
	s1 =	sadd.s32 s1, s30  }
0xba: {  	s0 =	sor.u32 s3, s0;
	s1 =	sshll.u32 s1, $0x11  }
0xbb: {  	s0 =	sor.u32 s1, s0  }
0xbc: {  	s0 =	sadd.s32 $0x8F2B, s0  }
0xbd: {  	[sflag:s0] =	ssyncadd.remote.s32 $0x1  }
0xbe: {  	_ =	sfence.sel $0xFFFF  }
0xbf: {  	[dreg:$0x0] =	wrdreg $0xFFFFFFFF;
	(pc) =	sbr.abs _section_cstart, $3  }
0xc0: {  	[dreg:$0x1] =	wrdreg $0xFFFFFFFF  }
0xc1: {  	_ =	task.clear_ibuf [dreg:s6], $0x2FFFF;
	_ =	strace $0x9FFFFFFF  }
0xc2: {  	(tm) =	ssettm $0x7FFFFFFF  }
0xc3: {  	_ =	shalt  }
tec
execute0_lowered:
.L_overlay_start_1:
0x0: {  	(tag) =	ssettag $0x1  }
0x1: {  	s13 =	rddreg [dreg:$0x0]  }
0x2: {  	s2 =	rddreg [dreg:$0x1]  }
0x3: {  	s0 =	rddreg [dreg:$0x2];
	s1 =	stileid.u32  }
0x4: {  	s4 =	srdreg.scid;
	s3 =	simm.s32 $0x0;
	s16 =	simm.s32 $0x114000  }
0x5: {  	s17 =	simm.s32 $0x1;
	s18 =	simm.s32 $0x80;
	s19 =	simm.s32 $0x400  }
0x6: {  	s20 =	simm.s32 $0x4400;
	s21 =	simm.s32 $0x2;
	s22 =	simm.s32 $0x3  }
0x7: {  	s23 =	simm.s32 $0x0;
	s6 =	smul.u32 $0x2800, s1;
	s10 =	sand.u32 $0x1, s4  }
0x8: {  	[smem:$0x7FF] =	sst s3;
	s4 =	sadd.s32 $0x19800, s13;
	s8 =	smul.u32 $0x50000, s1  }
0x9: {  	s5 =	sadd.s32 $0xF800, s13;
	s12 =	smul.u32 $0xA00, s1;
	s31 =	sshll.u32 s1, $0x6  }
0xa: {  	s7 =	smul.u32 $0x28000, s10;
	_ =	strace $0x80000050;
	s30 =	ssub.s32 $0x2, s10  }
0xb: {  	p0 =	seq.s32 s10, $0x1;
	s9 =	sshrl.u32 s30, $0x1;
	s8 =	sshrl.u32 s8, $0x2  }
0xc: {  	s10 =	sor.u32 $0x20, s12;
	s16 =	simm.s32 @!p0 $0xC1A00;
	s7 =	sadd.s32 s6, s7  }
.Ltmp0:
0xd: {  	s6 =	sadd.s32 s6, s13;
	s14 =	ssub.s32 s30, s9;
	(pc) =	sbr.rel .LBB2_1-.Ltmp0, $4  }
0xe: {  	s15 =	sadd.s32 s8, s2;
	s8 =	sadd.s32 s4, s12;
	s9 =	sadd.s32 s5, s12  }
0xf: {  	s11 =	sadd.s32 s7, s13;
	s6 =	sadd.s32 $0x23800, s6;
	s7 =	sor.u32 $0x1C05, s31  }
0x10: {  	s12 =	smax.u32 s14, $0x1;
	s13 =	sadd.s32 s16, s13;
	s14 =	sshrl.u32 s15, $0x3  }
0x11: {  	s15 =	simm.s32 $0x5;
	s16 =	simm.s32 $0x200;
	s11 =	sadd.s32 $0x13B200, s11  }
.LBB2_6:
0x12: {  	_ =	swait.ge [sflag:s22], $0x4000  }
0x13: {  	[sflag:s22] =	ssyncset.done $0x0  }
0x14: {  	[sflag:s22] =	ssyncadd.s32 $0xFFFFC000  }
0x15: {  	_ =	swait.ge [sflag:s22], $0x4000  }
0x16: {  	s23 =	sadd.s32 $0x1, s23;
	[sflag:s22] =	ssyncset.done $0x0  }
0x17: {  	p0 =	sne.s32 s23, s12;
	[sflag:s22] =	ssyncadd.s32 $0xFFFFC000  }
.Ltmp1:
0x18: {  	[bflag:$0x0] =	sbarrier.arrive $0xFFFF;
	(pc) =	sbr.rel @!p0 .LBB2_7-.Ltmp1, $4  }
0x19: {  	[hbm:s11], [sflag:s7] =	dma.local [spmem:s14], $0x2800  }
0x1a: {  	_ =	swait.ge [sflag:s15], $0x2800  }
0x1b: {  	[sflag:s15] =	ssyncset.done $0x0  }
0x1c: {  	[sflag:s15] =	ssyncadd.s32 $0xFFFFD800  }
.LBB2_1:
0x1d: {  	[spmem:s14], [sflag:s7] =	dma.local [hbm:s6], $0x2800  }
0x1e: {  	_ =	swait.ge [sflag:s15], $0x2800  }
0x1f: {  	[sflag:s15] =	ssyncset.done $0x0  }
0x20: {  	[sflag:s15] =	ssyncadd.s32 $0xFFFFD800  }
0x21: {  	[bflag:$0x0] =	sbarrier.arrive $0xFFFF  }
0x22: {  	[tilespmem:s3], [sflag:$0x5] =	stream.linear.gather [hbm4b:s8+s3], $0x100, $0x38;
	[tilespmem:$0x1C400] =	vst v63  }
0x23: {  	_ =	swait.ge [sflag:s15], $0x100  }
0x24: {  	[sflag:s15] =	ssyncset.done $0x0  }
.Ltmp2:
0x25: {  	[sflag:s15] =	ssyncadd.s32 $0xFFFFFF00;
	(pc) =	sbr.rel .LBB2_2-.Ltmp2, $4  }
0x26: {  	[tilespmem:s16], [sflag:$0x5] =	stream.linear.gather [hbm4b:s9+s3], $0x100, $0x38;
	[tilespmem:$0x1C400] =	vst v63  }
0x27: {  	_ =	swait.ge [sflag:s15], $0x100  }
0x28: {  	[sflag:s15] =	ssyncset.done $0x0  }
0x29: {  	s24 =	simm.s32 $0x0;
	[sflag:s15] =	ssyncadd.s32 $0xFFFFFF00  }
.LBB2_4:
0x2a: {  	s26 =	sshll.u32 s24, $0x5  }
0x2b: {  	s28 =	sshll.u32 s25, $0x8;
	s24 =	sadd.s32 @!p0 $0x1, s24;
	s26 =	sadd.s32 s26, s10  }
0x2c: {  	s29 =	sxor.u32 $0x100, s28;
	s28 =	sxor.u32 $0x300, s28;
	s30 =	sadd.s32 s4, s26  }
0x2d: {  	[tilespmem:s29], [sflag:$0x4] =	stream.linear.gather [hbm4b:s30+s3], $0x100, $0x38;
	[tilespmem:$0x1C400] =	vst v63  }
0x2e: {  	s24 =	simm.s32 @p0 $0x1;
	p0 =	por $0x0, $0x0;
	s26 =	sadd.s32 s5, s26  }
0x2f: {  	[tilespmem:s28], [sflag:$0x4] =	stream.linear.gather [hbm4b:s26+s3], $0x100, $0x38;
	[tilespmem:$0x1C400] =	vst v63  }
.LBB2_5:
0x30: {  	s25 =	sshll.u32 s25, $0x8  }
0x31: {  	[tilespmem:s19], [sflag:$0x1] =	stream.indirect.gather [hbm4b:s13+s18], $0x80, s25, s18, $0xb8;
	[tilespmem:$0x1C400] =	vst v63  }
0x32: {  	s26 =	sor.u32 $0x80, s25  }
0x33: {  	[tilespmem:s20], [sflag:$0x2] =	stream.indirect.gather [hbm4b:s13+s18], $0x80, s26, s18, $0xb8;
	[tilespmem:$0x1C400] =	vst v63  }
0x34: {  	_ =	swait.ge [sflag:s17], $0x4000  }
0x35: {  	[sflag:s17] =	ssyncset.done $0x0  }
0x36: {  	s31 =	sor.u32 $0x200, s25;
	[sflag:s17] =	ssyncadd.s32 $0xFFFFC000  }
0x37: {  	[spmem:s2] =	stream.indirect.scatter.add.f32 [tilespmem:s19], [sflag:$0x3], $0x80, s31, s18, $0xb8;
	[tilespmem:$0x1C400] =	vst v63  }
0x38: {  	_ =	swait.ge [sflag:s21], $0x4000  }
0x39: {  	[sflag:s21] =	ssyncset.done $0x0  }
0x3a: {  	s25 =	sor.u32 $0x280, s25;
	[sflag:s21] =	ssyncadd.s32 $0xFFFFC000  }
0x3b: {  	[spmem:s2] =	stream.indirect.scatter.add.f32 [tilespmem:s20], [sflag:$0x3], $0x80, s25, s18, $0xb8;
	[tilespmem:$0x1C400] =	vst v63  }
0x3c: {  	s25 =	simm.s32 @!p0 $0x4  }
0x3d: {  	p1 =	slt.u32 s24, $0x50;
	_ =	swait.ge @!p0 [sflag:s25], $0x100  }
.Ltmp3:
0x3e: {  	[sflag:s25] =	ssyncset.done @!p0 $0x0;
	(pc) =	sbr.rel @!p1 .LBB2_6-.Ltmp3, $4  }
0x3f: {  	[sflag:s25] =	ssyncadd.s32 @!p0 $0xFFFFFF00  }
0x40: {  	_ =	swait.ge @!p0 [sflag:s25], $0x100  }
0x41: {  	[sflag:s25] =	ssyncset.done @!p0 $0x0  }
0x42: {  	[sflag:s25] =	ssyncadd.s32 @!p0 $0xFFFFFF00  }
.LBB2_2:
0x43: {  	p0 =	seq.s32 s24, $0x0  }
0x44: {  	s26 =	simm.s32 @!p0 $0x3;
	p1 =	seq.s32 @!p0 s24, $0x4F  }
0x45: {  	_ =	swait.ge @!p0 [sflag:s26], $0x4000;
	p1 =	por p0, !p1  }
.Ltmp4:
0x46: {  	[sflag:s26] =	ssyncset.done @!p0 $0x0;
	(pc) =	sbr.rel @p1 .LBB2_4-.Ltmp4, $4  }
0x47: {  	[sflag:s26] =	ssyncadd.s32 @!p0 $0xFFFFC000  }
0x48: {  	_ =	swait.ge @!p0 [sflag:s26], $0x4000  }
0x49: {  	[sflag:s26] =	ssyncset.done @!p0 $0x0  }
0x4a: {  	s25 =	sand.u32 $0x1, s24;
	[sflag:s26] =	ssyncadd.s32 @!p0 $0xFFFFC000  }
.Ltmp5:
0x4b: {  	(pc) =	sbr.rel .LBB2_5-.Ltmp5, $2  }
0x4c: {  	_ =	sdelay $0x2  }
0x4d: {  	s24 =	simm.s32 @!p0 $0x50;
	p0 =	por @!p0 $0x1, $0x1  }
.LBB2_7:
0x4e: {  	_ =	sfence.sel $0x180000  }
0x4f: {  	[bflag:$0x0] =	sbarrier.arrive $0xFFFF  }
0x50: {  	p0 =	sne.s32 s1, $0x0;
	_ =	strace $0x90000050  }
0x51: {  	s0 =	sadd.s32 @!p0 $0x100000, s0;
	[bflag:$0x2] =	sbarrier.arrive $0xFFFF  }
0x52: {  	[sflag:s0] =	ssyncadd.tile.s32 @!p0 $0x1;
	_ =	shalt  }
.Lfunc_end2:
_tile_overlayer_lowered:
.L_overlay_start_2:
0x53: {  	(tag) =	ssettag $0x2  }
0x54: {  	s0 =	rddreg [dreg:$0x0];
	s2 =	stileid.u32  }
0x55: {  	s1 =	rddreg [dreg:$0x1];
	p0 =	sne.s32 s2, $0x0  }
0x56: {  	s3 =	rddreg [dreg:$0x2];
	[bflag:$0x3] =	sbarrier.arrive $0xFFFF;
	s2 =	simm.s32 @!p0 $0x1C05  }
0x57: {  	[timem:s3], [sflag:s2] =	dma.local @!p0 [hbm:s0], s1  }
0x58: {  	s0 =	simm.s32 @!p0 $0x5  }
0x59: {  	_ =	swait.ge @!p0 [sflag:s0], s1  }
0x5a: {  	s1 =	ssub.s32 @!p0 $0x0, s1;
	[sflag:s0] =	ssyncset.done @!p0 $0x0  }
0x5b: {  	[sflag:s0] =	ssyncadd.s32 @!p0 s1  }
0x5c: {  	[bflag:$0x3] =	sbarrier.arrive $0xFFFF  }
0x5d: {  	_ =	shalt  }

</sc_bundles>
